<compile_context>
chip_gen: v7x
topology: tpu7x:2x2x1
jax: 0.10.2.dev20260603
libtpu: 0.0.44.dev20260713+nightly
codegen_flags: <defaults>
</compile_context>

<pallas_src>
import numpy as np
import jax
import jax.numpy as jnp
from jax import lax
from jax.experimental import pallas as pl
from jax.experimental.pallas import tpu as pltpu

_FEAT_STRIDE = 16
_NPRE = 3000
_NPOST = 300
_IOU_THR = 0.7
_MIN_SIZE = 16.0
_H = 50
_W = 50
_A = 9
_HW = _H * _W
_NANCH = _HW * _A
_NIMG = 2
_C = 512
_PAD = 3072
_B = 128
_NB = _PAD // _B


def _anchors_np():
    base_size = 16
    ratios = (0.5, 1.0, 2.0)
    scales = (8, 16, 32)
    ab = []
    for r in ratios:
        for s in scales:
            h = base_size * s * np.sqrt(r)
            w = base_size * s * np.sqrt(1.0 / r)
            ab.append([-w / 2.0, -h / 2.0, w / 2.0, h / 2.0])
    ab = np.asarray(ab, dtype=np.float32)
    shift_x = np.arange(0, _W * _FEAT_STRIDE, _FEAT_STRIDE, dtype=np.float32)
    shift_y = np.arange(0, _H * _FEAT_STRIDE, _FEAT_STRIDE, dtype=np.float32)
    sx, sy = np.meshgrid(shift_x, shift_y)
    shift = np.stack([sx.ravel(), sy.ravel(), sx.ravel(), sy.ravel()], axis=1)
    return (ab[None, :, :] + shift[:, None, :]).reshape(-1, 4).astype(np.float32)


_ANCHOR = _anchors_np()


def _anchor_consts():
    a = _ANCHOR.reshape(_HW, _A, 4)
    sw = a[:, :, 2] - a[:, :, 0]
    sh = a[:, :, 3] - a[:, :, 1]
    cx = a[:, :, 0] + np.float32(0.5) * sw
    cy = a[:, :, 1] + np.float32(0.5) * sh
    return (np.ascontiguousarray(cx.T), np.ascontiguousarray(cy.T),
            np.ascontiguousarray(sw.T), np.ascontiguousarray(sh.T))


_CXC, _CYC, _SWC, _SHC = _anchor_consts()


def _head_body(imwh_ref, x_ref, w_ref, b_ref, cx_ref, cy_ref, sw_ref, sh_ref,
               r_ref, x1_ref, y1_ref, x2_ref, y2_ref, sc_ref):
    X = x_ref[0]
    Wb = w_ref[...]
    R = lax.dot_general(Wb, X, (((1,), (0,)), ((), ())),
                        preferred_element_type=jnp.float32)
    R = R + b_ref[...]
    r_ref[0] = R
    dx = R[0:9]
    dy = R[16:25]
    dw = R[32:41]
    dh = R[48:57]
    s0 = R[64:73]
    s1 = R[80:89]
    cx = cx_ref[...]
    cy = cy_ref[...]
    sw = sw_ref[...]
    sh = sh_ref[...]
    ncx = dx * sw + cx
    ncy = dy * sh + cy
    nw = jnp.exp(dw) * sw
    nh = jnp.exp(dh) * sh
    rx1 = ncx - 0.5 * nw
    ry1 = ncy - 0.5 * nh
    rx2 = ncx + 0.5 * nw
    ry2 = ncy + 0.5 * nh
    img_w = imwh_ref[0]
    img_h = imwh_ref[1]
    x1 = jnp.minimum(jnp.maximum(rx1, 0.0), img_w)
    x2 = jnp.minimum(jnp.maximum(rx2, 0.0), img_w)
    y1 = jnp.minimum(jnp.maximum(ry1, 0.0), img_h)
    y2 = jnp.minimum(jnp.maximum(ry2, 0.0), img_h)
    valid = (x2 - x1 >= _MIN_SIZE) & (y2 - y1 >= _MIN_SIZE)
    m = jnp.maximum(s0, s1)
    e0 = jnp.exp(s0 - m)
    e1 = jnp.exp(s1 - m)
    fg = e1 / (e0 + e1)
    x1_ref[0] = x1
    y1_ref[0] = y1
    x2_ref[0] = x2
    y2_ref[0] = y2
    sc_ref[0] = jnp.where(valid, fg, -jnp.inf)


def _nms_body(xa1_ref, ya1_ref, xa2_ref, ya2_ref,
              bx1_ref, by1_ref, bx2_ref, by2_ref, k0_ref, ko_ref):
    xa1 = xa1_ref[0]
    ya1 = ya1_ref[0]
    xa2 = xa2_ref[0]
    ya2 = ya2_ref[0]
    areas = (xa2 - xa1) * (ya2 - ya1)
    si = lax.broadcasted_iota(jnp.int32, (_B, _B), 0)
    sj = lax.broadcasted_iota(jnp.int32, (_B, _B), 1)
    keep = k0_ref[0]
    for kb in range(_NB):
        base = kb * _B
        width = _PAD - base
        bx1 = bx1_ref[0, kb]
        by1 = by1_ref[0, kb]
        bx2 = bx2_ref[0, kb]
        by2 = by2_ref[0, kb]
        areab = (bx2 - bx1) * (by2 - by1)
        xx1 = jnp.maximum(bx1, xa1[:, base:])
        yy1 = jnp.maximum(by1, ya1[:, base:])
        xx2 = jnp.minimum(bx2, xa2[:, base:])
        yy2 = jnp.minimum(by2, ya2[:, base:])
        inter = jnp.maximum(xx2 - xx1, 0.0) * jnp.maximum(yy2 - yy1, 0.0)
        iou = inter / (areab + areas[:, base:] - inter + 1e-9)
        suppf = (iou > _IOU_THR).astype(jnp.float32)
        mkk = jnp.where(sj > si, suppf[:, :_B], 0.0)
        kv0 = keep[:, base:base + _B]

        def cond(st):
            return jnp.max(st[0]) > 0.5

        def body(st):
            cand, kept = st
            press = lax.dot_general(cand, mkk, (((1,), (0,)), ((), ())),
                                    preferred_element_type=jnp.float32)
            safe = cand * (press < 0.5).astype(jnp.float32)
            kept = kept + safe
            supp = lax.dot_general(safe, mkk, (((1,), (0,)), ((), ())),
                                   preferred_element_type=jnp.float32)
            cand = cand * (1.0 - safe) * (supp < 0.5).astype(jnp.float32)
            return cand, kept

        _, kv = lax.while_loop(cond, body, (kv0, jnp.zeros_like(kv0)))
        if kb == _NB - 1:
            keep = jnp.concatenate([keep[:, :base], kv], axis=1)
        else:
            cnt = lax.dot_general(kv, suppf, (((1,), (0,)), ((), ())),
                                  preferred_element_type=jnp.float32)
            tail = jnp.where(cnt[:, _B:] > 0.5, 0.0, keep[:, base + _B:])
            if kb == 0:
                keep = jnp.concatenate([kv, tail], axis=1)
            else:
                keep = jnp.concatenate([keep[:, :base], kv, tail], axis=1)
    ko_ref[0] = keep


def _run_head(x, imwh, Wb, bb, cxc, cyc, swc, shc):
    outs = pl.pallas_call(
        _head_body,
        grid=(_NIMG,),
        in_specs=[
            pl.BlockSpec(memory_space=pltpu.SMEM),
            pl.BlockSpec((1, _C, _HW), lambda i: (i, 0, 0)),
            pl.BlockSpec((96, _C), lambda i: (0, 0)),
            pl.BlockSpec((96, 1), lambda i: (0, 0)),
            pl.BlockSpec((_A, _HW), lambda i: (0, 0)),
            pl.BlockSpec((_A, _HW), lambda i: (0, 0)),
            pl.BlockSpec((_A, _HW), lambda i: (0, 0)),
            pl.BlockSpec((_A, _HW), lambda i: (0, 0)),
        ],
        out_specs=[
            pl.BlockSpec((1, 96, _HW), lambda i: (i, 0, 0)),
            pl.BlockSpec((1, _A, _HW), lambda i: (i, 0, 0)),
            pl.BlockSpec((1, _A, _HW), lambda i: (i, 0, 0)),
            pl.BlockSpec((1, _A, _HW), lambda i: (i, 0, 0)),
            pl.BlockSpec((1, _A, _HW), lambda i: (i, 0, 0)),
            pl.BlockSpec((1, _A, _HW), lambda i: (i, 0, 0)),
        ],
        out_shape=[
            jax.ShapeDtypeStruct((_NIMG, 96, _HW), jnp.float32),
            jax.ShapeDtypeStruct((_NIMG, _A, _HW), jnp.float32),
            jax.ShapeDtypeStruct((_NIMG, _A, _HW), jnp.float32),
            jax.ShapeDtypeStruct((_NIMG, _A, _HW), jnp.float32),
            jax.ShapeDtypeStruct((_NIMG, _A, _HW), jnp.float32),
            jax.ShapeDtypeStruct((_NIMG, _A, _HW), jnp.float32),
        ],
        interpret=False,
    )(imwh, x, Wb, bb, cxc, cyc, swc, shc)
    return outs


def _run_nms(roi_p, keep0):
    xs = [roi_p[:, :, c] for c in range(4)]
    lane = [v.reshape(_NIMG, 1, _PAD) for v in xs]
    subl = [v.reshape(_NIMG, _NB, _B, 1) for v in xs]
    spec_lane = pl.BlockSpec((1, 1, _PAD), lambda i: (i, 0, 0))
    spec_subl = pl.BlockSpec((1, _NB, _B, 1), lambda i: (i, 0, 0, 0))
    keep = pl.pallas_call(
        _nms_body,
        grid=(_NIMG,),
        in_specs=[spec_lane] * 4 + [spec_subl] * 4 + [spec_lane],
        out_specs=spec_lane,
        out_shape=jax.ShapeDtypeStruct((_NIMG, 1, _PAD), jnp.float32),
        interpret=False,
    )(*lane, *subl, keep0.reshape(_NIMG, 1, _PAD))
    return keep.reshape(_NIMG, _PAD)


def kernel(x, img_size, W_loc, b_loc, W_score, b_score):
    n, c, h, w = x.shape
    xr = x.reshape(n, c, h * w)

    zw = jnp.zeros((7, c), jnp.float32)
    zb = jnp.zeros((7,), jnp.float32)
    Wb = jnp.concatenate([
        W_loc[0::4], zw, W_loc[1::4], zw, W_loc[2::4], zw, W_loc[3::4], zw,
        W_score[0::2], zw, W_score[1::2], zw], axis=0)
    bb = jnp.concatenate([
        b_loc[0::4], zb, b_loc[1::4], zb, b_loc[2::4], zb, b_loc[3::4], zb,
        b_score[0::2], zb, b_score[1::2], zb], axis=0).reshape(96, 1)

    imwh = jnp.stack([img_size[1].astype(jnp.float32),
                      img_size[2].astype(jnp.float32)])

    R, x1o, y1o, x2o, y2o, sco = _run_head(
        xr, imwh, Wb, bb,
        jnp.asarray(_CXC), jnp.asarray(_CYC), jnp.asarray(_SWC), jnp.asarray(_SHC))

    loc_parts = jnp.stack([R[:, 0:9], R[:, 16:25], R[:, 32:41], R[:, 48:57]], 0)
    rpn_locs = loc_parts.transpose(1, 3, 2, 0).reshape(n, _NANCH, 4)
    sc_parts = jnp.stack([R[:, 64:73], R[:, 80:89]], 0)
    rpn_scores = sc_parts.transpose(1, 3, 2, 0).reshape(n, _NANCH, 2)

    boxes = jnp.stack([x1o, y1o, x2o, y2o], 0).transpose(1, 3, 2, 0)
    boxes = boxes.reshape(n, _NANCH, 4)
    score = sco.transpose(0, 2, 1).reshape(n, _NANCH)

    score_s, order = lax.top_k(score, _NPRE)
    roi_s = jnp.take_along_axis(boxes, order[:, :, None], axis=1)
    valid_s = jnp.isfinite(score_s)

    roi_p = jnp.pad(roi_s, ((0, 0), (0, _PAD - _NPRE), (0, 0)))
    keep0 = jnp.pad(valid_s.astype(jnp.float32), ((0, 0), (0, _PAD - _NPRE)))

    keepf = _run_nms(roi_p, keep0)
    keep = keepf[:, :_NPRE] > 0.5

    num_keep = jnp.sum(keep.astype(jnp.int32), axis=1)
    idx = jnp.arange(_NPRE, dtype=jnp.float32)[None, :]
    keys = jnp.where(keep, -idx, -(idx + float(2 * _NPRE)))
    _, ranks = lax.top_k(keys, _NPOST)
    ar = jnp.arange(_NPOST)
    sel = jnp.where(ar[None, :] < num_keep[:, None],
                    ranks, ar[None, :] - num_keep[:, None])
    rois = jnp.take_along_axis(roi_s, sel[:, :, None], axis=1)

    anchor = jnp.asarray(_ANCHOR)[None, :, :]
    return (rpn_locs, rpn_scores, rois, anchor)

# --- scband reference (transcript-rebuilt; emitter-appended) ---
"""Pipeline reference for scband-region-proposal-network-17686675325261 (READ-ONLY COPY).

The authoritative reference and input builder live on the scoring server;
editing this copy changes nothing except your own understanding.
"""

import jax
import jax.numpy as jnp
import numpy as np
from jax import lax

FEAT_STRIDE = 16
N_PRE_NMS = 3000
N_POST_NMS = 300
NMS_IOU = 0.7
MIN_SIZE = 16.0


def generate_anchor_base(base_size=16, ratios=(0.5, 1.0, 2.0), anchor_scales=(8, 16, 32)):
    ab = []
    for r in ratios:
        for s in anchor_scales:
            h = base_size * s * np.sqrt(r)
            w = base_size * s * np.sqrt(1.0 / r)
            ab.append([-w / 2.0, -h / 2.0, w / 2.0, h / 2.0])
    return np.asarray(ab, dtype=np.float32)


def enumerate_shifted_anchor(anchor_base, feat_stride, h, w):
    shift_x = np.arange(0, w * feat_stride, feat_stride, dtype=np.float32)
    shift_y = np.arange(0, h * feat_stride, feat_stride, dtype=np.float32)
    sx, sy = np.meshgrid(shift_x, shift_y)
    shift = np.stack([sx.ravel(), sy.ravel(), sx.ravel(), sy.ravel()], axis=1)
    anchor = anchor_base[None, :, :] + shift[:, None, :]
    return anchor.reshape(-1, 4).astype(np.float32)


def loc2bbox(src, loc):
    sw = src[:, 2] - src[:, 0]
    sh = src[:, 3] - src[:, 1]
    cx = src[:, 0] + 0.5 * sw
    cy = src[:, 1] + 0.5 * sh
    dx, dy, dw, dh = loc[:, 0], loc[:, 1], loc[:, 2], loc[:, 3]
    ncx = dx * sw + cx
    ncy = dy * sh + cy
    nw = jnp.exp(dw) * sw
    nh = jnp.exp(dh) * sh
    return jnp.stack([ncx - 0.5 * nw, ncy - 0.5 * nh, ncx + 0.5 * nw, ncy + 0.5 * nh], axis=1)


def nms_keep_mask(boxes, init_keep, thr):
    n = boxes.shape[0]
    x1, y1, x2, y2 = boxes[:, 0], boxes[:, 1], boxes[:, 2], boxes[:, 3]
    areas = (x2 - x1) * (y2 - y1)
    idxs = jnp.arange(n)

    def body(i, keep):
        xx1 = jnp.maximum(x1[i], x1)
        yy1 = jnp.maximum(y1[i], y1)
        xx2 = jnp.minimum(x2[i], x2)
        yy2 = jnp.minimum(y2[i], y2)
        inter = jnp.maximum(xx2 - xx1, 0.0) * jnp.maximum(yy2 - yy1, 0.0)
        iou = inter / (areas[i] + areas - inter + 1e-9)
        suppress = (iou > thr) & (idxs > i) & keep[i]
        return keep & (~suppress)

    return lax.fori_loop(0, n, body, init_keep)


def proposal_single(loc, score, anchor, img_w, img_h, scale=1.0):
    min_size = MIN_SIZE * scale
    roi = loc2bbox(anchor, loc)
    x1 = jnp.clip(roi[:, 0], 0.0, img_w)
    x2 = jnp.clip(roi[:, 2], 0.0, img_w)
    y1 = jnp.clip(roi[:, 1], 0.0, img_h)
    y2 = jnp.clip(roi[:, 3], 0.0, img_h)
    roi = jnp.stack([x1, y1, x2, y2], axis=1)
    valid = (x2 - x1 >= min_size) & (y2 - y1 >= min_size)
    score = jnp.where(valid, score, -jnp.inf)
    order = jnp.argsort(-score)[:N_PRE_NMS]
    roi_s = roi[order]
    valid_s = jnp.isfinite(score[order])
    keep = nms_keep_mask(lax.stop_gradient(roi_s), valid_s, NMS_IOU)
    num_keep = jnp.sum(keep.astype(jnp.int32))
    ranks = jnp.argsort((~keep).astype(jnp.int32))
    ar = jnp.arange(N_POST_NMS)
    sel = lax.stop_gradient(jnp.where(ar < num_keep, ranks[:N_POST_NMS], ar - num_keep))
    return roi_s[sel]


def setup_inputs(seed: int = 0) -> dict:
    key = jax.random.key(seed)
    k1, k2, k3 = jax.random.split(key, 3)
    x = jax.random.normal(k1, (2, 512, 50, 50), dtype=jnp.float32)
    img_size = jnp.array([3, 800, 800], dtype=jnp.int32)
    W_loc = jax.random.normal(k2, (36, 512), dtype=jnp.float32) * 0.01
    b_loc = jnp.zeros((36,), dtype=jnp.float32)
    W_score = jax.random.normal(k3, (18, 512), dtype=jnp.float32) * 0.01
    b_score = jnp.zeros((18,), dtype=jnp.float32)
    return {"x": x, "img_size": img_size, "W_loc": W_loc, "b_loc": b_loc, "W_score": W_score, "b_score": b_score}


def reference(x, img_size, W_loc, b_loc, W_score, b_score):
    n, c, h, w = x.shape
    rpn_locs = jnp.transpose(jnp.einsum('nchw,oc->nohw', x, W_loc) + b_loc[None, :, None, None], (0, 2, 3, 1)).reshape(n, -1, 4)
    rpn_scores = jnp.transpose(jnp.einsum('nchw,oc->nohw', x, W_score) + b_score[None, :, None, None], (0, 2, 3, 1)).reshape(n, -1, 2)
    fg = jax.nn.softmax(rpn_scores, axis=-1)[:, :, 1]
    anchor = jnp.asarray(enumerate_shifted_anchor(generate_anchor_base(), FEAT_STRIDE, h, w))
    img_w = img_size[1].astype(jnp.float32)
    img_h = img_size[2].astype(jnp.float32)
    rois = jnp.stack([proposal_single(rpn_locs[i], fg[i], anchor, img_w, img_h) for i in range(n)], axis=0)
    return (rpn_locs, rpn_scores, rois, anchor[None, :, :])

if __name__ == "__main__":
    import jax
    _d = setup_inputs()
    print(jax.jit(kernel)(*tuple(_d.values())))

</pallas_src>

<mosaic_0001>
module attributes {stable_mosaic.version = 14 : i64} {
  func.func @_head_body(%arg0: i32, %arg1: memref<2xf32, #tpu.memory_space<smem>>, %arg2: memref<1x512x2500xf32, #tpu.memory_space<vmem>>, %arg3: memref<96x512xf32, #tpu.memory_space<vmem>>, %arg4: memref<96x1xf32, #tpu.memory_space<vmem>>, %arg5: memref<9x2500xf32, #tpu.memory_space<vmem>>, %arg6: memref<9x2500xf32, #tpu.memory_space<vmem>>, %arg7: memref<9x2500xf32, #tpu.memory_space<vmem>>, %arg8: memref<9x2500xf32, #tpu.memory_space<vmem>>, %arg9: memref<1x96x2500xf32, #tpu.memory_space<vmem>>, %arg10: memref<1x9x2500xf32, #tpu.memory_space<vmem>>, %arg11: memref<1x9x2500xf32, #tpu.memory_space<vmem>>, %arg12: memref<1x9x2500xf32, #tpu.memory_space<vmem>>, %arg13: memref<1x9x2500xf32, #tpu.memory_space<vmem>>, %arg14: memref<1x9x2500xf32, #tpu.memory_space<vmem>>) attributes {dimension_semantics = [#tpu.dimension_semantics<arbitrary>], iteration_bounds = array<i64: 2>, scalar_prefetch = 0 : i64, scratch_operands = 0 : i64, tpu.core_type = #tpu.core_type<tc>, window_params = [{transform_indices = @transform_0, window_bounds = array<i64: 2>}, {transform_indices = @transform_1, window_bounds = array<i64: 1, 512, 2500>}, {pipeline_mode = #tpu.pipeline_mode<synchronous>, transform_indices = @transform_2, window_bounds = array<i64: 96, 512>}, {pipeline_mode = #tpu.pipeline_mode<synchronous>, transform_indices = @transform_3, window_bounds = array<i64: 96, 1>}, {pipeline_mode = #tpu.pipeline_mode<synchronous>, transform_indices = @transform_4, window_bounds = array<i64: 9, 2500>}, {pipeline_mode = #tpu.pipeline_mode<synchronous>, transform_indices = @transform_5, window_bounds = array<i64: 9, 2500>}, {pipeline_mode = #tpu.pipeline_mode<synchronous>, transform_indices = @transform_6, window_bounds = array<i64: 9, 2500>}, {pipeline_mode = #tpu.pipeline_mode<synchronous>, transform_indices = @transform_7, window_bounds = array<i64: 9, 2500>}, {transform_indices = @transform_8, window_bounds = array<i64: 1, 96, 2500>}, {transform_indices = @transform_9, window_bounds = array<i64: 1, 9, 2500>}, {transform_indices = @transform_10, window_bounds = array<i64: 1, 9, 2500>}, {transform_indices = @transform_11, window_bounds = array<i64: 1, 9, 2500>}, {transform_indices = @transform_12, window_bounds = array<i64: 1, 9, 2500>}, {transform_indices = @transform_13, window_bounds = array<i64: 1, 9, 2500>}]} {
    %get3A = arith.constant 0 : index
    %get3A_0 = arith.constant 0 : index
    %get3A_1 = arith.constant 0 : index
    %get3A_2 = vector.load %arg2[%get3A, %get3A_0, %get3A_1] : memref<1x512x2500xf32, #tpu.memory_space<vmem>>, vector<1x512x2500xf32>
    %get3A_3 = vector.shape_cast %get3A_2 : vector<1x512x2500xf32> to vector<512x2500xf32>
    %get3A_4 = arith.constant 0 : index
    %get3A_5 = arith.constant 0 : index
    %get3A_6 = vector.load %arg3[%get3A_4, %get3A_5] : memref<96x512xf32, #tpu.memory_space<vmem>>, vector<96x512xf32>
    %dot_general3A = arith.constant dense<0.000000e+00> : vector<96x2500xf32>
    %dot_general3A_7 = tpu.matmul %get3A_6, %get3A_3, %dot_general3A {dimension_numbers = #tpu.dot_dimension_numbers<[1], [0], [0], [1], [0, 0, 1, 1], [], []>, transpose_lhs_hint = false} : vector<96x512xf32>, vector<512x2500xf32>, vector<96x2500xf32> -> vector<96x2500xf32>
    %get3A_8 = arith.constant 0 : index
    %get3A_9 = arith.constant 0 : index
    %get3A_10 = vector.load %arg4[%get3A_8, %get3A_9] : memref<96x1xf32, #tpu.memory_space<vmem>>, vector<96x1xf32>
    %add3A = vector.broadcast %get3A_10 : vector<96x1xf32> to vector<96x2500xf32>
    %add3A_11 = arith.addf %dot_general3A_7, %add3A : vector<96x2500xf32>
    %swap3A = arith.constant 0 : index
    %swap3A_12 = arith.constant 0 : index
    %swap3A_13 = arith.constant 0 : index
    %swap3A_14 = vector.load %arg9[%swap3A, %swap3A_12, %swap3A_13] : memref<1x96x2500xf32, #tpu.memory_space<vmem>>, vector<1x96x2500xf32>
    %swap3A_15 = vector.shape_cast %swap3A_14 : vector<1x96x2500xf32> to vector<96x2500xf32>
    %swap3A_16 = vector.shape_cast %add3A_11 : vector<96x2500xf32> to vector<1x96x2500xf32>
    tpu.vector_store %arg9[%swap3A, %swap3A_12, %swap3A_13], %swap3A_16 {strides = array<i32>} : memref<1x96x2500xf32, #tpu.memory_space<vmem>>, vector<1x96x2500xf32>,
    %slice3A = vector.extract_strided_slice %add3A_11 {offsets = [0, 0], sizes = [9, 2500], strides = [1, 1]} : vector<96x2500xf32> to vector<9x2500xf32>
    %slice3A_17 = vector.extract_strided_slice %add3A_11 {offsets = [16, 0], sizes = [9, 2500], strides = [1, 1]} : vector<96x2500xf32> to vector<9x2500xf32>
    %slice3A_18 = vector.extract_strided_slice %add3A_11 {offsets = [32, 0], sizes = [9, 2500], strides = [1, 1]} : vector<96x2500xf32> to vector<9x2500xf32>
    %slice3A_19 = vector.extract_strided_slice %add3A_11 {offsets = [48, 0], sizes = [9, 2500], strides = [1, 1]} : vector<96x2500xf32> to vector<9x2500xf32>
    %slice3A_20 = vector.extract_strided_slice %add3A_11 {offsets = [64, 0], sizes = [9, 2500], strides = [1, 1]} : vector<96x2500xf32> to vector<9x2500xf32>
    %slice3A_21 = vector.extract_strided_slice %add3A_11 {offsets = [80, 0], sizes = [9, 2500], strides = [1, 1]} : vector<96x2500xf32> to vector<9x2500xf32>
    %get3A_22 = arith.constant 0 : index
    %get3A_23 = arith.constant 0 : index
    %get3A_24 = vector.load %arg5[%get3A_22, %get3A_23] : memref<9x2500xf32, #tpu.memory_space<vmem>>, vector<9x2500xf32>
    %get3A_25 = arith.constant 0 : index
    %get3A_26 = arith.constant 0 : index
    %get3A_27 = vector.load %arg6[%get3A_25, %get3A_26] : memref<9x2500xf32, #tpu.memory_space<vmem>>, vector<9x2500xf32>
    %get3A_28 = arith.constant 0 : index
    %get3A_29 = arith.constant 0 : index
    %get3A_30 = vector.load %arg7[%get3A_28, %get3A_29] : memref<9x2500xf32, #tpu.memory_space<vmem>>, vector<9x2500xf32>
    %get3A_31 = arith.constant 0 : index
    %get3A_32 = arith.constant 0 : index
    %get3A_33 = vector.load %arg8[%get3A_31, %get3A_32] : memref<9x2500xf32, #tpu.memory_space<vmem>>, vector<9x2500xf32>
    %mul3A = arith.mulf %slice3A, %get3A_30 : vector<9x2500xf32>
    %add3A_34 = arith.addf %mul3A, %get3A_24 : vector<9x2500xf32>
    %mul3A_35 = arith.mulf %slice3A_17, %get3A_33 : vector<9x2500xf32>
    %add3A_36 = arith.addf %mul3A_35, %get3A_27 : vector<9x2500xf32>
    %exp3A = math.exp %slice3A_18 : vector<9x2500xf32>
    %mul3A_37 = arith.mulf %exp3A, %get3A_30 : vector<9x2500xf32>
    %exp3A_38 = math.exp %slice3A_19 : vector<9x2500xf32>
    %mul3A_39 = arith.mulf %exp3A_38, %get3A_33 : vector<9x2500xf32>
    %mul3A_40 = arith.constant 5.000000e-01 : f32
    %mul3A_41 = vector.broadcast %mul3A_40 : f32 to vector<9x2500xf32>
    %mul3A_42 = arith.mulf %mul3A_41, %mul3A_37 : vector<9x2500xf32>
    %sub3A = arith.subf %add3A_34, %mul3A_42 : vector<9x2500xf32>
    %mul3A_43 = arith.constant 5.000000e-01 : f32
    %mul3A_44 = vector.broadcast %mul3A_43 : f32 to vector<9x2500xf32>
    %mul3A_45 = arith.mulf %mul3A_44, %mul3A_39 : vector<9x2500xf32>
    %sub3A_46 = arith.subf %add3A_36, %mul3A_45 : vector<9x2500xf32>
    %mul3A_47 = arith.constant 5.000000e-01 : f32
    %mul3A_48 = vector.broadcast %mul3A_47 : f32 to vector<9x2500xf32>
    %mul3A_49 = arith.mulf %mul3A_48, %mul3A_37 : vector<9x2500xf32>
    %add3A_50 = arith.addf %add3A_34, %mul3A_49 : vector<9x2500xf32>
    %mul3A_51 = arith.constant 5.000000e-01 : f32
    %mul3A_52 = vector.broadcast %mul3A_51 : f32 to vector<9x2500xf32>
    %mul3A_53 = arith.mulf %mul3A_52, %mul3A_39 : vector<9x2500xf32>
    %add3A_54 = arith.addf %add3A_36, %mul3A_53 : vector<9x2500xf32>
    %get3A_55 = arith.constant 0 : index
    %get3A_56 = memref.load %arg1[%get3A_55] : memref<2xf32, #tpu.memory_space<smem>>
    %get3A_57 = arith.constant 1 : index
    %get3A_58 = memref.load %arg1[%get3A_57] : memref<2xf32, #tpu.memory_space<smem>>
    %max3A = arith.constant 0.000000e+00 : f32
    %max3A_59 = vector.broadcast %max3A : f32 to vector<9x2500xf32>
    %max3A_60 = arith.maximumf %sub3A, %max3A_59 : vector<9x2500xf32>
    %min3A = vector.broadcast %get3A_56 : f32 to vector<9x2500xf32>
    %min3A_61 = arith.minimumf %max3A_60, %min3A : vector<9x2500xf32>
    %max3A_62 = arith.constant 0.000000e+00 : f32
    %max3A_63 = vector.broadcast %max3A_62 : f32 to vector<9x2500xf32>
    %max3A_64 = arith.maximumf %add3A_50, %max3A_63 : vector<9x2500xf32>
    %min3A_65 = vector.broadcast %get3A_56 : f32 to vector<9x2500xf32>
    %min3A_66 = arith.minimumf %max3A_64, %min3A_65 : vector<9x2500xf32>
    %max3A_67 = arith.constant 0.000000e+00 : f32
    %max3A_68 = vector.broadcast %max3A_67 : f32 to vector<9x2500xf32>
    %max3A_69 = arith.maximumf %sub3A_46, %max3A_68 : vector<9x2500xf32>
    %min3A_70 = vector.broadcast %get3A_58 : f32 to vector<9x2500xf32>
    %min3A_71 = arith.minimumf %max3A_69, %min3A_70 : vector<9x2500xf32>
    %max3A_72 = arith.constant 0.000000e+00 : f32
    %max3A_73 = vector.broadcast %max3A_72 : f32 to vector<9x2500xf32>
    %max3A_74 = arith.maximumf %add3A_54, %max3A_73 : vector<9x2500xf32>
    %min3A_75 = vector.broadcast %get3A_58 : f32 to vector<9x2500xf32>
    %min3A_76 = arith.minimumf %max3A_74, %min3A_75 : vector<9x2500xf32>
    %sub3A_77 = arith.subf %min3A_66, %min3A_61 : vector<9x2500xf32>
    %ge3A = arith.constant 1.600000e+01 : f32
    %ge3A_78 = vector.broadcast %ge3A : f32 to vector<9x2500xf32>
    %ge3A_79 = arith.cmpf oge, %sub3A_77, %ge3A_78 : vector<9x2500xf32>
    %sub3A_80 = arith.subf %min3A_76, %min3A_71 : vector<9x2500xf32>
    %ge3A_81 = arith.constant 1.600000e+01 : f32
    %ge3A_82 = vector.broadcast %ge3A_81 : f32 to vector<9x2500xf32>
    %ge3A_83 = arith.cmpf oge, %sub3A_80, %ge3A_82 : vector<9x2500xf32>
    %and3A = arith.andi %ge3A_79, %ge3A_83 : vector<9x2500xi1>
    %max3A_84 = arith.maximumf %slice3A_20, %slice3A_21 : vector<9x2500xf32>
    %sub3A_85 = arith.subf %slice3A_20, %max3A_84 : vector<9x2500xf32>
    %exp3A_86 = math.exp %sub3A_85 : vector<9x2500xf32>
    %sub3A_87 = arith.subf %slice3A_21, %max3A_84 : vector<9x2500xf32>
    %exp3A_88 = math.exp %sub3A_87 : vector<9x2500xf32>
    %add3A_89 = arith.addf %exp3A_86, %exp3A_88 : vector<9x2500xf32>
    %div3A = arith.divf %exp3A_88, %add3A_89 : vector<9x2500xf32>
    %swap3A_90 = arith.constant 0 : index
    %swap3A_91 = arith.constant 0 : index
    %swap3A_92 = arith.constant 0 : index
    %swap3A_93 = vector.load %arg10[%swap3A_90, %swap3A_91, %swap3A_92] : memref<1x9x2500xf32, #tpu.memory_space<vmem>>, vector<1x9x2500xf32>
    %swap3A_94 = vector.shape_cast %swap3A_93 : vector<1x9x2500xf32> to vector<9x2500xf32>
    %swap3A_95 = vector.shape_cast %min3A_61 : vector<9x2500xf32> to vector<1x9x2500xf32>
    tpu.vector_store %arg10[%swap3A_90, %swap3A_91, %swap3A_92], %swap3A_95 {strides = array<i32>} : memref<1x9x2500xf32, #tpu.memory_space<vmem>>, vector<1x9x2500xf32>,
    %swap3A_96 = arith.constant 0 : index
    %swap3A_97 = arith.constant 0 : index
    %swap3A_98 = arith.constant 0 : index
    %swap3A_99 = vector.load %arg11[%swap3A_96, %swap3A_97, %swap3A_98] : memref<1x9x2500xf32, #tpu.memory_space<vmem>>, vector<1x9x2500xf32>
    %swap3A_100 = vector.shape_cast %swap3A_99 : vector<1x9x2500xf32> to vector<9x2500xf32>
    %swap3A_101 = vector.shape_cast %min3A_71 : vector<9x2500xf32> to vector<1x9x2500xf32>
    tpu.vector_store %arg11[%swap3A_96, %swap3A_97, %swap3A_98], %swap3A_101 {strides = array<i32>} : memref<1x9x2500xf32, #tpu.memory_space<vmem>>, vector<1x9x2500xf32>,
    %swap3A_102 = arith.constant 0 : index
    %swap3A_103 = arith.constant 0 : index
    %swap3A_104 = arith.constant 0 : index
    %swap3A_105 = vector.load %arg12[%swap3A_102, %swap3A_103, %swap3A_104] : memref<1x9x2500xf32, #tpu.memory_space<vmem>>, vector<1x9x2500xf32>
    %swap3A_106 = vector.shape_cast %swap3A_105 : vector<1x9x2500xf32> to vector<9x2500xf32>
    %swap3A_107 = vector.shape_cast %min3A_66 : vector<9x2500xf32> to vector<1x9x2500xf32>
    tpu.vector_store %arg12[%swap3A_102, %swap3A_103, %swap3A_104], %swap3A_107 {strides = array<i32>} : memref<1x9x2500xf32, #tpu.memory_space<vmem>>, vector<1x9x2500xf32>,
    %swap3A_108 = arith.constant 0 : index
    %swap3A_109 = arith.constant 0 : index
    %swap3A_110 = arith.constant 0 : index
    %swap3A_111 = vector.load %arg13[%swap3A_108, %swap3A_109, %swap3A_110] : memref<1x9x2500xf32, #tpu.memory_space<vmem>>, vector<1x9x2500xf32>
    %swap3A_112 = vector.shape_cast %swap3A_111 : vector<1x9x2500xf32> to vector<9x2500xf32>
    %swap3A_113 = vector.shape_cast %min3A_76 : vector<9x2500xf32> to vector<1x9x2500xf32>
    tpu.vector_store %arg13[%swap3A_108, %swap3A_109, %swap3A_110], %swap3A_113 {strides = array<i32>} : memref<1x9x2500xf32, #tpu.memory_space<vmem>>, vector<1x9x2500xf32>,
    %jit3A = arith.constant 0xFF800000 : f32
    %broadcast_in_dim3A = vector.broadcast %jit3A : f32 to vector<9x2500xf32>
    %select_n3A = arith.select %and3A, %div3A, %broadcast_in_dim3A : vector<9x2500xi1>, vector<9x2500xf32>
    %swap3A_114 = arith.constant 0 : index
    %swap3A_115 = arith.constant 0 : index
    %swap3A_116 = arith.constant 0 : index
    %swap3A_117 = vector.load %arg14[%swap3A_114, %swap3A_115, %swap3A_116] : memref<1x9x2500xf32, #tpu.memory_space<vmem>>, vector<1x9x2500xf32>
    %swap3A_118 = vector.shape_cast %swap3A_117 : vector<1x9x2500xf32> to vector<9x2500xf32>
    %swap3A_119 = vector.shape_cast %select_n3A : vector<9x2500xf32> to vector<1x9x2500xf32>
    tpu.vector_store %arg14[%swap3A_114, %swap3A_115, %swap3A_116], %swap3A_119 {strides = array<i32>} : memref<1x9x2500xf32, #tpu.memory_space<vmem>>, vector<1x9x2500xf32>,
    return
  }
  func.func @transform_0(%arg0: i32) -> i32 {
    %c0_i32 = arith.constant 0 : i32
    %c0_i32_0 = arith.constant 0 : i32
    return %c0_i32 : i32
  }
  func.func @transform_1(%arg0: i32) -> (i32, i32, i32) {
    %c0_i32 = arith.constant 0 : i32
    %c0_i32_0 = arith.constant 0 : i32
    %c0_i32_1 = arith.constant 0 : i32
    return %arg0, %c0_i32, %c0_i32_0 : i32, i32, i32
  }
  func.func @transform_2(%arg0: i32) -> (i32, i32) {
    %c0_i32 = arith.constant 0 : i32
    %c0_i32_0 = arith.constant 0 : i32
    %c0_i32_1 = arith.constant 0 : i32
    return %c0_i32, %c0_i32_0 : i32, i32
  }
  func.func @transform_3(%arg0: i32) -> (i32, i32) {
    %c0_i32 = arith.constant 0 : i32
    %c0_i32_0 = arith.constant 0 : i32
    %c0_i32_1 = arith.constant 0 : i32
    return %c0_i32, %c0_i32_0 : i32, i32
  }
  func.func @transform_4(%arg0: i32) -> (i32, i32) {
    %c0_i32 = arith.constant 0 : i32
    %c0_i32_0 = arith.constant 0 : i32
    %c0_i32_1 = arith.constant 0 : i32
    return %c0_i32, %c0_i32_0 : i32, i32
  }
  func.func @transform_5(%arg0: i32) -> (i32, i32) {
    %c0_i32 = arith.constant 0 : i32
    %c0_i32_0 = arith.constant 0 : i32
    %c0_i32_1 = arith.constant 0 : i32
    return %c0_i32, %c0_i32_0 : i32, i32
  }
  func.func @transform_6(%arg0: i32) -> (i32, i32) {
    %c0_i32 = arith.constant 0 : i32
    %c0_i32_0 = arith.constant 0 : i32
    %c0_i32_1 = arith.constant 0 : i32
    return %c0_i32, %c0_i32_0 : i32, i32
  }
  func.func @transform_7(%arg0: i32) -> (i32, i32) {
    %c0_i32 = arith.constant 0 : i32
    %c0_i32_0 = arith.constant 0 : i32
    %c0_i32_1 = arith.constant 0 : i32
    return %c0_i32, %c0_i32_0 : i32, i32
  }
  func.func @transform_8(%arg0: i32) -> (i32, i32, i32) {
    %c0_i32 = arith.constant 0 : i32
    %c0_i32_0 = arith.constant 0 : i32
    %c0_i32_1 = arith.constant 0 : i32
    return %arg0, %c0_i32, %c0_i32_0 : i32, i32, i32
  }
  func.func @transform_9(%arg0: i32) -> (i32, i32, i32) {
    %c0_i32 = arith.constant 0 : i32
    %c0_i32_0 = arith.constant 0 : i32
    %c0_i32_1 = arith.constant 0 : i32
    return %arg0, %c0_i32, %c0_i32_0 : i32, i32, i32
  }
  func.func @transform_10(%arg0: i32) -> (i32, i32, i32) {
    %c0_i32 = arith.constant 0 : i32
    %c0_i32_0 = arith.constant 0 : i32
    %c0_i32_1 = arith.constant 0 : i32
    return %arg0, %c0_i32, %c0_i32_0 : i32, i32, i32
  }
  func.func @transform_11(%arg0: i32) -> (i32, i32, i32) {
    %c0_i32 = arith.constant 0 : i32
    %c0_i32_0 = arith.constant 0 : i32
    %c0_i32_1 = arith.constant 0 : i32
    return %arg0, %c0_i32, %c0_i32_0 : i32, i32, i32
  }
  func.func @transform_12(%arg0: i32) -> (i32, i32, i32) {
    %c0_i32 = arith.constant 0 : i32
    %c0_i32_0 = arith.constant 0 : i32
    %c0_i32_1 = arith.constant 0 : i32
    return %arg0, %c0_i32, %c0_i32_0 : i32, i32, i32
  }
  func.func @transform_13(%arg0: i32) -> (i32, i32, i32) {
    %c0_i32 = arith.constant 0 : i32
    %c0_i32_0 = arith.constant 0 : i32
    %c0_i32_1 = arith.constant 0 : i32
    return %arg0, %c0_i32, %c0_i32_0 : i32, i32, i32
  }
}

module attributes {stable_mosaic.version = 14 : i64} {
  func.func @_nms_body(%arg0: i32, %arg1: memref<1x1x3072xf32, #tpu.memory_space<vmem>>, %arg2: memref<1x1x3072xf32, #tpu.memory_space<vmem>>, %arg3: memref<1x1x3072xf32, #tpu.memory_space<vmem>>, %arg4: memref<1x1x3072xf32, #tpu.memory_space<vmem>>, %arg5: memref<1x24x128x1xf32, #tpu.memory_space<vmem>>, %arg6: memref<1x24x128x1xf32, #tpu.memory_space<vmem>>, %arg7: memref<1x24x128x1xf32, #tpu.memory_space<vmem>>, %arg8: memref<1x24x128x1xf32, #tpu.memory_space<vmem>>, %arg9: memref<1x1x3072xf32, #tpu.memory_space<vmem>>, %arg10: memref<1x1x3072xf32, #tpu.memory_space<vmem>>) attributes {dimension_semantics = [#tpu.dimension_semantics<arbitrary>], iteration_bounds = array<i64: 2>, scalar_prefetch = 0 : i64, scratch_operands = 0 : i64, tpu.core_type = #tpu.core_type<tc>, window_params = [{transform_indices = @transform_0, window_bounds = array<i64: 1, 1, 3072>}, {transform_indices = @transform_1, window_bounds = array<i64: 1, 1, 3072>}, {transform_indices = @transform_2, window_bounds = array<i64: 1, 1, 3072>}, {transform_indices = @transform_3, window_bounds = array<i64: 1, 1, 3072>}, {transform_indices = @transform_4, window_bounds = array<i64: 1, 24, 128, 1>}, {transform_indices = @transform_5, window_bounds = array<i64: 1, 24, 128, 1>}, {transform_indices = @transform_6, window_bounds = array<i64: 1, 24, 128, 1>}, {transform_indices = @transform_7, window_bounds = array<i64: 1, 24, 128, 1>}, {transform_indices = @transform_8, window_bounds = array<i64: 1, 1, 3072>}, {transform_indices = @transform_9, window_bounds = array<i64: 1, 1, 3072>}]} {
    %get3A = arith.constant 0 : index
    %get3A_0 = arith.constant 0 : index
    %get3A_1 = arith.constant 0 : index
    %get3A_2 = vector.load %arg1[%get3A, %get3A_0, %get3A_1] : memref<1x1x3072xf32, #tpu.memory_space<vmem>>, vector<1x1x3072xf32>
    %get3A_3 = vector.shape_cast %get3A_2 : vector<1x1x3072xf32> to vector<1x3072xf32>
    %get3A_4 = arith.constant 0 : index
    %get3A_5 = arith.constant 0 : index
    %get3A_6 = arith.constant 0 : index
    %get3A_7 = vector.load %arg2[%get3A_4, %get3A_5, %get3A_6] : memref<1x1x3072xf32, #tpu.memory_space<vmem>>, vector<1x1x3072xf32>
    %get3A_8 = vector.shape_cast %get3A_7 : vector<1x1x3072xf32> to vector<1x3072xf32>
    %get3A_9 = arith.constant 0 : index
    %get3A_10 = arith.constant 0 : index
    %get3A_11 = arith.constant 0 : index
    %get3A_12 = vector.load %arg3[%get3A_9, %get3A_10, %get3A_11] : memref<1x1x3072xf32, #tpu.memory_space<vmem>>, vector<1x1x3072xf32>
    %get3A_13 = vector.shape_cast %get3A_12 : vector<1x1x3072xf32> to vector<1x3072xf32>
    %get3A_14 = arith.constant 0 : index
    %get3A_15 = arith.constant 0 : index
    %get3A_16 = arith.constant 0 : index
    %get3A_17 = vector.load %arg4[%get3A_14, %get3A_15, %get3A_16] : memref<1x1x3072xf32, #tpu.memory_space<vmem>>, vector<1x1x3072xf32>
    %get3A_18 = vector.shape_cast %get3A_17 : vector<1x1x3072xf32> to vector<1x3072xf32>
    %sub3A = arith.subf %get3A_13, %get3A_3 : vector<1x3072xf32>
    %sub3A_19 = arith.subf %get3A_18, %get3A_8 : vector<1x3072xf32>
    %mul3A = arith.mulf %sub3A, %sub3A_19 : vector<1x3072xf32>
    %iota3A = tpu.iota {dimensions = array<i32: 0>} : vector<128x128xi32>
    %iota3A_20 = tpu.iota {dimensions = array<i32: 1>} : vector<128x128xi32>
    %get3A_21 = arith.constant 0 : index
    %get3A_22 = arith.constant 0 : index
    %get3A_23 = arith.constant 0 : index
    %get3A_24 = vector.load %arg9[%get3A_21, %get3A_22, %get3A_23] : memref<1x1x3072xf32, #tpu.memory_space<vmem>>, vector<1x1x3072xf32>
    %get3A_25 = vector.shape_cast %get3A_24 : vector<1x1x3072xf32> to vector<1x3072xf32>
    %get3A_26 = arith.constant 0 : index
    %get3A_27 = arith.constant 0 : index
    %get3A_28 = arith.constant 0 : index
    %get3A_29 = arith.constant 0 : index
    %get3A_30 = vector.load %arg5[%get3A_26, %get3A_27, %get3A_28, %get3A_29] : memref<1x24x128x1xf32, #tpu.memory_space<vmem>>, vector<1x1x128x1xf32>
    %get3A_31 = vector.shape_cast %get3A_30 : vector<1x1x128x1xf32> to vector<128x1xf32>
    %get3A_32 = arith.constant 0 : index
    %get3A_33 = arith.constant 0 : index
    %get3A_34 = arith.constant 0 : index
    %get3A_35 = arith.constant 0 : index
    %get3A_36 = vector.load %arg6[%get3A_32, %get3A_33, %get3A_34, %get3A_35] : memref<1x24x128x1xf32, #tpu.memory_space<vmem>>, vector<1x1x128x1xf32>
    %get3A_37 = vector.shape_cast %get3A_36 : vector<1x1x128x1xf32> to vector<128x1xf32>
    %get3A_38 = arith.constant 0 : index
    %get3A_39 = arith.constant 0 : index
    %get3A_40 = arith.constant 0 : index
    %get3A_41 = arith.constant 0 : index
    %get3A_42 = vector.load %arg7[%get3A_38, %get3A_39, %get3A_40, %get3A_41] : memref<1x24x128x1xf32, #tpu.memory_space<vmem>>, vector<1x1x128x1xf32>
    %get3A_43 = vector.shape_cast %get3A_42 : vector<1x1x128x1xf32> to vector<128x1xf32>
    %get3A_44 = arith.constant 0 : index
    %get3A_45 = arith.constant 0 : index
    %get3A_46 = arith.constant 0 : index
    %get3A_47 = arith.constant 0 : index
    %get3A_48 = vector.load %arg8[%get3A_44, %get3A_45, %get3A_46, %get3A_47] : memref<1x24x128x1xf32, #tpu.memory_space<vmem>>, vector<1x1x128x1xf32>
    %get3A_49 = vector.shape_cast %get3A_48 : vector<1x1x128x1xf32> to vector<128x1xf32>
    %sub3A_50 = arith.subf %get3A_43, %get3A_31 : vector<128x1xf32>
    %sub3A_51 = arith.subf %get3A_49, %get3A_37 : vector<128x1xf32>
    %mul3A_52 = arith.mulf %sub3A_50, %sub3A_51 : vector<128x1xf32>
    %max3A = vector.broadcast %get3A_31 : vector<128x1xf32> to vector<128x3072xf32>
    %max3A_53 = vector.broadcast %get3A_3 : vector<1x3072xf32> to vector<128x3072xf32>
    %max3A_54 = arith.maximumf %max3A, %max3A_53 : vector<128x3072xf32>
    %max3A_55 = vector.broadcast %get3A_37 : vector<128x1xf32> to vector<128x3072xf32>
    %max3A_56 = vector.broadcast %get3A_8 : vector<1x3072xf32> to vector<128x3072xf32>
    %max3A_57 = arith.maximumf %max3A_55, %max3A_56 : vector<128x3072xf32>
    %min3A = vector.broadcast %get3A_43 : vector<128x1xf32> to vector<128x3072xf32>
    %min3A_58 = vector.broadcast %get3A_13 : vector<1x3072xf32> to vector<128x3072xf32>
    %min3A_59 = arith.minimumf %min3A, %min3A_58 : vector<128x3072xf32>
    %min3A_60 = vector.broadcast %get3A_49 : vector<128x1xf32> to vector<128x3072xf32>
    %min3A_61 = vector.broadcast %get3A_18 : vector<1x3072xf32> to vector<128x3072xf32>
    %min3A_62 = arith.minimumf %min3A_60, %min3A_61 : vector<128x3072xf32>
    %sub3A_63 = arith.subf %min3A_59, %max3A_54 : vector<128x3072xf32>
    %max3A_64 = arith.constant 0.000000e+00 : f32
    %max3A_65 = vector.broadcast %max3A_64 : f32 to vector<128x3072xf32>
    %max3A_66 = arith.maximumf %sub3A_63, %max3A_65 : vector<128x3072xf32>
    %sub3A_67 = arith.subf %min3A_62, %max3A_57 : vector<128x3072xf32>
    %max3A_68 = arith.constant 0.000000e+00 : f32
    %max3A_69 = vector.broadcast %max3A_68 : f32 to vector<128x3072xf32>
    %max3A_70 = arith.maximumf %sub3A_67, %max3A_69 : vector<128x3072xf32>
    %mul3A_71 = arith.mulf %max3A_66, %max3A_70 : vector<128x3072xf32>
    %add3A = vector.broadcast %mul3A_52 : vector<128x1xf32> to vector<128x3072xf32>
    %add3A_72 = vector.broadcast %mul3A : vector<1x3072xf32> to vector<128x3072xf32>
    %add3A_73 = arith.addf %add3A, %add3A_72 : vector<128x3072xf32>
    %sub3A_74 = arith.subf %add3A_73, %mul3A_71 : vector<128x3072xf32>
    %add3A_75 = arith.constant 9.99999971E-10 : f32
    %add3A_76 = vector.broadcast %add3A_75 : f32 to vector<128x3072xf32>
    %add3A_77 = arith.addf %sub3A_74, %add3A_76 : vector<128x3072xf32>
    %div3A = arith.divf %mul3A_71, %add3A_77 : vector<128x3072xf32>
    %gt3A = arith.constant 0.699999988 : f32
    %gt3A_78 = vector.broadcast %gt3A : f32 to vector<128x3072xf32>
    %gt3A_79 = arith.cmpf ogt, %div3A, %gt3A_78 : vector<128x3072xf32>
    %convert_element_type3A = arith.extui %gt3A_79 : vector<128x3072xi1> to vector<128x3072xi32>
    %convert_element_type3A_80 = arith.sitofp %convert_element_type3A : vector<128x3072xi32> to vector<128x3072xf32>
    %gt3A_81 = arith.cmpi sgt, %iota3A_20, %iota3A : vector<128x128xi32>
    %slice3A = vector.extract_strided_slice %convert_element_type3A_80 {offsets = [0, 0], sizes = [128, 128], strides = [1, 1]} : vector<128x3072xf32> to vector<128x128xf32>
    %jit3A = arith.constant 0.000000e+00 : f32
    %broadcast_in_dim3A = vector.broadcast %jit3A : f32 to vector<128x128xf32>
    %select_n3A = arith.select %gt3A_81, %slice3A, %broadcast_in_dim3A : vector<128x128xi1>, vector<128x128xf32>
    %slice3A_82 = vector.extract_strided_slice %get3A_25 {offsets = [0, 0], sizes = [1, 128], strides = [1, 1]} : vector<1x3072xf32> to vector<1x128xf32>
    %broadcast_in_dim3A_83 = arith.constant 0.000000e+00 : f32
    %broadcast_in_dim3A_84 = vector.broadcast %broadcast_in_dim3A_83 : f32 to vector<1x128xf32>
    %while3A:2 = scf.while (%while3A_2089 = %slice3A_82, %while3A_2090 = %broadcast_in_dim3A_84) : (vector<1x128xf32>, vector<1x128xf32>) -> (vector<1x128xf32>, vector<1x128xf32>) {
      %reduce_max3A = vector.shape_cast %while3A_2089 : vector<1x128xf32> to vector<1x1x128xf32>
      %reduce_max3A_2091 = arith.constant dense<0xFF800000> : vector<1xf32>
      %reduce_max3A_2092 = vector.multi_reduction <maximumf>, %reduce_max3A, %reduce_max3A_2091 [1, 2] : vector<1x1x128xf32> to vector<1xf32>
      %reduce_max3A_2093 = vector.shape_cast %reduce_max3A_2092 : vector<1xf32> to vector<1x1x1xf32>
      %reduce_max3A_2094 = vector.extract %reduce_max3A_2093[0, 0, 0] : f32 from vector<1x1x1xf32>
      %gt3A_2095 = arith.constant 5.000000e-01 : f32
      %gt3A_2096 = arith.cmpf ogt, %reduce_max3A_2094, %gt3A_2095 : f32
      scf.condition(%gt3A_2096) %while3A_2089, %while3A_2090 : vector<1x128xf32>, vector<1x128xf32>
    } do {
    ^bb0(%while3A_2089: vector<1x128xf32>, %while3A_2090: vector<1x128xf32>):
      %dot_general3A_2091 = arith.constant dense<0.000000e+00> : vector<1x128xf32>
      %dot_general3A_2092 = tpu.matmul %while3A_2089, %select_n3A, %dot_general3A_2091 {dimension_numbers = #tpu.dot_dimension_numbers<[1], [0], [0], [1], [0, 0, 1, 1], [], []>, transpose_lhs_hint = false} : vector<1x128xf32>, vector<128x128xf32>, vector<1x128xf32> -> vector<1x128xf32>
      %lt3A = arith.constant 5.000000e-01 : f32
      %lt3A_2093 = vector.broadcast %lt3A : f32 to vector<1x128xf32>
      %lt3A_2094 = arith.cmpf olt, %dot_general3A_2092, %lt3A_2093 : vector<1x128xf32>
      %convert_element_type3A_2095 = arith.extui %lt3A_2094 : vector<1x128xi1> to vector<1x128xi32>
      %convert_element_type3A_2096 = arith.sitofp %convert_element_type3A_2095 : vector<1x128xi32> to vector<1x128xf32>
      %mul3A_2097 = arith.mulf %while3A_2089, %convert_element_type3A_2096 : vector<1x128xf32>
      %add3A_2098 = arith.addf %while3A_2090, %mul3A_2097 : vector<1x128xf32>
      %dot_general3A_2099 = arith.constant dense<0.000000e+00> : vector<1x128xf32>
      %dot_general3A_2100 = tpu.matmul %mul3A_2097, %select_n3A, %dot_general3A_2099 {dimension_numbers = #tpu.dot_dimension_numbers<[1], [0], [0], [1], [0, 0, 1, 1], [], []>, transpose_lhs_hint = false} : vector<1x128xf32>, vector<128x128xf32>, vector<1x128xf32> -> vector<1x128xf32>
      %sub3A_2101 = arith.constant 1.000000e+00 : f32
      %sub3A_2102 = vector.broadcast %sub3A_2101 : f32 to vector<1x128xf32>
      %sub3A_2103 = arith.subf %sub3A_2102, %mul3A_2097 : vector<1x128xf32>
      %mul3A_2104 = arith.mulf %while3A_2089, %sub3A_2103 : vector<1x128xf32>
      %lt3A_2105 = arith.constant 5.000000e-01 : f32
      %lt3A_2106 = vector.broadcast %lt3A_2105 : f32 to vector<1x128xf32>
      %lt3A_2107 = arith.cmpf olt, %dot_general3A_2100, %lt3A_2106 : vector<1x128xf32>
      %convert_element_type3A_2108 = arith.extui %lt3A_2107 : vector<1x128xi1> to vector<1x128xi32>
      %convert_element_type3A_2109 = arith.sitofp %convert_element_type3A_2108 : vector<1x128xi32> to vector<1x128xf32>
      %mul3A_2110 = arith.mulf %mul3A_2104, %convert_element_type3A_2109 : vector<1x128xf32>
      scf.yield %mul3A_2110, %add3A_2098 : vector<1x128xf32>, vector<1x128xf32>
    }
    %dot_general3A = arith.constant dense<0.000000e+00> : vector<1x3072xf32>
    %dot_general3A_85 = tpu.matmul %while3A#1, %convert_element_type3A_80, %dot_general3A {dimension_numbers = #tpu.dot_dimension_numbers<[1], [0], [0], [1], [0, 0, 1, 1], [], []>, transpose_lhs_hint = false} : vector<1x128xf32>, vector<128x3072xf32>, vector<1x3072xf32> -> vector<1x3072xf32>
    %slice3A_86 = vector.extract_strided_slice %dot_general3A_85 {offsets = [0, 128], sizes = [1, 2944], strides = [1, 1]} : vector<1x3072xf32> to vector<1x2944xf32>
    %gt3A_87 = arith.constant 5.000000e-01 : f32
    %gt3A_88 = vector.broadcast %gt3A_87 : f32 to vector<1x2944xf32>
    %gt3A_89 = arith.cmpf ogt, %slice3A_86, %gt3A_88 : vector<1x2944xf32>
    %slice3A_90 = vector.extract_strided_slice %get3A_25 {offsets = [0, 128], sizes = [1, 2944], strides = [1, 1]} : vector<1x3072xf32> to vector<1x2944xf32>
    %jit3A_91 = arith.constant 0.000000e+00 : f32
    %broadcast_in_dim3A_92 = vector.broadcast %jit3A_91 : f32 to vector<1x2944xf32>
    %select_n3A_93 = arith.select %gt3A_89, %broadcast_in_dim3A_92, %slice3A_90 : vector<1x2944xi1>, vector<1x2944xf32>
    %concatenate3A = tpu.concatenate %while3A#1, %select_n3A_93 in 1 : vector<1x128xf32>, vector<1x2944xf32> -> vector<1x3072xf32>
    %get3A_94 = arith.constant 0 : index
    %get3A_95 = arith.constant 1 : index
    %get3A_96 = arith.constant 0 : index
    %get3A_97 = arith.constant 0 : index
    %get3A_98 = vector.load %arg5[%get3A_94, %get3A_95, %get3A_96, %get3A_97] : memref<1x24x128x1xf32, #tpu.memory_space<vmem>>, vector<1x1x128x1xf32>
    %get3A_99 = vector.shape_cast %get3A_98 : vector<1x1x128x1xf32> to vector<128x1xf32>
    %get3A_100 = arith.constant 0 : index
    %get3A_101 = arith.constant 1 : index
    %get3A_102 = arith.constant 0 : index
    %get3A_103 = arith.constant 0 : index
    %get3A_104 = vector.load %arg6[%get3A_100, %get3A_101, %get3A_102, %get3A_103] : memref<1x24x128x1xf32, #tpu.memory_space<vmem>>, vector<1x1x128x1xf32>
    %get3A_105 = vector.shape_cast %get3A_104 : vector<1x1x128x1xf32> to vector<128x1xf32>
    %get3A_106 = arith.constant 0 : index
    %get3A_107 = arith.constant 1 : index
    %get3A_108 = arith.constant 0 : index
    %get3A_109 = arith.constant 0 : index
    %get3A_110 = vector.load %arg7[%get3A_106, %get3A_107, %get3A_108, %get3A_109] : memref<1x24x128x1xf32, #tpu.memory_space<vmem>>, vector<1x1x128x1xf32>
    %get3A_111 = vector.shape_cast %get3A_110 : vector<1x1x128x1xf32> to vector<128x1xf32>
    %get3A_112 = arith.constant 0 : index
    %get3A_113 = arith.constant 1 : index
    %get3A_114 = arith.constant 0 : index
    %get3A_115 = arith.constant 0 : index
    %get3A_116 = vector.load %arg8[%get3A_112, %get3A_113, %get3A_114, %get3A_115] : memref<1x24x128x1xf32, #tpu.memory_space<vmem>>, vector<1x1x128x1xf32>
    %get3A_117 = vector.shape_cast %get3A_116 : vector<1x1x128x1xf32> to vector<128x1xf32>
    %sub3A_118 = arith.subf %get3A_111, %get3A_99 : vector<128x1xf32>
    %sub3A_119 = arith.subf %get3A_117, %get3A_105 : vector<128x1xf32>
    %mul3A_120 = arith.mulf %sub3A_118, %sub3A_119 : vector<128x1xf32>
    %slice3A_121 = vector.extract_strided_slice %get3A_3 {offsets = [0, 128], sizes = [1, 2944], strides = [1, 1]} : vector<1x3072xf32> to vector<1x2944xf32>
    %max3A_122 = vector.broadcast %get3A_99 : vector<128x1xf32> to vector<128x2944xf32>
    %max3A_123 = vector.broadcast %slice3A_121 : vector<1x2944xf32> to vector<128x2944xf32>
    %max3A_124 = arith.maximumf %max3A_122, %max3A_123 : vector<128x2944xf32>
    %slice3A_125 = vector.extract_strided_slice %get3A_8 {offsets = [0, 128], sizes = [1, 2944], strides = [1, 1]} : vector<1x3072xf32> to vector<1x2944xf32>
    %max3A_126 = vector.broadcast %get3A_105 : vector<128x1xf32> to vector<128x2944xf32>
    %max3A_127 = vector.broadcast %slice3A_125 : vector<1x2944xf32> to vector<128x2944xf32>
    %max3A_128 = arith.maximumf %max3A_126, %max3A_127 : vector<128x2944xf32>
    %slice3A_129 = vector.extract_strided_slice %get3A_13 {offsets = [0, 128], sizes = [1, 2944], strides = [1, 1]} : vector<1x3072xf32> to vector<1x2944xf32>
    %min3A_130 = vector.broadcast %get3A_111 : vector<128x1xf32> to vector<128x2944xf32>
    %min3A_131 = vector.broadcast %slice3A_129 : vector<1x2944xf32> to vector<128x2944xf32>
    %min3A_132 = arith.minimumf %min3A_130, %min3A_131 : vector<128x2944xf32>
    %slice3A_133 = vector.extract_strided_slice %get3A_18 {offsets = [0, 128], sizes = [1, 2944], strides = [1, 1]} : vector<1x3072xf32> to vector<1x2944xf32>
    %min3A_134 = vector.broadcast %get3A_117 : vector<128x1xf32> to vector<128x2944xf32>
    %min3A_135 = vector.broadcast %slice3A_133 : vector<1x2944xf32> to vector<128x2944xf32>
    %min3A_136 = arith.minimumf %min3A_134, %min3A_135 : vector<128x2944xf32>
    %sub3A_137 = arith.subf %min3A_132, %max3A_124 : vector<128x2944xf32>
    %max3A_138 = arith.constant 0.000000e+00 : f32
    %max3A_139 = vector.broadcast %max3A_138 : f32 to vector<128x2944xf32>
    %max3A_140 = arith.maximumf %sub3A_137, %max3A_139 : vector<128x2944xf32>
    %sub3A_141 = arith.subf %min3A_136, %max3A_128 : vector<128x2944xf32>
    %max3A_142 = arith.constant 0.000000e+00 : f32
    %max3A_143 = vector.broadcast %max3A_142 : f32 to vector<128x2944xf32>
    %max3A_144 = arith.maximumf %sub3A_141, %max3A_143 : vector<128x2944xf32>
    %mul3A_145 = arith.mulf %max3A_140, %max3A_144 : vector<128x2944xf32>
    %slice3A_146 = vector.extract_strided_slice %mul3A {offsets = [0, 128], sizes = [1, 2944], strides = [1, 1]} : vector<1x3072xf32> to vector<1x2944xf32>
    %add3A_147 = vector.broadcast %mul3A_120 : vector<128x1xf32> to vector<128x2944xf32>
    %add3A_148 = vector.broadcast %slice3A_146 : vector<1x2944xf32> to vector<128x2944xf32>
    %add3A_149 = arith.addf %add3A_147, %add3A_148 : vector<128x2944xf32>
    %sub3A_150 = arith.subf %add3A_149, %mul3A_145 : vector<128x2944xf32>
    %add3A_151 = arith.constant 9.99999971E-10 : f32
    %add3A_152 = vector.broadcast %add3A_151 : f32 to vector<128x2944xf32>
    %add3A_153 = arith.addf %sub3A_150, %add3A_152 : vector<128x2944xf32>
    %div3A_154 = arith.divf %mul3A_145, %add3A_153 : vector<128x2944xf32>
    %gt3A_155 = arith.constant 0.699999988 : f32
    %gt3A_156 = vector.broadcast %gt3A_155 : f32 to vector<128x2944xf32>
    %gt3A_157 = arith.cmpf ogt, %div3A_154, %gt3A_156 : vector<128x2944xf32>
    %convert_element_type3A_158 = arith.extui %gt3A_157 : vector<128x2944xi1> to vector<128x2944xi32>
    %convert_element_type3A_159 = arith.sitofp %convert_element_type3A_158 : vector<128x2944xi32> to vector<128x2944xf32>
    %gt3A_160 = arith.cmpi sgt, %iota3A_20, %iota3A : vector<128x128xi32>
    %slice3A_161 = vector.extract_strided_slice %convert_element_type3A_159 {offsets = [0, 0], sizes = [128, 128], strides = [1, 1]} : vector<128x2944xf32> to vector<128x128xf32>
    %jit3A_162 = arith.constant 0.000000e+00 : f32
    %broadcast_in_dim3A_163 = vector.broadcast %jit3A_162 : f32 to vector<128x128xf32>
    %select_n3A_164 = arith.select %gt3A_160, %slice3A_161, %broadcast_in_dim3A_163 : vector<128x128xi1>, vector<128x128xf32>
    %slice3A_165 = vector.extract_strided_slice %concatenate3A {offsets = [0, 128], sizes = [1, 128], strides = [1, 1]} : vector<1x3072xf32> to vector<1x128xf32>
    %broadcast_in_dim3A_166 = arith.constant 0.000000e+00 : f32
    %broadcast_in_dim3A_167 = vector.broadcast %broadcast_in_dim3A_166 : f32 to vector<1x128xf32>
    %while3A_168:2 = scf.while (%while3A_2089 = %slice3A_165, %while3A_2090 = %broadcast_in_dim3A_167) : (vector<1x128xf32>, vector<1x128xf32>) -> (vector<1x128xf32>, vector<1x128xf32>) {
      %reduce_max3A = vector.shape_cast %while3A_2089 : vector<1x128xf32> to vector<1x1x128xf32>
      %reduce_max3A_2091 = arith.constant dense<0xFF800000> : vector<1xf32>
      %reduce_max3A_2092 = vector.multi_reduction <maximumf>, %reduce_max3A, %reduce_max3A_2091 [1, 2] : vector<1x1x128xf32> to vector<1xf32>
      %reduce_max3A_2093 = vector.shape_cast %reduce_max3A_2092 : vector<1xf32> to vector<1x1x1xf32>
      %reduce_max3A_2094 = vector.extract %reduce_max3A_2093[0, 0, 0] : f32 from vector<1x1x1xf32>
      %gt3A_2095 = arith.constant 5.000000e-01 : f32
      %gt3A_2096 = arith.cmpf ogt, %reduce_max3A_2094, %gt3A_2095 : f32
      scf.condition(%gt3A_2096) %while3A_2089, %while3A_2090 : vector<1x128xf32>, vector<1x128xf32>
    } do {
    ^bb0(%while3A_2089: vector<1x128xf32>, %while3A_2090: vector<1x128xf32>):
      %dot_general3A_2091 = arith.constant dense<0.000000e+00> : vector<1x128xf32>
      %dot_general3A_2092 = tpu.matmul %while3A_2089, %select_n3A_164, %dot_general3A_2091 {dimension_numbers = #tpu.dot_dimension_numbers<[1], [0], [0], [1], [0, 0, 1, 1], [], []>, transpose_lhs_hint = false} : vector<1x128xf32>, vector<128x128xf32>, vector<1x128xf32> -> vector<1x128xf32>
      %lt3A = arith.constant 5.000000e-01 : f32
      %lt3A_2093 = vector.broadcast %lt3A : f32 to vector<1x128xf32>
      %lt3A_2094 = arith.cmpf olt, %dot_general3A_2092, %lt3A_2093 : vector<1x128xf32>
      %convert_element_type3A_2095 = arith.extui %lt3A_2094 : vector<1x128xi1> to vector<1x128xi32>
      %convert_element_type3A_2096 = arith.sitofp %convert_element_type3A_2095 : vector<1x128xi32> to vector<1x128xf32>
      %mul3A_2097 = arith.mulf %while3A_2089, %convert_element_type3A_2096 : vector<1x128xf32>
      %add3A_2098 = arith.addf %while3A_2090, %mul3A_2097 : vector<1x128xf32>
      %dot_general3A_2099 = arith.constant dense<0.000000e+00> : vector<1x128xf32>
      %dot_general3A_2100 = tpu.matmul %mul3A_2097, %select_n3A_164, %dot_general3A_2099 {dimension_numbers = #tpu.dot_dimension_numbers<[1], [0], [0], [1], [0, 0, 1, 1], [], []>, transpose_lhs_hint = false} : vector<1x128xf32>, vector<128x128xf32>, vector<1x128xf32> -> vector<1x128xf32>
      %sub3A_2101 = arith.constant 1.000000e+00 : f32
      %sub3A_2102 = vector.broadcast %sub3A_2101 : f32 to vector<1x128xf32>
      %sub3A_2103 = arith.subf %sub3A_2102, %mul3A_2097 : vector<1x128xf32>
      %mul3A_2104 = arith.mulf %while3A_2089, %sub3A_2103 : vector<1x128xf32>
      %lt3A_2105 = arith.constant 5.000000e-01 : f32
      %lt3A_2106 = vector.broadcast %lt3A_2105 : f32 to vector<1x128xf32>
      %lt3A_2107 = arith.cmpf olt, %dot_general3A_2100, %lt3A_2106 : vector<1x128xf32>
      %convert_element_type3A_2108 = arith.extui %lt3A_2107 : vector<1x128xi1> to vector<1x128xi32>
      %convert_element_type3A_2109 = arith.sitofp %convert_element_type3A_2108 : vector<1x128xi32> to vector<1x128xf32>
      %mul3A_2110 = arith.mulf %mul3A_2104, %convert_element_type3A_2109 : vector<1x128xf32>
      scf.yield %mul3A_2110, %add3A_2098 : vector<1x128xf32>, vector<1x128xf32>
    }
    %dot_general3A_169 = arith.constant dense<0.000000e+00> : vector<1x2944xf32>
    %dot_general3A_170 = tpu.matmul %while3A_168#1, %convert_element_type3A_159, %dot_general3A_169 {dimension_numbers = #tpu.dot_dimension_numbers<[1], [0], [0], [1], [0, 0, 1, 1], [], []>, transpose_lhs_hint = false} : vector<1x128xf32>, vector<128x2944xf32>, vector<1x2944xf32> -> vector<1x2944xf32>
    %slice3A_171 = vector.extract_strided_slice %dot_general3A_170 {offsets = [0, 128], sizes = [1, 2816], strides = [1, 1]} : vector<1x2944xf32> to vector<1x2816xf32>
    %gt3A_172 = arith.constant 5.000000e-01 : f32
    %gt3A_173 = vector.broadcast %gt3A_172 : f32 to vector<1x2816xf32>
    %gt3A_174 = arith.cmpf ogt, %slice3A_171, %gt3A_173 : vector<1x2816xf32>
    %slice3A_175 = vector.extract_strided_slice %concatenate3A {offsets = [0, 256], sizes = [1, 2816], strides = [1, 1]} : vector<1x3072xf32> to vector<1x2816xf32>
    %jit3A_176 = arith.constant 0.000000e+00 : f32
    %broadcast_in_dim3A_177 = vector.broadcast %jit3A_176 : f32 to vector<1x2816xf32>
    %select_n3A_178 = arith.select %gt3A_174, %broadcast_in_dim3A_177, %slice3A_175 : vector<1x2816xi1>, vector<1x2816xf32>
    %slice3A_179 = vector.extract_strided_slice %concatenate3A {offsets = [0, 0], sizes = [1, 128], strides = [1, 1]} : vector<1x3072xf32> to vector<1x128xf32>
    %concatenate3A_180 = tpu.concatenate %slice3A_179, %while3A_168#1, %select_n3A_178 in 1 : vector<1x128xf32>, vector<1x128xf32>, vector<1x2816xf32> -> vector<1x3072xf32>
    %get3A_181 = arith.constant 0 : index
    %get3A_182 = arith.constant 2 : index
    %get3A_183 = arith.constant 0 : index
    %get3A_184 = arith.constant 0 : index
    %get3A_185 = vector.load %arg5[%get3A_181, %get3A_182, %get3A_183, %get3A_184] : memref<1x24x128x1xf32, #tpu.memory_space<vmem>>, vector<1x1x128x1xf32>
    %get3A_186 = vector.shape_cast %get3A_185 : vector<1x1x128x1xf32> to vector<128x1xf32>
    %get3A_187 = arith.constant 0 : index
    %get3A_188 = arith.constant 2 : index
    %get3A_189 = arith.constant 0 : index
    %get3A_190 = arith.constant 0 : index
    %get3A_191 = vector.load %arg6[%get3A_187, %get3A_188, %get3A_189, %get3A_190] : memref<1x24x128x1xf32, #tpu.memory_space<vmem>>, vector<1x1x128x1xf32>
    %get3A_192 = vector.shape_cast %get3A_191 : vector<1x1x128x1xf32> to vector<128x1xf32>
    %get3A_193 = arith.constant 0 : index
    %get3A_194 = arith.constant 2 : index
    %get3A_195 = arith.constant 0 : index
    %get3A_196 = arith.constant 0 : index
    %get3A_197 = vector.load %arg7[%get3A_193, %get3A_194, %get3A_195, %get3A_196] : memref<1x24x128x1xf32, #tpu.memory_space<vmem>>, vector<1x1x128x1xf32>
    %get3A_198 = vector.shape_cast %get3A_197 : vector<1x1x128x1xf32> to vector<128x1xf32>
    %get3A_199 = arith.constant 0 : index
    %get3A_200 = arith.constant 2 : index
    %get3A_201 = arith.constant 0 : index
    %get3A_202 = arith.constant 0 : index
    %get3A_203 = vector.load %arg8[%get3A_199, %get3A_200, %get3A_201, %get3A_202] : memref<1x24x128x1xf32, #tpu.memory_space<vmem>>, vector<1x1x128x1xf32>
    %get3A_204 = vector.shape_cast %get3A_203 : vector<1x1x128x1xf32> to vector<128x1xf32>
    %sub3A_205 = arith.subf %get3A_198, %get3A_186 : vector<128x1xf32>
    %sub3A_206 = arith.subf %get3A_204, %get3A_192 : vector<128x1xf32>
    %mul3A_207 = arith.mulf %sub3A_205, %sub3A_206 : vector<128x1xf32>
    %slice3A_208 = vector.extract_strided_slice %get3A_3 {offsets = [0, 256], sizes = [1, 2816], strides = [1, 1]} : vector<1x3072xf32> to vector<1x2816xf32>
    %max3A_209 = vector.broadcast %get3A_186 : vector<128x1xf32> to vector<128x2816xf32>
    %max3A_210 = vector.broadcast %slice3A_208 : vector<1x2816xf32> to vector<128x2816xf32>
    %max3A_211 = arith.maximumf %max3A_209, %max3A_210 : vector<128x2816xf32>
    %slice3A_212 = vector.extract_strided_slice %get3A_8 {offsets = [0, 256], sizes = [1, 2816], strides = [1, 1]} : vector<1x3072xf32> to vector<1x2816xf32>
    %max3A_213 = vector.broadcast %get3A_192 : vector<128x1xf32> to vector<128x2816xf32>
    %max3A_214 = vector.broadcast %slice3A_212 : vector<1x2816xf32> to vector<128x2816xf32>
    %max3A_215 = arith.maximumf %max3A_213, %max3A_214 : vector<128x2816xf32>
    %slice3A_216 = vector.extract_strided_slice %get3A_13 {offsets = [0, 256], sizes = [1, 2816], strides = [1, 1]} : vector<1x3072xf32> to vector<1x2816xf32>
    %min3A_217 = vector.broadcast %get3A_198 : vector<128x1xf32> to vector<128x2816xf32>
    %min3A_218 = vector.broadcast %slice3A_216 : vector<1x2816xf32> to vector<128x2816xf32>
    %min3A_219 = arith.minimumf %min3A_217, %min3A_218 : vector<128x2816xf32>
    %slice3A_220 = vector.extract_strided_slice %get3A_18 {offsets = [0, 256], sizes = [1, 2816], strides = [1, 1]} : vector<1x3072xf32> to vector<1x2816xf32>
    %min3A_221 = vector.broadcast %get3A_204 : vector<128x1xf32> to vector<128x2816xf32>
    %min3A_222 = vector.broadcast %slice3A_220 : vector<1x2816xf32> to vector<128x2816xf32>
    %min3A_223 = arith.minimumf %min3A_221, %min3A_222 : vector<128x2816xf32>
    %sub3A_224 = arith.subf %min3A_219, %max3A_211 : vector<128x2816xf32>
    %max3A_225 = arith.constant 0.000000e+00 : f32
    %max3A_226 = vector.broadcast %max3A_225 : f32 to vector<128x2816xf32>
    %max3A_227 = arith.maximumf %sub3A_224, %max3A_226 : vector<128x2816xf32>
    %sub3A_228 = arith.subf %min3A_223, %max3A_215 : vector<128x2816xf32>
    %max3A_229 = arith.constant 0.000000e+00 : f32
    %max3A_230 = vector.broadcast %max3A_229 : f32 to vector<128x2816xf32>
    %max3A_231 = arith.maximumf %sub3A_228, %max3A_230 : vector<128x2816xf32>
    %mul3A_232 = arith.mulf %max3A_227, %max3A_231 : vector<128x2816xf32>
    %slice3A_233 = vector.extract_strided_slice %mul3A {offsets = [0, 256], sizes = [1, 2816], strides = [1, 1]} : vector<1x3072xf32> to vector<1x2816xf32>
    %add3A_234 = vector.broadcast %mul3A_207 : vector<128x1xf32> to vector<128x2816xf32>
    %add3A_235 = vector.broadcast %slice3A_233 : vector<1x2816xf32> to vector<128x2816xf32>
    %add3A_236 = arith.addf %add3A_234, %add3A_235 : vector<128x2816xf32>
    %sub3A_237 = arith.subf %add3A_236, %mul3A_232 : vector<128x2816xf32>
    %add3A_238 = arith.constant 9.99999971E-10 : f32
    %add3A_239 = vector.broadcast %add3A_238 : f32 to vector<128x2816xf32>
    %add3A_240 = arith.addf %sub3A_237, %add3A_239 : vector<128x2816xf32>
    %div3A_241 = arith.divf %mul3A_232, %add3A_240 : vector<128x2816xf32>
    %gt3A_242 = arith.constant 0.699999988 : f32
    %gt3A_243 = vector.broadcast %gt3A_242 : f32 to vector<128x2816xf32>
    %gt3A_244 = arith.cmpf ogt, %div3A_241, %gt3A_243 : vector<128x2816xf32>
    %convert_element_type3A_245 = arith.extui %gt3A_244 : vector<128x2816xi1> to vector<128x2816xi32>
    %convert_element_type3A_246 = arith.sitofp %convert_element_type3A_245 : vector<128x2816xi32> to vector<128x2816xf32>
    %gt3A_247 = arith.cmpi sgt, %iota3A_20, %iota3A : vector<128x128xi32>
    %slice3A_248 = vector.extract_strided_slice %convert_element_type3A_246 {offsets = [0, 0], sizes = [128, 128], strides = [1, 1]} : vector<128x2816xf32> to vector<128x128xf32>
    %jit3A_249 = arith.constant 0.000000e+00 : f32
    %broadcast_in_dim3A_250 = vector.broadcast %jit3A_249 : f32 to vector<128x128xf32>
    %select_n3A_251 = arith.select %gt3A_247, %slice3A_248, %broadcast_in_dim3A_250 : vector<128x128xi1>, vector<128x128xf32>
    %slice3A_252 = vector.extract_strided_slice %concatenate3A_180 {offsets = [0, 256], sizes = [1, 128], strides = [1, 1]} : vector<1x3072xf32> to vector<1x128xf32>
    %broadcast_in_dim3A_253 = arith.constant 0.000000e+00 : f32
    %broadcast_in_dim3A_254 = vector.broadcast %broadcast_in_dim3A_253 : f32 to vector<1x128xf32>
    %while3A_255:2 = scf.while (%while3A_2089 = %slice3A_252, %while3A_2090 = %broadcast_in_dim3A_254) : (vector<1x128xf32>, vector<1x128xf32>) -> (vector<1x128xf32>, vector<1x128xf32>) {
      %reduce_max3A = vector.shape_cast %while3A_2089 : vector<1x128xf32> to vector<1x1x128xf32>
      %reduce_max3A_2091 = arith.constant dense<0xFF800000> : vector<1xf32>
      %reduce_max3A_2092 = vector.multi_reduction <maximumf>, %reduce_max3A, %reduce_max3A_2091 [1, 2] : vector<1x1x128xf32> to vector<1xf32>
      %reduce_max3A_2093 = vector.shape_cast %reduce_max3A_2092 : vector<1xf32> to vector<1x1x1xf32>
      %reduce_max3A_2094 = vector.extract %reduce_max3A_2093[0, 0, 0] : f32 from vector<1x1x1xf32>
      %gt3A_2095 = arith.constant 5.000000e-01 : f32
      %gt3A_2096 = arith.cmpf ogt, %reduce_max3A_2094, %gt3A_2095 : f32
      scf.condition(%gt3A_2096) %while3A_2089, %while3A_2090 : vector<1x128xf32>, vector<1x128xf32>
    } do {
    ^bb0(%while3A_2089: vector<1x128xf32>, %while3A_2090: vector<1x128xf32>):
      %dot_general3A_2091 = arith.constant dense<0.000000e+00> : vector<1x128xf32>
      %dot_general3A_2092 = tpu.matmul %while3A_2089, %select_n3A_251, %dot_general3A_2091 {dimension_numbers = #tpu.dot_dimension_numbers<[1], [0], [0], [1], [0, 0, 1, 1], [], []>, transpose_lhs_hint = false} : vector<1x128xf32>, vector<128x128xf32>, vector<1x128xf32> -> vector<1x128xf32>
      %lt3A = arith.constant 5.000000e-01 : f32
      %lt3A_2093 = vector.broadcast %lt3A : f32 to vector<1x128xf32>
      %lt3A_2094 = arith.cmpf olt, %dot_general3A_2092, %lt3A_2093 : vector<1x128xf32>
      %convert_element_type3A_2095 = arith.extui %lt3A_2094 : vector<1x128xi1> to vector<1x128xi32>
      %convert_element_type3A_2096 = arith.sitofp %convert_element_type3A_2095 : vector<1x128xi32> to vector<1x128xf32>
      %mul3A_2097 = arith.mulf %while3A_2089, %convert_element_type3A_2096 : vector<1x128xf32>
      %add3A_2098 = arith.addf %while3A_2090, %mul3A_2097 : vector<1x128xf32>
      %dot_general3A_2099 = arith.constant dense<0.000000e+00> : vector<1x128xf32>
      %dot_general3A_2100 = tpu.matmul %mul3A_2097, %select_n3A_251, %dot_general3A_2099 {dimension_numbers = #tpu.dot_dimension_numbers<[1], [0], [0], [1], [0, 0, 1, 1], [], []>, transpose_lhs_hint = false} : vector<1x128xf32>, vector<128x128xf32>, vector<1x128xf32> -> vector<1x128xf32>
      %sub3A_2101 = arith.constant 1.000000e+00 : f32
      %sub3A_2102 = vector.broadcast %sub3A_2101 : f32 to vector<1x128xf32>
      %sub3A_2103 = arith.subf %sub3A_2102, %mul3A_2097 : vector<1x128xf32>
      %mul3A_2104 = arith.mulf %while3A_2089, %sub3A_2103 : vector<1x128xf32>
      %lt3A_2105 = arith.constant 5.000000e-01 : f32
      %lt3A_2106 = vector.broadcast %lt3A_2105 : f32 to vector<1x128xf32>
      %lt3A_2107 = arith.cmpf olt, %dot_general3A_2100, %lt3A_2106 : vector<1x128xf32>
      %convert_element_type3A_2108 = arith.extui %lt3A_2107 : vector<1x128xi1> to vector<1x128xi32>
      %convert_element_type3A_2109 = arith.sitofp %convert_element_type3A_2108 : vector<1x128xi32> to vector<1x128xf32>
      %mul3A_2110 = arith.mulf %mul3A_2104, %convert_element_type3A_2109 : vector<1x128xf32>
      scf.yield %mul3A_2110, %add3A_2098 : vector<1x128xf32>, vector<1x128xf32>
    }
    %dot_general3A_256 = arith.constant dense<0.000000e+00> : vector<1x2816xf32>
    %dot_general3A_257 = tpu.matmul %while3A_255#1, %convert_element_type3A_246, %dot_general3A_256 {dimension_numbers = #tpu.dot_dimension_numbers<[1], [0], [0], [1], [0, 0, 1, 1], [], []>, transpose_lhs_hint = false} : vector<1x128xf32>, vector<128x2816xf32>, vector<1x2816xf32> -> vector<1x2816xf32>
    %slice3A_258 = vector.extract_strided_slice %dot_general3A_257 {offsets = [0, 128], sizes = [1, 2688], strides = [1, 1]} : vector<1x2816xf32> to vector<1x2688xf32>
    %gt3A_259 = arith.constant 5.000000e-01 : f32
    %gt3A_260 = vector.broadcast %gt3A_259 : f32 to vector<1x2688xf32>
    %gt3A_261 = arith.cmpf ogt, %slice3A_258, %gt3A_260 : vector<1x2688xf32>
    %slice3A_262 = vector.extract_strided_slice %concatenate3A_180 {offsets = [0, 384], sizes = [1, 2688], strides = [1, 1]} : vector<1x3072xf32> to vector<1x2688xf32>
    %jit3A_263 = arith.constant 0.000000e+00 : f32
    %broadcast_in_dim3A_264 = vector.broadcast %jit3A_263 : f32 to vector<1x2688xf32>
    %select_n3A_265 = arith.select %gt3A_261, %broadcast_in_dim3A_264, %slice3A_262 : vector<1x2688xi1>, vector<1x2688xf32>
    %slice3A_266 = vector.extract_strided_slice %concatenate3A_180 {offsets = [0, 0], sizes = [1, 256], strides = [1, 1]} : vector<1x3072xf32> to vector<1x256xf32>
    %concatenate3A_267 = tpu.concatenate %slice3A_266, %while3A_255#1, %select_n3A_265 in 1 : vector<1x256xf32>, vector<1x128xf32>, vector<1x2688xf32> -> vector<1x3072xf32>
    %get3A_268 = arith.constant 0 : index
    %get3A_269 = arith.constant 3 : index
    %get3A_270 = arith.constant 0 : index
    %get3A_271 = arith.constant 0 : index
    %get3A_272 = vector.load %arg5[%get3A_268, %get3A_269, %get3A_270, %get3A_271] : memref<1x24x128x1xf32, #tpu.memory_space<vmem>>, vector<1x1x128x1xf32>
    %get3A_273 = vector.shape_cast %get3A_272 : vector<1x1x128x1xf32> to vector<128x1xf32>
    %get3A_274 = arith.constant 0 : index
    %get3A_275 = arith.constant 3 : index
    %get3A_276 = arith.constant 0 : index
    %get3A_277 = arith.constant 0 : index
    %get3A_278 = vector.load %arg6[%get3A_274, %get3A_275, %get3A_276, %get3A_277] : memref<1x24x128x1xf32, #tpu.memory_space<vmem>>, vector<1x1x128x1xf32>
    %get3A_279 = vector.shape_cast %get3A_278 : vector<1x1x128x1xf32> to vector<128x1xf32>
    %get3A_280 = arith.constant 0 : index
    %get3A_281 = arith.constant 3 : index
    %get3A_282 = arith.constant 0 : index
    %get3A_283 = arith.constant 0 : index
    %get3A_284 = vector.load %arg7[%get3A_280, %get3A_281, %get3A_282, %get3A_283] : memref<1x24x128x1xf32, #tpu.memory_space<vmem>>, vector<1x1x128x1xf32>
    %get3A_285 = vector.shape_cast %get3A_284 : vector<1x1x128x1xf32> to vector<128x1xf32>
    %get3A_286 = arith.constant 0 : index
    %get3A_287 = arith.constant 3 : index
    %get3A_288 = arith.constant 0 : index
    %get3A_289 = arith.constant 0 : index
    %get3A_290 = vector.load %arg8[%get3A_286, %get3A_287, %get3A_288, %get3A_289] : memref<1x24x128x1xf32, #tpu.memory_space<vmem>>, vector<1x1x128x1xf32>
    %get3A_291 = vector.shape_cast %get3A_290 : vector<1x1x128x1xf32> to vector<128x1xf32>
    %sub3A_292 = arith.subf %get3A_285, %get3A_273 : vector<128x1xf32>
    %sub3A_293 = arith.subf %get3A_291, %get3A_279 : vector<128x1xf32>
    %mul3A_294 = arith.mulf %sub3A_292, %sub3A_293 : vector<128x1xf32>
    %slice3A_295 = vector.extract_strided_slice %get3A_3 {offsets = [0, 384], sizes = [1, 2688], strides = [1, 1]} : vector<1x3072xf32> to vector<1x2688xf32>
    %max3A_296 = vector.broadcast %get3A_273 : vector<128x1xf32> to vector<128x2688xf32>
    %max3A_297 = vector.broadcast %slice3A_295 : vector<1x2688xf32> to vector<128x2688xf32>
    %max3A_298 = arith.maximumf %max3A_296, %max3A_297 : vector<128x2688xf32>
    %slice3A_299 = vector.extract_strided_slice %get3A_8 {offsets = [0, 384], sizes = [1, 2688], strides = [1, 1]} : vector<1x3072xf32> to vector<1x2688xf32>
    %max3A_300 = vector.broadcast %get3A_279 : vector<128x1xf32> to vector<128x2688xf32>
    %max3A_301 = vector.broadcast %slice3A_299 : vector<1x2688xf32> to vector<128x2688xf32>
    %max3A_302 = arith.maximumf %max3A_300, %max3A_301 : vector<128x2688xf32>
    %slice3A_303 = vector.extract_strided_slice %get3A_13 {offsets = [0, 384], sizes = [1, 2688], strides = [1, 1]} : vector<1x3072xf32> to vector<1x2688xf32>
    %min3A_304 = vector.broadcast %get3A_285 : vector<128x1xf32> to vector<128x2688xf32>
    %min3A_305 = vector.broadcast %slice3A_303 : vector<1x2688xf32> to vector<128x2688xf32>
    %min3A_306 = arith.minimumf %min3A_304, %min3A_305 : vector<128x2688xf32>
    %slice3A_307 = vector.extract_strided_slice %get3A_18 {offsets = [0, 384], sizes = [1, 2688], strides = [1, 1]} : vector<1x3072xf32> to vector<1x2688xf32>
    %min3A_308 = vector.broadcast %get3A_291 : vector<128x1xf32> to vector<128x2688xf32>
    %min3A_309 = vector.broadcast %slice3A_307 : vector<1x2688xf32> to vector<128x2688xf32>
    %min3A_310 = arith.minimumf %min3A_308, %min3A_309 : vector<128x2688xf32>
    %sub3A_311 = arith.subf %min3A_306, %max3A_298 : vector<128x2688xf32>
    %max3A_312 = arith.constant 0.000000e+00 : f32
    %max3A_313 = vector.broadcast %max3A_312 : f32 to vector<128x2688xf32>
    %max3A_314 = arith.maximumf %sub3A_311, %max3A_313 : vector<128x2688xf32>
    %sub3A_315 = arith.subf %min3A_310, %max3A_302 : vector<128x2688xf32>
    %max3A_316 = arith.constant 0.000000e+00 : f32
    %max3A_317 = vector.broadcast %max3A_316 : f32 to vector<128x2688xf32>
    %max3A_318 = arith.maximumf %sub3A_315, %max3A_317 : vector<128x2688xf32>
    %mul3A_319 = arith.mulf %max3A_314, %max3A_318 : vector<128x2688xf32>
    %slice3A_320 = vector.extract_strided_slice %mul3A {offsets = [0, 384], sizes = [1, 2688], strides = [1, 1]} : vector<1x3072xf32> to vector<1x2688xf32>
    %add3A_321 = vector.broadcast %mul3A_294 : vector<128x1xf32> to vector<128x2688xf32>
    %add3A_322 = vector.broadcast %slice3A_320 : vector<1x2688xf32> to vector<128x2688xf32>
    %add3A_323 = arith.addf %add3A_321, %add3A_322 : vector<128x2688xf32>
    %sub3A_324 = arith.subf %add3A_323, %mul3A_319 : vector<128x2688xf32>
    %add3A_325 = arith.constant 9.99999971E-10 : f32
    %add3A_326 = vector.broadcast %add3A_325 : f32 to vector<128x2688xf32>
    %add3A_327 = arith.addf %sub3A_324, %add3A_326 : vector<128x2688xf32>
    %div3A_328 = arith.divf %mul3A_319, %add3A_327 : vector<128x2688xf32>
    %gt3A_329 = arith.constant 0.699999988 : f32
    %gt3A_330 = vector.broadcast %gt3A_329 : f32 to vector<128x2688xf32>
    %gt3A_331 = arith.cmpf ogt, %div3A_328, %gt3A_330 : vector<128x2688xf32>
    %convert_element_type3A_332 = arith.extui %gt3A_331 : vector<128x2688xi1> to vector<128x2688xi32>
    %convert_element_type3A_333 = arith.sitofp %convert_element_type3A_332 : vector<128x2688xi32> to vector<128x2688xf32>
    %gt3A_334 = arith.cmpi sgt, %iota3A_20, %iota3A : vector<128x128xi32>
    %slice3A_335 = vector.extract_strided_slice %convert_element_type3A_333 {offsets = [0, 0], sizes = [128, 128], strides = [1, 1]} : vector<128x2688xf32> to vector<128x128xf32>
    %jit3A_336 = arith.constant 0.000000e+00 : f32
    %broadcast_in_dim3A_337 = vector.broadcast %jit3A_336 : f32 to vector<128x128xf32>
    %select_n3A_338 = arith.select %gt3A_334, %slice3A_335, %broadcast_in_dim3A_337 : vector<128x128xi1>, vector<128x128xf32>
    %slice3A_339 = vector.extract_strided_slice %concatenate3A_267 {offsets = [0, 384], sizes = [1, 128], strides = [1, 1]} : vector<1x3072xf32> to vector<1x128xf32>
    %broadcast_in_dim3A_340 = arith.constant 0.000000e+00 : f32
    %broadcast_in_dim3A_341 = vector.broadcast %broadcast_in_dim3A_340 : f32 to vector<1x128xf32>
    %while3A_342:2 = scf.while (%while3A_2089 = %slice3A_339, %while3A_2090 = %broadcast_in_dim3A_341) : (vector<1x128xf32>, vector<1x128xf32>) -> (vector<1x128xf32>, vector<1x128xf32>) {
      %reduce_max3A = vector.shape_cast %while3A_2089 : vector<1x128xf32> to vector<1x1x128xf32>
      %reduce_max3A_2091 = arith.constant dense<0xFF800000> : vector<1xf32>
      %reduce_max3A_2092 = vector.multi_reduction <maximumf>, %reduce_max3A, %reduce_max3A_2091 [1, 2] : vector<1x1x128xf32> to vector<1xf32>
      %reduce_max3A_2093 = vector.shape_cast %reduce_max3A_2092 : vector<1xf32> to vector<1x1x1xf32>
      %reduce_max3A_2094 = vector.extract %reduce_max3A_2093[0, 0, 0] : f32 from vector<1x1x1xf32>
      %gt3A_2095 = arith.constant 5.000000e-01 : f32
      %gt3A_2096 = arith.cmpf ogt, %reduce_max3A_2094, %gt3A_2095 : f32
      scf.condition(%gt3A_2096) %while3A_2089, %while3A_2090 : vector<1x128xf32>, vector<1x128xf32>
    } do {
    ^bb0(%while3A_2089: vector<1x128xf32>, %while3A_2090: vector<1x128xf32>):
      %dot_general3A_2091 = arith.constant dense<0.000000e+00> : vector<1x128xf32>
      %dot_general3A_2092 = tpu.matmul %while3A_2089, %select_n3A_338, %dot_general3A_2091 {dimension_numbers = #tpu.dot_dimension_numbers<[1], [0], [0], [1], [0, 0, 1, 1], [], []>, transpose_lhs_hint = false} : vector<1x128xf32>, vector<128x128xf32>, vector<1x128xf32> -> vector<1x128xf32>
      %lt3A = arith.constant 5.000000e-01 : f32
      %lt3A_2093 = vector.broadcast %lt3A : f32 to vector<1x128xf32>
      %lt3A_2094 = arith.cmpf olt, %dot_general3A_2092, %lt3A_2093 : vector<1x128xf32>
      %convert_element_type3A_2095 = arith.extui %lt3A_2094 : vector<1x128xi1> to vector<1x128xi32>
      %convert_element_type3A_2096 = arith.sitofp %convert_element_type3A_2095 : vector<1x128xi32> to vector<1x128xf32>
      %mul3A_2097 = arith.mulf %while3A_2089, %convert_element_type3A_2096 : vector<1x128xf32>
      %add3A_2098 = arith.addf %while3A_2090, %mul3A_2097 : vector<1x128xf32>
      %dot_general3A_2099 = arith.constant dense<0.000000e+00> : vector<1x128xf32>
      %dot_general3A_2100 = tpu.matmul %mul3A_2097, %select_n3A_338, %dot_general3A_2099 {dimension_numbers = #tpu.dot_dimension_numbers<[1], [0], [0], [1], [0, 0, 1, 1], [], []>, transpose_lhs_hint = false} : vector<1x128xf32>, vector<128x128xf32>, vector<1x128xf32> -> vector<1x128xf32>
      %sub3A_2101 = arith.constant 1.000000e+00 : f32
      %sub3A_2102 = vector.broadcast %sub3A_2101 : f32 to vector<1x128xf32>
      %sub3A_2103 = arith.subf %sub3A_2102, %mul3A_2097 : vector<1x128xf32>
      %mul3A_2104 = arith.mulf %while3A_2089, %sub3A_2103 : vector<1x128xf32>
      %lt3A_2105 = arith.constant 5.000000e-01 : f32
      %lt3A_2106 = vector.broadcast %lt3A_2105 : f32 to vector<1x128xf32>
      %lt3A_2107 = arith.cmpf olt, %dot_general3A_2100, %lt3A_2106 : vector<1x128xf32>
      %convert_element_type3A_2108 = arith.extui %lt3A_2107 : vector<1x128xi1> to vector<1x128xi32>
      %convert_element_type3A_2109 = arith.sitofp %convert_element_type3A_2108 : vector<1x128xi32> to vector<1x128xf32>
      %mul3A_2110 = arith.mulf %mul3A_2104, %convert_element_type3A_2109 : vector<1x128xf32>
      scf.yield %mul3A_2110, %add3A_2098 : vector<1x128xf32>, vector<1x128xf32>
    }
    %dot_general3A_343 = arith.constant dense<0.000000e+00> : vector<1x2688xf32>
    %dot_general3A_344 = tpu.matmul %while3A_342#1, %convert_element_type3A_333, %dot_general3A_343 {dimension_numbers = #tpu.dot_dimension_numbers<[1], [0], [0], [1], [0, 0, 1, 1], [], []>, transpose_lhs_hint = false} : vector<1x128xf32>, vector<128x2688xf32>, vector<1x2688xf32> -> vector<1x2688xf32>
    %slice3A_345 = vector.extract_strided_slice %dot_general3A_344 {offsets = [0, 128], sizes = [1, 2560], strides = [1, 1]} : vector<1x2688xf32> to vector<1x2560xf32>
    %gt3A_346 = arith.constant 5.000000e-01 : f32
    %gt3A_347 = vector.broadcast %gt3A_346 : f32 to vector<1x2560xf32>
    %gt3A_348 = arith.cmpf ogt, %slice3A_345, %gt3A_347 : vector<1x2560xf32>
    %slice3A_349 = vector.extract_strided_slice %concatenate3A_267 {offsets = [0, 512], sizes = [1, 2560], strides = [1, 1]} : vector<1x3072xf32> to vector<1x2560xf32>
    %jit3A_350 = arith.constant 0.000000e+00 : f32
    %broadcast_in_dim3A_351 = vector.broadcast %jit3A_350 : f32 to vector<1x2560xf32>
    %select_n3A_352 = arith.select %gt3A_348, %broadcast_in_dim3A_351, %slice3A_349 : vector<1x2560xi1>, vector<1x2560xf32>
    %slice3A_353 = vector.extract_strided_slice %concatenate3A_267 {offsets = [0, 0], sizes = [1, 384], strides = [1, 1]} : vector<1x3072xf32> to vector<1x384xf32>
    %concatenate3A_354 = tpu.concatenate %slice3A_353, %while3A_342#1, %select_n3A_352 in 1 : vector<1x384xf32>, vector<1x128xf32>, vector<1x2560xf32> -> vector<1x3072xf32>
    %get3A_355 = arith.constant 0 : index
    %get3A_356 = arith.constant 4 : index
    %get3A_357 = arith.constant 0 : index
    %get3A_358 = arith.constant 0 : index
    %get3A_359 = vector.load %arg5[%get3A_355, %get3A_356, %get3A_357, %get3A_358] : memref<1x24x128x1xf32, #tpu.memory_space<vmem>>, vector<1x1x128x1xf32>
    %get3A_360 = vector.shape_cast %get3A_359 : vector<1x1x128x1xf32> to vector<128x1xf32>
    %get3A_361 = arith.constant 0 : index
    %get3A_362 = arith.constant 4 : index
    %get3A_363 = arith.constant 0 : index
    %get3A_364 = arith.constant 0 : index
    %get3A_365 = vector.load %arg6[%get3A_361, %get3A_362, %get3A_363, %get3A_364] : memref<1x24x128x1xf32, #tpu.memory_space<vmem>>, vector<1x1x128x1xf32>
    %get3A_366 = vector.shape_cast %get3A_365 : vector<1x1x128x1xf32> to vector<128x1xf32>
    %get3A_367 = arith.constant 0 : index
    %get3A_368 = arith.constant 4 : index
    %get3A_369 = arith.constant 0 : index
    %get3A_370 = arith.constant 0 : index
    %get3A_371 = vector.load %arg7[%get3A_367, %get3A_368, %get3A_369, %get3A_370] : memref<1x24x128x1xf32, #tpu.memory_space<vmem>>, vector<1x1x128x1xf32>
    %get3A_372 = vector.shape_cast %get3A_371 : vector<1x1x128x1xf32> to vector<128x1xf32>
    %get3A_373 = arith.constant 0 : index
    %get3A_374 = arith.constant 4 : index
    %get3A_375 = arith.constant 0 : index
    %get3A_376 = arith.constant 0 : index
    %get3A_377 = vector.load %arg8[%get3A_373, %get3A_374, %get3A_375, %get3A_376] : memref<1x24x128x1xf32, #tpu.memory_space<vmem>>, vector<1x1x128x1xf32>
    %get3A_378 = vector.shape_cast %get3A_377 : vector<1x1x128x1xf32> to vector<128x1xf32>
    %sub3A_379 = arith.subf %get3A_372, %get3A_360 : vector<128x1xf32>
    %sub3A_380 = arith.subf %get3A_378, %get3A_366 : vector<128x1xf32>
    %mul3A_381 = arith.mulf %sub3A_379, %sub3A_380 : vector<128x1xf32>
    %slice3A_382 = vector.extract_strided_slice %get3A_3 {offsets = [0, 512], sizes = [1, 2560], strides = [1, 1]} : vector<1x3072xf32> to vector<1x2560xf32>
    %max3A_383 = vector.broadcast %get3A_360 : vector<128x1xf32> to vector<128x2560xf32>
    %max3A_384 = vector.broadcast %slice3A_382 : vector<1x2560xf32> to vector<128x2560xf32>
    %max3A_385 = arith.maximumf %max3A_383, %max3A_384 : vector<128x2560xf32>
    %slice3A_386 = vector.extract_strided_slice %get3A_8 {offsets = [0, 512], sizes = [1, 2560], strides = [1, 1]} : vector<1x3072xf32> to vector<1x2560xf32>
    %max3A_387 = vector.broadcast %get3A_366 : vector<128x1xf32> to vector<128x2560xf32>
    %max3A_388 = vector.broadcast %slice3A_386 : vector<1x2560xf32> to vector<128x2560xf32>
    %max3A_389 = arith.maximumf %max3A_387, %max3A_388 : vector<128x2560xf32>
    %slice3A_390 = vector.extract_strided_slice %get3A_13 {offsets = [0, 512], sizes = [1, 2560], strides = [1, 1]} : vector<1x3072xf32> to vector<1x2560xf32>
    %min3A_391 = vector.broadcast %get3A_372 : vector<128x1xf32> to vector<128x2560xf32>
    %min3A_392 = vector.broadcast %slice3A_390 : vector<1x2560xf32> to vector<128x2560xf32>
    %min3A_393 = arith.minimumf %min3A_391, %min3A_392 : vector<128x2560xf32>
    %slice3A_394 = vector.extract_strided_slice %get3A_18 {offsets = [0, 512], sizes = [1, 2560], strides = [1, 1]} : vector<1x3072xf32> to vector<1x2560xf32>
    %min3A_395 = vector.broadcast %get3A_378 : vector<128x1xf32> to vector<128x2560xf32>
    %min3A_396 = vector.broadcast %slice3A_394 : vector<1x2560xf32> to vector<128x2560xf32>
    %min3A_397 = arith.minimumf %min3A_395, %min3A_396 : vector<128x2560xf32>
    %sub3A_398 = arith.subf %min3A_393, %max3A_385 : vector<128x2560xf32>
    %max3A_399 = arith.constant 0.000000e+00 : f32
    %max3A_400 = vector.broadcast %max3A_399 : f32 to vector<128x2560xf32>
    %max3A_401 = arith.maximumf %sub3A_398, %max3A_400 : vector<128x2560xf32>
    %sub3A_402 = arith.subf %min3A_397, %max3A_389 : vector<128x2560xf32>
    %max3A_403 = arith.constant 0.000000e+00 : f32
    %max3A_404 = vector.broadcast %max3A_403 : f32 to vector<128x2560xf32>
    %max3A_405 = arith.maximumf %sub3A_402, %max3A_404 : vector<128x2560xf32>
    %mul3A_406 = arith.mulf %max3A_401, %max3A_405 : vector<128x2560xf32>
    %slice3A_407 = vector.extract_strided_slice %mul3A {offsets = [0, 512], sizes = [1, 2560], strides = [1, 1]} : vector<1x3072xf32> to vector<1x2560xf32>
    %add3A_408 = vector.broadcast %mul3A_381 : vector<128x1xf32> to vector<128x2560xf32>
    %add3A_409 = vector.broadcast %slice3A_407 : vector<1x2560xf32> to vector<128x2560xf32>
    %add3A_410 = arith.addf %add3A_408, %add3A_409 : vector<128x2560xf32>
    %sub3A_411 = arith.subf %add3A_410, %mul3A_406 : vector<128x2560xf32>
    %add3A_412 = arith.constant 9.99999971E-10 : f32
    %add3A_413 = vector.broadcast %add3A_412 : f32 to vector<128x2560xf32>
    %add3A_414 = arith.addf %sub3A_411, %add3A_413 : vector<128x2560xf32>
    %div3A_415 = arith.divf %mul3A_406, %add3A_414 : vector<128x2560xf32>
    %gt3A_416 = arith.constant 0.699999988 : f32
    %gt3A_417 = vector.broadcast %gt3A_416 : f32 to vector<128x2560xf32>
    %gt3A_418 = arith.cmpf ogt, %div3A_415, %gt3A_417 : vector<128x2560xf32>
    %convert_element_type3A_419 = arith.extui %gt3A_418 : vector<128x2560xi1> to vector<128x2560xi32>
    %convert_element_type3A_420 = arith.sitofp %convert_element_type3A_419 : vector<128x2560xi32> to vector<128x2560xf32>
    %gt3A_421 = arith.cmpi sgt, %iota3A_20, %iota3A : vector<128x128xi32>
    %slice3A_422 = vector.extract_strided_slice %convert_element_type3A_420 {offsets = [0, 0], sizes = [128, 128], strides = [1, 1]} : vector<128x2560xf32> to vector<128x128xf32>
    %jit3A_423 = arith.constant 0.000000e+00 : f32
    %broadcast_in_dim3A_424 = vector.broadcast %jit3A_423 : f32 to vector<128x128xf32>
    %select_n3A_425 = arith.select %gt3A_421, %slice3A_422, %broadcast_in_dim3A_424 : vector<128x128xi1>, vector<128x128xf32>
    %slice3A_426 = vector.extract_strided_slice %concatenate3A_354 {offsets = [0, 512], sizes = [1, 128], strides = [1, 1]} : vector<1x3072xf32> to vector<1x128xf32>
    %broadcast_in_dim3A_427 = arith.constant 0.000000e+00 : f32
    %broadcast_in_dim3A_428 = vector.broadcast %broadcast_in_dim3A_427 : f32 to vector<1x128xf32>
    %while3A_429:2 = scf.while (%while3A_2089 = %slice3A_426, %while3A_2090 = %broadcast_in_dim3A_428) : (vector<1x128xf32>, vector<1x128xf32>) -> (vector<1x128xf32>, vector<1x128xf32>) {
      %reduce_max3A = vector.shape_cast %while3A_2089 : vector<1x128xf32> to vector<1x1x128xf32>
      %reduce_max3A_2091 = arith.constant dense<0xFF800000> : vector<1xf32>
      %reduce_max3A_2092 = vector.multi_reduction <maximumf>, %reduce_max3A, %reduce_max3A_2091 [1, 2] : vector<1x1x128xf32> to vector<1xf32>
      %reduce_max3A_2093 = vector.shape_cast %reduce_max3A_2092 : vector<1xf32> to vector<1x1x1xf32>
      %reduce_max3A_2094 = vector.extract %reduce_max3A_2093[0, 0, 0] : f32 from vector<1x1x1xf32>
      %gt3A_2095 = arith.constant 5.000000e-01 : f32
      %gt3A_2096 = arith.cmpf ogt, %reduce_max3A_2094, %gt3A_2095 : f32
      scf.condition(%gt3A_2096) %while3A_2089, %while3A_2090 : vector<1x128xf32>, vector<1x128xf32>
    } do {
    ^bb0(%while3A_2089: vector<1x128xf32>, %while3A_2090: vector<1x128xf32>):
      %dot_general3A_2091 = arith.constant dense<0.000000e+00> : vector<1x128xf32>
      %dot_general3A_2092 = tpu.matmul %while3A_2089, %select_n3A_425, %dot_general3A_2091 {dimension_numbers = #tpu.dot_dimension_numbers<[1], [0], [0], [1], [0, 0, 1, 1], [], []>, transpose_lhs_hint = false} : vector<1x128xf32>, vector<128x128xf32>, vector<1x128xf32> -> vector<1x128xf32>
      %lt3A = arith.constant 5.000000e-01 : f32
      %lt3A_2093 = vector.broadcast %lt3A : f32 to vector<1x128xf32>
      %lt3A_2094 = arith.cmpf olt, %dot_general3A_2092, %lt3A_2093 : vector<1x128xf32>
      %convert_element_type3A_2095 = arith.extui %lt3A_2094 : vector<1x128xi1> to vector<1x128xi32>
      %convert_element_type3A_2096 = arith.sitofp %convert_element_type3A_2095 : vector<1x128xi32> to vector<1x128xf32>
      %mul3A_2097 = arith.mulf %while3A_2089, %convert_element_type3A_2096 : vector<1x128xf32>
      %add3A_2098 = arith.addf %while3A_2090, %mul3A_2097 : vector<1x128xf32>
      %dot_general3A_2099 = arith.constant dense<0.000000e+00> : vector<1x128xf32>
      %dot_general3A_2100 = tpu.matmul %mul3A_2097, %select_n3A_425, %dot_general3A_2099 {dimension_numbers = #tpu.dot_dimension_numbers<[1], [0], [0], [1], [0, 0, 1, 1], [], []>, transpose_lhs_hint = false} : vector<1x128xf32>, vector<128x128xf32>, vector<1x128xf32> -> vector<1x128xf32>
      %sub3A_2101 = arith.constant 1.000000e+00 : f32
      %sub3A_2102 = vector.broadcast %sub3A_2101 : f32 to vector<1x128xf32>
      %sub3A_2103 = arith.subf %sub3A_2102, %mul3A_2097 : vector<1x128xf32>
      %mul3A_2104 = arith.mulf %while3A_2089, %sub3A_2103 : vector<1x128xf32>
      %lt3A_2105 = arith.constant 5.000000e-01 : f32
      %lt3A_2106 = vector.broadcast %lt3A_2105 : f32 to vector<1x128xf32>
      %lt3A_2107 = arith.cmpf olt, %dot_general3A_2100, %lt3A_2106 : vector<1x128xf32>
      %convert_element_type3A_2108 = arith.extui %lt3A_2107 : vector<1x128xi1> to vector<1x128xi32>
      %convert_element_type3A_2109 = arith.sitofp %convert_element_type3A_2108 : vector<1x128xi32> to vector<1x128xf32>
      %mul3A_2110 = arith.mulf %mul3A_2104, %convert_element_type3A_2109 : vector<1x128xf32>
      scf.yield %mul3A_2110, %add3A_2098 : vector<1x128xf32>, vector<1x128xf32>
    }
    %dot_general3A_430 = arith.constant dense<0.000000e+00> : vector<1x2560xf32>
    %dot_general3A_431 = tpu.matmul %while3A_429#1, %convert_element_type3A_420, %dot_general3A_430 {dimension_numbers = #tpu.dot_dimension_numbers<[1], [0], [0], [1], [0, 0, 1, 1], [], []>, transpose_lhs_hint = false} : vector<1x128xf32>, vector<128x2560xf32>, vector<1x2560xf32> -> vector<1x2560xf32>
    %slice3A_432 = vector.extract_strided_slice %dot_general3A_431 {offsets = [0, 128], sizes = [1, 2432], strides = [1, 1]} : vector<1x2560xf32> to vector<1x2432xf32>
    %gt3A_433 = arith.constant 5.000000e-01 : f32
    %gt3A_434 = vector.broadcast %gt3A_433 : f32 to vector<1x2432xf32>
    %gt3A_435 = arith.cmpf ogt, %slice3A_432, %gt3A_434 : vector<1x2432xf32>
    %slice3A_436 = vector.extract_strided_slice %concatenate3A_354 {offsets = [0, 640], sizes = [1, 2432], strides = [1, 1]} : vector<1x3072xf32> to vector<1x2432xf32>
    %jit3A_437 = arith.constant 0.000000e+00 : f32
    %broadcast_in_dim3A_438 = vector.broadcast %jit3A_437 : f32 to vector<1x2432xf32>
    %select_n3A_439 = arith.select %gt3A_435, %broadcast_in_dim3A_438, %slice3A_436 : vector<1x2432xi1>, vector<1x2432xf32>
    %slice3A_440 = vector.extract_strided_slice %concatenate3A_354 {offsets = [0, 0], sizes = [1, 512], strides = [1, 1]} : vector<1x3072xf32> to vector<1x512xf32>
    %concatenate3A_441 = tpu.concatenate %slice3A_440, %while3A_429#1, %select_n3A_439 in 1 : vector<1x512xf32>, vector<1x128xf32>, vector<1x2432xf32> -> vector<1x3072xf32>
    %get3A_442 = arith.constant 0 : index
    %get3A_443 = arith.constant 5 : index
    %get3A_444 = arith.constant 0 : index
    %get3A_445 = arith.constant 0 : index
    %get3A_446 = vector.load %arg5[%get3A_442, %get3A_443, %get3A_444, %get3A_445] : memref<1x24x128x1xf32, #tpu.memory_space<vmem>>, vector<1x1x128x1xf32>
    %get3A_447 = vector.shape_cast %get3A_446 : vector<1x1x128x1xf32> to vector<128x1xf32>
    %get3A_448 = arith.constant 0 : index
    %get3A_449 = arith.constant 5 : index
    %get3A_450 = arith.constant 0 : index
    %get3A_451 = arith.constant 0 : index
    %get3A_452 = vector.load %arg6[%get3A_448, %get3A_449, %get3A_450, %get3A_451] : memref<1x24x128x1xf32, #tpu.memory_space<vmem>>, vector<1x1x128x1xf32>
    %get3A_453 = vector.shape_cast %get3A_452 : vector<1x1x128x1xf32> to vector<128x1xf32>
    %get3A_454 = arith.constant 0 : index
    %get3A_455 = arith.constant 5 : index
    %get3A_456 = arith.constant 0 : index
    %get3A_457 = arith.constant 0 : index
    %get3A_458 = vector.load %arg7[%get3A_454, %get3A_455, %get3A_456, %get3A_457] : memref<1x24x128x1xf32, #tpu.memory_space<vmem>>, vector<1x1x128x1xf32>
    %get3A_459 = vector.shape_cast %get3A_458 : vector<1x1x128x1xf32> to vector<128x1xf32>
    %get3A_460 = arith.constant 0 : index
    %get3A_461 = arith.constant 5 : index
    %get3A_462 = arith.constant 0 : index
    %get3A_463 = arith.constant 0 : index
    %get3A_464 = vector.load %arg8[%get3A_460, %get3A_461, %get3A_462, %get3A_463] : memref<1x24x128x1xf32, #tpu.memory_space<vmem>>, vector<1x1x128x1xf32>
    %get3A_465 = vector.shape_cast %get3A_464 : vector<1x1x128x1xf32> to vector<128x1xf32>
    %sub3A_466 = arith.subf %get3A_459, %get3A_447 : vector<128x1xf32>
    %sub3A_467 = arith.subf %get3A_465, %get3A_453 : vector<128x1xf32>
    %mul3A_468 = arith.mulf %sub3A_466, %sub3A_467 : vector<128x1xf32>
    %slice3A_469 = vector.extract_strided_slice %get3A_3 {offsets = [0, 640], sizes = [1, 2432], strides = [1, 1]} : vector<1x3072xf32> to vector<1x2432xf32>
    %max3A_470 = vector.broadcast %get3A_447 : vector<128x1xf32> to vector<128x2432xf32>
    %max3A_471 = vector.broadcast %slice3A_469 : vector<1x2432xf32> to vector<128x2432xf32>
    %max3A_472 = arith.maximumf %max3A_470, %max3A_471 : vector<128x2432xf32>
    %slice3A_473 = vector.extract_strided_slice %get3A_8 {offsets = [0, 640], sizes = [1, 2432], strides = [1, 1]} : vector<1x3072xf32> to vector<1x2432xf32>
    %max3A_474 = vector.broadcast %get3A_453 : vector<128x1xf32> to vector<128x2432xf32>
    %max3A_475 = vector.broadcast %slice3A_473 : vector<1x2432xf32> to vector<128x2432xf32>
    %max3A_476 = arith.maximumf %max3A_474, %max3A_475 : vector<128x2432xf32>
    %slice3A_477 = vector.extract_strided_slice %get3A_13 {offsets = [0, 640], sizes = [1, 2432], strides = [1, 1]} : vector<1x3072xf32> to vector<1x2432xf32>
    %min3A_478 = vector.broadcast %get3A_459 : vector<128x1xf32> to vector<128x2432xf32>
    %min3A_479 = vector.broadcast %slice3A_477 : vector<1x2432xf32> to vector<128x2432xf32>
    %min3A_480 = arith.minimumf %min3A_478, %min3A_479 : vector<128x2432xf32>
    %slice3A_481 = vector.extract_strided_slice %get3A_18 {offsets = [0, 640], sizes = [1, 2432], strides = [1, 1]} : vector<1x3072xf32> to vector<1x2432xf32>
    %min3A_482 = vector.broadcast %get3A_465 : vector<128x1xf32> to vector<128x2432xf32>
    %min3A_483 = vector.broadcast %slice3A_481 : vector<1x2432xf32> to vector<128x2432xf32>
    %min3A_484 = arith.minimumf %min3A_482, %min3A_483 : vector<128x2432xf32>
    %sub3A_485 = arith.subf %min3A_480, %max3A_472 : vector<128x2432xf32>
    %max3A_486 = arith.constant 0.000000e+00 : f32
    %max3A_487 = vector.broadcast %max3A_486 : f32 to vector<128x2432xf32>
    %max3A_488 = arith.maximumf %sub3A_485, %max3A_487 : vector<128x2432xf32>
    %sub3A_489 = arith.subf %min3A_484, %max3A_476 : vector<128x2432xf32>
    %max3A_490 = arith.constant 0.000000e+00 : f32
    %max3A_491 = vector.broadcast %max3A_490 : f32 to vector<128x2432xf32>
    %max3A_492 = arith.maximumf %sub3A_489, %max3A_491 : vector<128x2432xf32>
    %mul3A_493 = arith.mulf %max3A_488, %max3A_492 : vector<128x2432xf32>
    %slice3A_494 = vector.extract_strided_slice %mul3A {offsets = [0, 640], sizes = [1, 2432], strides = [1, 1]} : vector<1x3072xf32> to vector<1x2432xf32>
    %add3A_495 = vector.broadcast %mul3A_468 : vector<128x1xf32> to vector<128x2432xf32>
    %add3A_496 = vector.broadcast %slice3A_494 : vector<1x2432xf32> to vector<128x2432xf32>
    %add3A_497 = arith.addf %add3A_495, %add3A_496 : vector<128x2432xf32>
    %sub3A_498 = arith.subf %add3A_497, %mul3A_493 : vector<128x2432xf32>
    %add3A_499 = arith.constant 9.99999971E-10 : f32
    %add3A_500 = vector.broadcast %add3A_499 : f32 to vector<128x2432xf32>
    %add3A_501 = arith.addf %sub3A_498, %add3A_500 : vector<128x2432xf32>
    %div3A_502 = arith.divf %mul3A_493, %add3A_501 : vector<128x2432xf32>
    %gt3A_503 = arith.constant 0.699999988 : f32
    %gt3A_504 = vector.broadcast %gt3A_503 : f32 to vector<128x2432xf32>
    %gt3A_505 = arith.cmpf ogt, %div3A_502, %gt3A_504 : vector<128x2432xf32>
    %convert_element_type3A_506 = arith.extui %gt3A_505 : vector<128x2432xi1> to vector<128x2432xi32>
    %convert_element_type3A_507 = arith.sitofp %convert_element_type3A_506 : vector<128x2432xi32> to vector<128x2432xf32>
    %gt3A_508 = arith.cmpi sgt, %iota3A_20, %iota3A : vector<128x128xi32>
    %slice3A_509 = vector.extract_strided_slice %convert_element_type3A_507 {offsets = [0, 0], sizes = [128, 128], strides = [1, 1]} : vector<128x2432xf32> to vector<128x128xf32>
    %jit3A_510 = arith.constant 0.000000e+00 : f32
    %broadcast_in_dim3A_511 = vector.broadcast %jit3A_510 : f32 to vector<128x128xf32>
    %select_n3A_512 = arith.select %gt3A_508, %slice3A_509, %broadcast_in_dim3A_511 : vector<128x128xi1>, vector<128x128xf32>
    %slice3A_513 = vector.extract_strided_slice %concatenate3A_441 {offsets = [0, 640], sizes = [1, 128], strides = [1, 1]} : vector<1x3072xf32> to vector<1x128xf32>
    %broadcast_in_dim3A_514 = arith.constant 0.000000e+00 : f32
    %broadcast_in_dim3A_515 = vector.broadcast %broadcast_in_dim3A_514 : f32 to vector<1x128xf32>
    %while3A_516:2 = scf.while (%while3A_2089 = %slice3A_513, %while3A_2090 = %broadcast_in_dim3A_515) : (vector<1x128xf32>, vector<1x128xf32>) -> (vector<1x128xf32>, vector<1x128xf32>) {
      %reduce_max3A = vector.shape_cast %while3A_2089 : vector<1x128xf32> to vector<1x1x128xf32>
      %reduce_max3A_2091 = arith.constant dense<0xFF800000> : vector<1xf32>
      %reduce_max3A_2092 = vector.multi_reduction <maximumf>, %reduce_max3A, %reduce_max3A_2091 [1, 2] : vector<1x1x128xf32> to vector<1xf32>
      %reduce_max3A_2093 = vector.shape_cast %reduce_max3A_2092 : vector<1xf32> to vector<1x1x1xf32>
      %reduce_max3A_2094 = vector.extract %reduce_max3A_2093[0, 0, 0] : f32 from vector<1x1x1xf32>
      %gt3A_2095 = arith.constant 5.000000e-01 : f32
      %gt3A_2096 = arith.cmpf ogt, %reduce_max3A_2094, %gt3A_2095 : f32
      scf.condition(%gt3A_2096) %while3A_2089, %while3A_2090 : vector<1x128xf32>, vector<1x128xf32>
    } do {
    ^bb0(%while3A_2089: vector<1x128xf32>, %while3A_2090: vector<1x128xf32>):
      %dot_general3A_2091 = arith.constant dense<0.000000e+00> : vector<1x128xf32>
      %dot_general3A_2092 = tpu.matmul %while3A_2089, %select_n3A_512, %dot_general3A_2091 {dimension_numbers = #tpu.dot_dimension_numbers<[1], [0], [0], [1], [0, 0, 1, 1], [], []>, transpose_lhs_hint = false} : vector<1x128xf32>, vector<128x128xf32>, vector<1x128xf32> -> vector<1x128xf32>
      %lt3A = arith.constant 5.000000e-01 : f32
      %lt3A_2093 = vector.broadcast %lt3A : f32 to vector<1x128xf32>
      %lt3A_2094 = arith.cmpf olt, %dot_general3A_2092, %lt3A_2093 : vector<1x128xf32>
      %convert_element_type3A_2095 = arith.extui %lt3A_2094 : vector<1x128xi1> to vector<1x128xi32>
      %convert_element_type3A_2096 = arith.sitofp %convert_element_type3A_2095 : vector<1x128xi32> to vector<1x128xf32>
      %mul3A_2097 = arith.mulf %while3A_2089, %convert_element_type3A_2096 : vector<1x128xf32>
      %add3A_2098 = arith.addf %while3A_2090, %mul3A_2097 : vector<1x128xf32>
      %dot_general3A_2099 = arith.constant dense<0.000000e+00> : vector<1x128xf32>
      %dot_general3A_2100 = tpu.matmul %mul3A_2097, %select_n3A_512, %dot_general3A_2099 {dimension_numbers = #tpu.dot_dimension_numbers<[1], [0], [0], [1], [0, 0, 1, 1], [], []>, transpose_lhs_hint = false} : vector<1x128xf32>, vector<128x128xf32>, vector<1x128xf32> -> vector<1x128xf32>
      %sub3A_2101 = arith.constant 1.000000e+00 : f32
      %sub3A_2102 = vector.broadcast %sub3A_2101 : f32 to vector<1x128xf32>
      %sub3A_2103 = arith.subf %sub3A_2102, %mul3A_2097 : vector<1x128xf32>
      %mul3A_2104 = arith.mulf %while3A_2089, %sub3A_2103 : vector<1x128xf32>
      %lt3A_2105 = arith.constant 5.000000e-01 : f32
      %lt3A_2106 = vector.broadcast %lt3A_2105 : f32 to vector<1x128xf32>
      %lt3A_2107 = arith.cmpf olt, %dot_general3A_2100, %lt3A_2106 : vector<1x128xf32>
      %convert_element_type3A_2108 = arith.extui %lt3A_2107 : vector<1x128xi1> to vector<1x128xi32>
      %convert_element_type3A_2109 = arith.sitofp %convert_element_type3A_2108 : vector<1x128xi32> to vector<1x128xf32>
      %mul3A_2110 = arith.mulf %mul3A_2104, %convert_element_type3A_2109 : vector<1x128xf32>
      scf.yield %mul3A_2110, %add3A_2098 : vector<1x128xf32>, vector<1x128xf32>
    }
    %dot_general3A_517 = arith.constant dense<0.000000e+00> : vector<1x2432xf32>
    %dot_general3A_518 = tpu.matmul %while3A_516#1, %convert_element_type3A_507, %dot_general3A_517 {dimension_numbers = #tpu.dot_dimension_numbers<[1], [0], [0], [1], [0, 0, 1, 1], [], []>, transpose_lhs_hint = false} : vector<1x128xf32>, vector<128x2432xf32>, vector<1x2432xf32> -> vector<1x2432xf32>
    %slice3A_519 = vector.extract_strided_slice %dot_general3A_518 {offsets = [0, 128], sizes = [1, 2304], strides = [1, 1]} : vector<1x2432xf32> to vector<1x2304xf32>
    %gt3A_520 = arith.constant 5.000000e-01 : f32
    %gt3A_521 = vector.broadcast %gt3A_520 : f32 to vector<1x2304xf32>
    %gt3A_522 = arith.cmpf ogt, %slice3A_519, %gt3A_521 : vector<1x2304xf32>
    %slice3A_523 = vector.extract_strided_slice %concatenate3A_441 {offsets = [0, 768], sizes = [1, 2304], strides = [1, 1]} : vector<1x3072xf32> to vector<1x2304xf32>
    %jit3A_524 = arith.constant 0.000000e+00 : f32
    %broadcast_in_dim3A_525 = vector.broadcast %jit3A_524 : f32 to vector<1x2304xf32>
    %select_n3A_526 = arith.select %gt3A_522, %broadcast_in_dim3A_525, %slice3A_523 : vector<1x2304xi1>, vector<1x2304xf32>
    %slice3A_527 = vector.extract_strided_slice %concatenate3A_441 {offsets = [0, 0], sizes = [1, 640], strides = [1, 1]} : vector<1x3072xf32> to vector<1x640xf32>
    %concatenate3A_528 = tpu.concatenate %slice3A_527, %while3A_516#1, %select_n3A_526 in 1 : vector<1x640xf32>, vector<1x128xf32>, vector<1x2304xf32> -> vector<1x3072xf32>
    %get3A_529 = arith.constant 0 : index
    %get3A_530 = arith.constant 6 : index
    %get3A_531 = arith.constant 0 : index
    %get3A_532 = arith.constant 0 : index
    %get3A_533 = vector.load %arg5[%get3A_529, %get3A_530, %get3A_531, %get3A_532] : memref<1x24x128x1xf32, #tpu.memory_space<vmem>>, vector<1x1x128x1xf32>
    %get3A_534 = vector.shape_cast %get3A_533 : vector<1x1x128x1xf32> to vector<128x1xf32>
    %get3A_535 = arith.constant 0 : index
    %get3A_536 = arith.constant 6 : index
    %get3A_537 = arith.constant 0 : index
    %get3A_538 = arith.constant 0 : index
    %get3A_539 = vector.load %arg6[%get3A_535, %get3A_536, %get3A_537, %get3A_538] : memref<1x24x128x1xf32, #tpu.memory_space<vmem>>, vector<1x1x128x1xf32>
    %get3A_540 = vector.shape_cast %get3A_539 : vector<1x1x128x1xf32> to vector<128x1xf32>
    %get3A_541 = arith.constant 0 : index
    %get3A_542 = arith.constant 6 : index
    %get3A_543 = arith.constant 0 : index
    %get3A_544 = arith.constant 0 : index
    %get3A_545 = vector.load %arg7[%get3A_541, %get3A_542, %get3A_543, %get3A_544] : memref<1x24x128x1xf32, #tpu.memory_space<vmem>>, vector<1x1x128x1xf32>
    %get3A_546 = vector.shape_cast %get3A_545 : vector<1x1x128x1xf32> to vector<128x1xf32>
    %get3A_547 = arith.constant 0 : index
    %get3A_548 = arith.constant 6 : index
    %get3A_549 = arith.constant 0 : index
    %get3A_550 = arith.constant 0 : index
    %get3A_551 = vector.load %arg8[%get3A_547, %get3A_548, %get3A_549, %get3A_550] : memref<1x24x128x1xf32, #tpu.memory_space<vmem>>, vector<1x1x128x1xf32>
    %get3A_552 = vector.shape_cast %get3A_551 : vector<1x1x128x1xf32> to vector<128x1xf32>
    %sub3A_553 = arith.subf %get3A_546, %get3A_534 : vector<128x1xf32>
    %sub3A_554 = arith.subf %get3A_552, %get3A_540 : vector<128x1xf32>
    %mul3A_555 = arith.mulf %sub3A_553, %sub3A_554 : vector<128x1xf32>
    %slice3A_556 = vector.extract_strided_slice %get3A_3 {offsets = [0, 768], sizes = [1, 2304], strides = [1, 1]} : vector<1x3072xf32> to vector<1x2304xf32>
    %max3A_557 = vector.broadcast %get3A_534 : vector<128x1xf32> to vector<128x2304xf32>
    %max3A_558 = vector.broadcast %slice3A_556 : vector<1x2304xf32> to vector<128x2304xf32>
    %max3A_559 = arith.maximumf %max3A_557, %max3A_558 : vector<128x2304xf32>
    %slice3A_560 = vector.extract_strided_slice %get3A_8 {offsets = [0, 768], sizes = [1, 2304], strides = [1, 1]} : vector<1x3072xf32> to vector<1x2304xf32>
    %max3A_561 = vector.broadcast %get3A_540 : vector<128x1xf32> to vector<128x2304xf32>
    %max3A_562 = vector.broadcast %slice3A_560 : vector<1x2304xf32> to vector<128x2304xf32>
    %max3A_563 = arith.maximumf %max3A_561, %max3A_562 : vector<128x2304xf32>
    %slice3A_564 = vector.extract_strided_slice %get3A_13 {offsets = [0, 768], sizes = [1, 2304], strides = [1, 1]} : vector<1x3072xf32> to vector<1x2304xf32>
    %min3A_565 = vector.broadcast %get3A_546 : vector<128x1xf32> to vector<128x2304xf32>
    %min3A_566 = vector.broadcast %slice3A_564 : vector<1x2304xf32> to vector<128x2304xf32>
    %min3A_567 = arith.minimumf %min3A_565, %min3A_566 : vector<128x2304xf32>
    %slice3A_568 = vector.extract_strided_slice %get3A_18 {offsets = [0, 768], sizes = [1, 2304], strides = [1, 1]} : vector<1x3072xf32> to vector<1x2304xf32>
    %min3A_569 = vector.broadcast %get3A_552 : vector<128x1xf32> to vector<128x2304xf32>
    %min3A_570 = vector.broadcast %slice3A_568 : vector<1x2304xf32> to vector<128x2304xf32>
    %min3A_571 = arith.minimumf %min3A_569, %min3A_570 : vector<128x2304xf32>
    %sub3A_572 = arith.subf %min3A_567, %max3A_559 : vector<128x2304xf32>
    %max3A_573 = arith.constant 0.000000e+00 : f32
    %max3A_574 = vector.broadcast %max3A_573 : f32 to vector<128x2304xf32>
    %max3A_575 = arith.maximumf %sub3A_572, %max3A_574 : vector<128x2304xf32>
    %sub3A_576 = arith.subf %min3A_571, %max3A_563 : vector<128x2304xf32>
    %max3A_577 = arith.constant 0.000000e+00 : f32
    %max3A_578 = vector.broadcast %max3A_577 : f32 to vector<128x2304xf32>
    %max3A_579 = arith.maximumf %sub3A_576, %max3A_578 : vector<128x2304xf32>
    %mul3A_580 = arith.mulf %max3A_575, %max3A_579 : vector<128x2304xf32>
    %slice3A_581 = vector.extract_strided_slice %mul3A {offsets = [0, 768], sizes = [1, 2304], strides = [1, 1]} : vector<1x3072xf32> to vector<1x2304xf32>
    %add3A_582 = vector.broadcast %mul3A_555 : vector<128x1xf32> to vector<128x2304xf32>
    %add3A_583 = vector.broadcast %slice3A_581 : vector<1x2304xf32> to vector<128x2304xf32>
    %add3A_584 = arith.addf %add3A_582, %add3A_583 : vector<128x2304xf32>
    %sub3A_585 = arith.subf %add3A_584, %mul3A_580 : vector<128x2304xf32>
    %add3A_586 = arith.constant 9.99999971E-10 : f32
    %add3A_587 = vector.broadcast %add3A_586 : f32 to vector<128x2304xf32>
    %add3A_588 = arith.addf %sub3A_585, %add3A_587 : vector<128x2304xf32>
    %div3A_589 = arith.divf %mul3A_580, %add3A_588 : vector<128x2304xf32>
    %gt3A_590 = arith.constant 0.699999988 : f32
    %gt3A_591 = vector.broadcast %gt3A_590 : f32 to vector<128x2304xf32>
    %gt3A_592 = arith.cmpf ogt, %div3A_589, %gt3A_591 : vector<128x2304xf32>
    %convert_element_type3A_593 = arith.extui %gt3A_592 : vector<128x2304xi1> to vector<128x2304xi32>
    %convert_element_type3A_594 = arith.sitofp %convert_element_type3A_593 : vector<128x2304xi32> to vector<128x2304xf32>
    %gt3A_595 = arith.cmpi sgt, %iota3A_20, %iota3A : vector<128x128xi32>
    %slice3A_596 = vector.extract_strided_slice %convert_element_type3A_594 {offsets = [0, 0], sizes = [128, 128], strides = [1, 1]} : vector<128x2304xf32> to vector<128x128xf32>
    %jit3A_597 = arith.constant 0.000000e+00 : f32
    %broadcast_in_dim3A_598 = vector.broadcast %jit3A_597 : f32 to vector<128x128xf32>
    %select_n3A_599 = arith.select %gt3A_595, %slice3A_596, %broadcast_in_dim3A_598 : vector<128x128xi1>, vector<128x128xf32>
    %slice3A_600 = vector.extract_strided_slice %concatenate3A_528 {offsets = [0, 768], sizes = [1, 128], strides = [1, 1]} : vector<1x3072xf32> to vector<1x128xf32>
    %broadcast_in_dim3A_601 = arith.constant 0.000000e+00 : f32
    %broadcast_in_dim3A_602 = vector.broadcast %broadcast_in_dim3A_601 : f32 to vector<1x128xf32>
    %while3A_603:2 = scf.while (%while3A_2089 = %slice3A_600, %while3A_2090 = %broadcast_in_dim3A_602) : (vector<1x128xf32>, vector<1x128xf32>) -> (vector<1x128xf32>, vector<1x128xf32>) {
      %reduce_max3A = vector.shape_cast %while3A_2089 : vector<1x128xf32> to vector<1x1x128xf32>
      %reduce_max3A_2091 = arith.constant dense<0xFF800000> : vector<1xf32>
      %reduce_max3A_2092 = vector.multi_reduction <maximumf>, %reduce_max3A, %reduce_max3A_2091 [1, 2] : vector<1x1x128xf32> to vector<1xf32>
      %reduce_max3A_2093 = vector.shape_cast %reduce_max3A_2092 : vector<1xf32> to vector<1x1x1xf32>
      %reduce_max3A_2094 = vector.extract %reduce_max3A_2093[0, 0, 0] : f32 from vector<1x1x1xf32>
      %gt3A_2095 = arith.constant 5.000000e-01 : f32
      %gt3A_2096 = arith.cmpf ogt, %reduce_max3A_2094, %gt3A_2095 : f32
      scf.condition(%gt3A_2096) %while3A_2089, %while3A_2090 : vector<1x128xf32>, vector<1x128xf32>
    } do {
    ^bb0(%while3A_2089: vector<1x128xf32>, %while3A_2090: vector<1x128xf32>):
      %dot_general3A_2091 = arith.constant dense<0.000000e+00> : vector<1x128xf32>
      %dot_general3A_2092 = tpu.matmul %while3A_2089, %select_n3A_599, %dot_general3A_2091 {dimension_numbers = #tpu.dot_dimension_numbers<[1], [0], [0], [1], [0, 0, 1, 1], [], []>, transpose_lhs_hint = false} : vector<1x128xf32>, vector<128x128xf32>, vector<1x128xf32> -> vector<1x128xf32>
      %lt3A = arith.constant 5.000000e-01 : f32
      %lt3A_2093 = vector.broadcast %lt3A : f32 to vector<1x128xf32>
      %lt3A_2094 = arith.cmpf olt, %dot_general3A_2092, %lt3A_2093 : vector<1x128xf32>
      %convert_element_type3A_2095 = arith.extui %lt3A_2094 : vector<1x128xi1> to vector<1x128xi32>
      %convert_element_type3A_2096 = arith.sitofp %convert_element_type3A_2095 : vector<1x128xi32> to vector<1x128xf32>
      %mul3A_2097 = arith.mulf %while3A_2089, %convert_element_type3A_2096 : vector<1x128xf32>
      %add3A_2098 = arith.addf %while3A_2090, %mul3A_2097 : vector<1x128xf32>
      %dot_general3A_2099 = arith.constant dense<0.000000e+00> : vector<1x128xf32>
      %dot_general3A_2100 = tpu.matmul %mul3A_2097, %select_n3A_599, %dot_general3A_2099 {dimension_numbers = #tpu.dot_dimension_numbers<[1], [0], [0], [1], [0, 0, 1, 1], [], []>, transpose_lhs_hint = false} : vector<1x128xf32>, vector<128x128xf32>, vector<1x128xf32> -> vector<1x128xf32>
      %sub3A_2101 = arith.constant 1.000000e+00 : f32
      %sub3A_2102 = vector.broadcast %sub3A_2101 : f32 to vector<1x128xf32>
      %sub3A_2103 = arith.subf %sub3A_2102, %mul3A_2097 : vector<1x128xf32>
      %mul3A_2104 = arith.mulf %while3A_2089, %sub3A_2103 : vector<1x128xf32>
      %lt3A_2105 = arith.constant 5.000000e-01 : f32
      %lt3A_2106 = vector.broadcast %lt3A_2105 : f32 to vector<1x128xf32>
      %lt3A_2107 = arith.cmpf olt, %dot_general3A_2100, %lt3A_2106 : vector<1x128xf32>
      %convert_element_type3A_2108 = arith.extui %lt3A_2107 : vector<1x128xi1> to vector<1x128xi32>
      %convert_element_type3A_2109 = arith.sitofp %convert_element_type3A_2108 : vector<1x128xi32> to vector<1x128xf32>
      %mul3A_2110 = arith.mulf %mul3A_2104, %convert_element_type3A_2109 : vector<1x128xf32>
      scf.yield %mul3A_2110, %add3A_2098 : vector<1x128xf32>, vector<1x128xf32>
    }
    %dot_general3A_604 = arith.constant dense<0.000000e+00> : vector<1x2304xf32>
    %dot_general3A_605 = tpu.matmul %while3A_603#1, %convert_element_type3A_594, %dot_general3A_604 {dimension_numbers = #tpu.dot_dimension_numbers<[1], [0], [0], [1], [0, 0, 1, 1], [], []>, transpose_lhs_hint = false} : vector<1x128xf32>, vector<128x2304xf32>, vector<1x2304xf32> -> vector<1x2304xf32>
    %slice3A_606 = vector.extract_strided_slice %dot_general3A_605 {offsets = [0, 128], sizes = [1, 2176], strides = [1, 1]} : vector<1x2304xf32> to vector<1x2176xf32>
    %gt3A_607 = arith.constant 5.000000e-01 : f32
    %gt3A_608 = vector.broadcast %gt3A_607 : f32 to vector<1x2176xf32>
    %gt3A_609 = arith.cmpf ogt, %slice3A_606, %gt3A_608 : vector<1x2176xf32>
    %slice3A_610 = vector.extract_strided_slice %concatenate3A_528 {offsets = [0, 896], sizes = [1, 2176], strides = [1, 1]} : vector<1x3072xf32> to vector<1x2176xf32>
    %jit3A_611 = arith.constant 0.000000e+00 : f32
    %broadcast_in_dim3A_612 = vector.broadcast %jit3A_611 : f32 to vector<1x2176xf32>
    %select_n3A_613 = arith.select %gt3A_609, %broadcast_in_dim3A_612, %slice3A_610 : vector<1x2176xi1>, vector<1x2176xf32>
    %slice3A_614 = vector.extract_strided_slice %concatenate3A_528 {offsets = [0, 0], sizes = [1, 768], strides = [1, 1]} : vector<1x3072xf32> to vector<1x768xf32>
    %concatenate3A_615 = tpu.concatenate %slice3A_614, %while3A_603#1, %select_n3A_613 in 1 : vector<1x768xf32>, vector<1x128xf32>, vector<1x2176xf32> -> vector<1x3072xf32>
    %get3A_616 = arith.constant 0 : index
    %get3A_617 = arith.constant 7 : index
    %get3A_618 = arith.constant 0 : index
    %get3A_619 = arith.constant 0 : index
    %get3A_620 = vector.load %arg5[%get3A_616, %get3A_617, %get3A_618, %get3A_619] : memref<1x24x128x1xf32, #tpu.memory_space<vmem>>, vector<1x1x128x1xf32>
    %get3A_621 = vector.shape_cast %get3A_620 : vector<1x1x128x1xf32> to vector<128x1xf32>
    %get3A_622 = arith.constant 0 : index
    %get3A_623 = arith.constant 7 : index
    %get3A_624 = arith.constant 0 : index
    %get3A_625 = arith.constant 0 : index
    %get3A_626 = vector.load %arg6[%get3A_622, %get3A_623, %get3A_624, %get3A_625] : memref<1x24x128x1xf32, #tpu.memory_space<vmem>>, vector<1x1x128x1xf32>
    %get3A_627 = vector.shape_cast %get3A_626 : vector<1x1x128x1xf32> to vector<128x1xf32>
    %get3A_628 = arith.constant 0 : index
    %get3A_629 = arith.constant 7 : index
    %get3A_630 = arith.constant 0 : index
    %get3A_631 = arith.constant 0 : index
    %get3A_632 = vector.load %arg7[%get3A_628, %get3A_629, %get3A_630, %get3A_631] : memref<1x24x128x1xf32, #tpu.memory_space<vmem>>, vector<1x1x128x1xf32>
    %get3A_633 = vector.shape_cast %get3A_632 : vector<1x1x128x1xf32> to vector<128x1xf32>
    %get3A_634 = arith.constant 0 : index
    %get3A_635 = arith.constant 7 : index
    %get3A_636 = arith.constant 0 : index
    %get3A_637 = arith.constant 0 : index
    %get3A_638 = vector.load %arg8[%get3A_634, %get3A_635, %get3A_636, %get3A_637] : memref<1x24x128x1xf32, #tpu.memory_space<vmem>>, vector<1x1x128x1xf32>
    %get3A_639 = vector.shape_cast %get3A_638 : vector<1x1x128x1xf32> to vector<128x1xf32>
    %sub3A_640 = arith.subf %get3A_633, %get3A_621 : vector<128x1xf32>
    %sub3A_641 = arith.subf %get3A_639, %get3A_627 : vector<128x1xf32>
    %mul3A_642 = arith.mulf %sub3A_640, %sub3A_641 : vector<128x1xf32>
    %slice3A_643 = vector.extract_strided_slice %get3A_3 {offsets = [0, 896], sizes = [1, 2176], strides = [1, 1]} : vector<1x3072xf32> to vector<1x2176xf32>
    %max3A_644 = vector.broadcast %get3A_621 : vector<128x1xf32> to vector<128x2176xf32>
    %max3A_645 = vector.broadcast %slice3A_643 : vector<1x2176xf32> to vector<128x2176xf32>
    %max3A_646 = arith.maximumf %max3A_644, %max3A_645 : vector<128x2176xf32>
    %slice3A_647 = vector.extract_strided_slice %get3A_8 {offsets = [0, 896], sizes = [1, 2176], strides = [1, 1]} : vector<1x3072xf32> to vector<1x2176xf32>
    %max3A_648 = vector.broadcast %get3A_627 : vector<128x1xf32> to vector<128x2176xf32>
    %max3A_649 = vector.broadcast %slice3A_647 : vector<1x2176xf32> to vector<128x2176xf32>
    %max3A_650 = arith.maximumf %max3A_648, %max3A_649 : vector<128x2176xf32>
    %slice3A_651 = vector.extract_strided_slice %get3A_13 {offsets = [0, 896], sizes = [1, 2176], strides = [1, 1]} : vector<1x3072xf32> to vector<1x2176xf32>
    %min3A_652 = vector.broadcast %get3A_633 : vector<128x1xf32> to vector<128x2176xf32>
    %min3A_653 = vector.broadcast %slice3A_651 : vector<1x2176xf32> to vector<128x2176xf32>
    %min3A_654 = arith.minimumf %min3A_652, %min3A_653 : vector<128x2176xf32>
    %slice3A_655 = vector.extract_strided_slice %get3A_18 {offsets = [0, 896], sizes = [1, 2176], strides = [1, 1]} : vector<1x3072xf32> to vector<1x2176xf32>
    %min3A_656 = vector.broadcast %get3A_639 : vector<128x1xf32> to vector<128x2176xf32>
    %min3A_657 = vector.broadcast %slice3A_655 : vector<1x2176xf32> to vector<128x2176xf32>
    %min3A_658 = arith.minimumf %min3A_656, %min3A_657 : vector<128x2176xf32>
    %sub3A_659 = arith.subf %min3A_654, %max3A_646 : vector<128x2176xf32>
    %max3A_660 = arith.constant 0.000000e+00 : f32
    %max3A_661 = vector.broadcast %max3A_660 : f32 to vector<128x2176xf32>
    %max3A_662 = arith.maximumf %sub3A_659, %max3A_661 : vector<128x2176xf32>
    %sub3A_663 = arith.subf %min3A_658, %max3A_650 : vector<128x2176xf32>
    %max3A_664 = arith.constant 0.000000e+00 : f32
    %max3A_665 = vector.broadcast %max3A_664 : f32 to vector<128x2176xf32>
    %max3A_666 = arith.maximumf %sub3A_663, %max3A_665 : vector<128x2176xf32>
    %mul3A_667 = arith.mulf %max3A_662, %max3A_666 : vector<128x2176xf32>
    %slice3A_668 = vector.extract_strided_slice %mul3A {offsets = [0, 896], sizes = [1, 2176], strides = [1, 1]} : vector<1x3072xf32> to vector<1x2176xf32>
    %add3A_669 = vector.broadcast %mul3A_642 : vector<128x1xf32> to vector<128x2176xf32>
    %add3A_670 = vector.broadcast %slice3A_668 : vector<1x2176xf32> to vector<128x2176xf32>
    %add3A_671 = arith.addf %add3A_669, %add3A_670 : vector<128x2176xf32>
    %sub3A_672 = arith.subf %add3A_671, %mul3A_667 : vector<128x2176xf32>
    %add3A_673 = arith.constant 9.99999971E-10 : f32
    %add3A_674 = vector.broadcast %add3A_673 : f32 to vector<128x2176xf32>
    %add3A_675 = arith.addf %sub3A_672, %add3A_674 : vector<128x2176xf32>
    %div3A_676 = arith.divf %mul3A_667, %add3A_675 : vector<128x2176xf32>
    %gt3A_677 = arith.constant 0.699999988 : f32
    %gt3A_678 = vector.broadcast %gt3A_677 : f32 to vector<128x2176xf32>
    %gt3A_679 = arith.cmpf ogt, %div3A_676, %gt3A_678 : vector<128x2176xf32>
    %convert_element_type3A_680 = arith.extui %gt3A_679 : vector<128x2176xi1> to vector<128x2176xi32>
    %convert_element_type3A_681 = arith.sitofp %convert_element_type3A_680 : vector<128x2176xi32> to vector<128x2176xf32>
    %gt3A_682 = arith.cmpi sgt, %iota3A_20, %iota3A : vector<128x128xi32>
    %slice3A_683 = vector.extract_strided_slice %convert_element_type3A_681 {offsets = [0, 0], sizes = [128, 128], strides = [1, 1]} : vector<128x2176xf32> to vector<128x128xf32>
    %jit3A_684 = arith.constant 0.000000e+00 : f32
    %broadcast_in_dim3A_685 = vector.broadcast %jit3A_684 : f32 to vector<128x128xf32>
    %select_n3A_686 = arith.select %gt3A_682, %slice3A_683, %broadcast_in_dim3A_685 : vector<128x128xi1>, vector<128x128xf32>
    %slice3A_687 = vector.extract_strided_slice %concatenate3A_615 {offsets = [0, 896], sizes = [1, 128], strides = [1, 1]} : vector<1x3072xf32> to vector<1x128xf32>
    %broadcast_in_dim3A_688 = arith.constant 0.000000e+00 : f32
    %broadcast_in_dim3A_689 = vector.broadcast %broadcast_in_dim3A_688 : f32 to vector<1x128xf32>
    %while3A_690:2 = scf.while (%while3A_2089 = %slice3A_687, %while3A_2090 = %broadcast_in_dim3A_689) : (vector<1x128xf32>, vector<1x128xf32>) -> (vector<1x128xf32>, vector<1x128xf32>) {
      %reduce_max3A = vector.shape_cast %while3A_2089 : vector<1x128xf32> to vector<1x1x128xf32>
      %reduce_max3A_2091 = arith.constant dense<0xFF800000> : vector<1xf32>
      %reduce_max3A_2092 = vector.multi_reduction <maximumf>, %reduce_max3A, %reduce_max3A_2091 [1, 2] : vector<1x1x128xf32> to vector<1xf32>
      %reduce_max3A_2093 = vector.shape_cast %reduce_max3A_2092 : vector<1xf32> to vector<1x1x1xf32>
      %reduce_max3A_2094 = vector.extract %reduce_max3A_2093[0, 0, 0] : f32 from vector<1x1x1xf32>
      %gt3A_2095 = arith.constant 5.000000e-01 : f32
      %gt3A_2096 = arith.cmpf ogt, %reduce_max3A_2094, %gt3A_2095 : f32
      scf.condition(%gt3A_2096) %while3A_2089, %while3A_2090 : vector<1x128xf32>, vector<1x128xf32>
    } do {
    ^bb0(%while3A_2089: vector<1x128xf32>, %while3A_2090: vector<1x128xf32>):
      %dot_general3A_2091 = arith.constant dense<0.000000e+00> : vector<1x128xf32>
      %dot_general3A_2092 = tpu.matmul %while3A_2089, %select_n3A_686, %dot_general3A_2091 {dimension_numbers = #tpu.dot_dimension_numbers<[1], [0], [0], [1], [0, 0, 1, 1], [], []>, transpose_lhs_hint = false} : vector<1x128xf32>, vector<128x128xf32>, vector<1x128xf32> -> vector<1x128xf32>
      %lt3A = arith.constant 5.000000e-01 : f32
      %lt3A_2093 = vector.broadcast %lt3A : f32 to vector<1x128xf32>
      %lt3A_2094 = arith.cmpf olt, %dot_general3A_2092, %lt3A_2093 : vector<1x128xf32>
      %convert_element_type3A_2095 = arith.extui %lt3A_2094 : vector<1x128xi1> to vector<1x128xi32>
      %convert_element_type3A_2096 = arith.sitofp %convert_element_type3A_2095 : vector<1x128xi32> to vector<1x128xf32>
      %mul3A_2097 = arith.mulf %while3A_2089, %convert_element_type3A_2096 : vector<1x128xf32>
      %add3A_2098 = arith.addf %while3A_2090, %mul3A_2097 : vector<1x128xf32>
      %dot_general3A_2099 = arith.constant dense<0.000000e+00> : vector<1x128xf32>
      %dot_general3A_2100 = tpu.matmul %mul3A_2097, %select_n3A_686, %dot_general3A_2099 {dimension_numbers = #tpu.dot_dimension_numbers<[1], [0], [0], [1], [0, 0, 1, 1], [], []>, transpose_lhs_hint = false} : vector<1x128xf32>, vector<128x128xf32>, vector<1x128xf32> -> vector<1x128xf32>
      %sub3A_2101 = arith.constant 1.000000e+00 : f32
      %sub3A_2102 = vector.broadcast %sub3A_2101 : f32 to vector<1x128xf32>
      %sub3A_2103 = arith.subf %sub3A_2102, %mul3A_2097 : vector<1x128xf32>
      %mul3A_2104 = arith.mulf %while3A_2089, %sub3A_2103 : vector<1x128xf32>
      %lt3A_2105 = arith.constant 5.000000e-01 : f32
      %lt3A_2106 = vector.broadcast %lt3A_2105 : f32 to vector<1x128xf32>
      %lt3A_2107 = arith.cmpf olt, %dot_general3A_2100, %lt3A_2106 : vector<1x128xf32>
      %convert_element_type3A_2108 = arith.extui %lt3A_2107 : vector<1x128xi1> to vector<1x128xi32>
      %convert_element_type3A_2109 = arith.sitofp %convert_element_type3A_2108 : vector<1x128xi32> to vector<1x128xf32>
      %mul3A_2110 = arith.mulf %mul3A_2104, %convert_element_type3A_2109 : vector<1x128xf32>
      scf.yield %mul3A_2110, %add3A_2098 : vector<1x128xf32>, vector<1x128xf32>
    }
    %dot_general3A_691 = arith.constant dense<0.000000e+00> : vector<1x2176xf32>
    %dot_general3A_692 = tpu.matmul %while3A_690#1, %convert_element_type3A_681, %dot_general3A_691 {dimension_numbers = #tpu.dot_dimension_numbers<[1], [0], [0], [1], [0, 0, 1, 1], [], []>, transpose_lhs_hint = false} : vector<1x128xf32>, vector<128x2176xf32>, vector<1x2176xf32> -> vector<1x2176xf32>
    %slice3A_693 = vector.extract_strided_slice %dot_general3A_692 {offsets = [0, 128], sizes = [1, 2048], strides = [1, 1]} : vector<1x2176xf32> to vector<1x2048xf32>
    %gt3A_694 = arith.constant 5.000000e-01 : f32
    %gt3A_695 = vector.broadcast %gt3A_694 : f32 to vector<1x2048xf32>
    %gt3A_696 = arith.cmpf ogt, %slice3A_693, %gt3A_695 : vector<1x2048xf32>
    %slice3A_697 = vector.extract_strided_slice %concatenate3A_615 {offsets = [0, 1024], sizes = [1, 2048], strides = [1, 1]} : vector<1x3072xf32> to vector<1x2048xf32>
    %jit3A_698 = arith.constant 0.000000e+00 : f32
    %broadcast_in_dim3A_699 = vector.broadcast %jit3A_698 : f32 to vector<1x2048xf32>
    %select_n3A_700 = arith.select %gt3A_696, %broadcast_in_dim3A_699, %slice3A_697 : vector<1x2048xi1>, vector<1x2048xf32>
    %slice3A_701 = vector.extract_strided_slice %concatenate3A_615 {offsets = [0, 0], sizes = [1, 896], strides = [1, 1]} : vector<1x3072xf32> to vector<1x896xf32>
    %concatenate3A_702 = tpu.concatenate %slice3A_701, %while3A_690#1, %select_n3A_700 in 1 : vector<1x896xf32>, vector<1x128xf32>, vector<1x2048xf32> -> vector<1x3072xf32>
    %get3A_703 = arith.constant 0 : index
    %get3A_704 = arith.constant 8 : index
    %get3A_705 = arith.constant 0 : index
    %get3A_706 = arith.constant 0 : index
    %get3A_707 = vector.load %arg5[%get3A_703, %get3A_704, %get3A_705, %get3A_706] : memref<1x24x128x1xf32, #tpu.memory_space<vmem>>, vector<1x1x128x1xf32>
    %get3A_708 = vector.shape_cast %get3A_707 : vector<1x1x128x1xf32> to vector<128x1xf32>
    %get3A_709 = arith.constant 0 : index
    %get3A_710 = arith.constant 8 : index
    %get3A_711 = arith.constant 0 : index
    %get3A_712 = arith.constant 0 : index
    %get3A_713 = vector.load %arg6[%get3A_709, %get3A_710, %get3A_711, %get3A_712] : memref<1x24x128x1xf32, #tpu.memory_space<vmem>>, vector<1x1x128x1xf32>
    %get3A_714 = vector.shape_cast %get3A_713 : vector<1x1x128x1xf32> to vector<128x1xf32>
    %get3A_715 = arith.constant 0 : index
    %get3A_716 = arith.constant 8 : index
    %get3A_717 = arith.constant 0 : index
    %get3A_718 = arith.constant 0 : index
    %get3A_719 = vector.load %arg7[%get3A_715, %get3A_716, %get3A_717, %get3A_718] : memref<1x24x128x1xf32, #tpu.memory_space<vmem>>, vector<1x1x128x1xf32>
    %get3A_720 = vector.shape_cast %get3A_719 : vector<1x1x128x1xf32> to vector<128x1xf32>
    %get3A_721 = arith.constant 0 : index
    %get3A_722 = arith.constant 8 : index
    %get3A_723 = arith.constant 0 : index
    %get3A_724 = arith.constant 0 : index
    %get3A_725 = vector.load %arg8[%get3A_721, %get3A_722, %get3A_723, %get3A_724] : memref<1x24x128x1xf32, #tpu.memory_space<vmem>>, vector<1x1x128x1xf32>
    %get3A_726 = vector.shape_cast %get3A_725 : vector<1x1x128x1xf32> to vector<128x1xf32>
    %sub3A_727 = arith.subf %get3A_720, %get3A_708 : vector<128x1xf32>
    %sub3A_728 = arith.subf %get3A_726, %get3A_714 : vector<128x1xf32>
    %mul3A_729 = arith.mulf %sub3A_727, %sub3A_728 : vector<128x1xf32>
    %slice3A_730 = vector.extract_strided_slice %get3A_3 {offsets = [0, 1024], sizes = [1, 2048], strides = [1, 1]} : vector<1x3072xf32> to vector<1x2048xf32>
    %max3A_731 = vector.broadcast %get3A_708 : vector<128x1xf32> to vector<128x2048xf32>
    %max3A_732 = vector.broadcast %slice3A_730 : vector<1x2048xf32> to vector<128x2048xf32>
    %max3A_733 = arith.maximumf %max3A_731, %max3A_732 : vector<128x2048xf32>
    %slice3A_734 = vector.extract_strided_slice %get3A_8 {offsets = [0, 1024], sizes = [1, 2048], strides = [1, 1]} : vector<1x3072xf32> to vector<1x2048xf32>
    %max3A_735 = vector.broadcast %get3A_714 : vector<128x1xf32> to vector<128x2048xf32>
    %max3A_736 = vector.broadcast %slice3A_734 : vector<1x2048xf32> to vector<128x2048xf32>
    %max3A_737 = arith.maximumf %max3A_735, %max3A_736 : vector<128x2048xf32>
    %slice3A_738 = vector.extract_strided_slice %get3A_13 {offsets = [0, 1024], sizes = [1, 2048], strides = [1, 1]} : vector<1x3072xf32> to vector<1x2048xf32>
    %min3A_739 = vector.broadcast %get3A_720 : vector<128x1xf32> to vector<128x2048xf32>
    %min3A_740 = vector.broadcast %slice3A_738 : vector<1x2048xf32> to vector<128x2048xf32>
    %min3A_741 = arith.minimumf %min3A_739, %min3A_740 : vector<128x2048xf32>
    %slice3A_742 = vector.extract_strided_slice %get3A_18 {offsets = [0, 1024], sizes = [1, 2048], strides = [1, 1]} : vector<1x3072xf32> to vector<1x2048xf32>
    %min3A_743 = vector.broadcast %get3A_726 : vector<128x1xf32> to vector<128x2048xf32>
    %min3A_744 = vector.broadcast %slice3A_742 : vector<1x2048xf32> to vector<128x2048xf32>
    %min3A_745 = arith.minimumf %min3A_743, %min3A_744 : vector<128x2048xf32>
    %sub3A_746 = arith.subf %min3A_741, %max3A_733 : vector<128x2048xf32>
    %max3A_747 = arith.constant 0.000000e+00 : f32
    %max3A_748 = vector.broadcast %max3A_747 : f32 to vector<128x2048xf32>
    %max3A_749 = arith.maximumf %sub3A_746, %max3A_748 : vector<128x2048xf32>
    %sub3A_750 = arith.subf %min3A_745, %max3A_737 : vector<128x2048xf32>
    %max3A_751 = arith.constant 0.000000e+00 : f32
    %max3A_752 = vector.broadcast %max3A_751 : f32 to vector<128x2048xf32>
    %max3A_753 = arith.maximumf %sub3A_750, %max3A_752 : vector<128x2048xf32>
    %mul3A_754 = arith.mulf %max3A_749, %max3A_753 : vector<128x2048xf32>
    %slice3A_755 = vector.extract_strided_slice %mul3A {offsets = [0, 1024], sizes = [1, 2048], strides = [1, 1]} : vector<1x3072xf32> to vector<1x2048xf32>
    %add3A_756 = vector.broadcast %mul3A_729 : vector<128x1xf32> to vector<128x2048xf32>
    %add3A_757 = vector.broadcast %slice3A_755 : vector<1x2048xf32> to vector<128x2048xf32>
    %add3A_758 = arith.addf %add3A_756, %add3A_757 : vector<128x2048xf32>
    %sub3A_759 = arith.subf %add3A_758, %mul3A_754 : vector<128x2048xf32>
    %add3A_760 = arith.constant 9.99999971E-10 : f32
    %add3A_761 = vector.broadcast %add3A_760 : f32 to vector<128x2048xf32>
    %add3A_762 = arith.addf %sub3A_759, %add3A_761 : vector<128x2048xf32>
    %div3A_763 = arith.divf %mul3A_754, %add3A_762 : vector<128x2048xf32>
    %gt3A_764 = arith.constant 0.699999988 : f32
    %gt3A_765 = vector.broadcast %gt3A_764 : f32 to vector<128x2048xf32>
    %gt3A_766 = arith.cmpf ogt, %div3A_763, %gt3A_765 : vector<128x2048xf32>
    %convert_element_type3A_767 = arith.extui %gt3A_766 : vector<128x2048xi1> to vector<128x2048xi32>
    %convert_element_type3A_768 = arith.sitofp %convert_element_type3A_767 : vector<128x2048xi32> to vector<128x2048xf32>
    %gt3A_769 = arith.cmpi sgt, %iota3A_20, %iota3A : vector<128x128xi32>
    %slice3A_770 = vector.extract_strided_slice %convert_element_type3A_768 {offsets = [0, 0], sizes = [128, 128], strides = [1, 1]} : vector<128x2048xf32> to vector<128x128xf32>
    %jit3A_771 = arith.constant 0.000000e+00 : f32
    %broadcast_in_dim3A_772 = vector.broadcast %jit3A_771 : f32 to vector<128x128xf32>
    %select_n3A_773 = arith.select %gt3A_769, %slice3A_770, %broadcast_in_dim3A_772 : vector<128x128xi1>, vector<128x128xf32>
    %slice3A_774 = vector.extract_strided_slice %concatenate3A_702 {offsets = [0, 1024], sizes = [1, 128], strides = [1, 1]} : vector<1x3072xf32> to vector<1x128xf32>
    %broadcast_in_dim3A_775 = arith.constant 0.000000e+00 : f32
    %broadcast_in_dim3A_776 = vector.broadcast %broadcast_in_dim3A_775 : f32 to vector<1x128xf32>
    %while3A_777:2 = scf.while (%while3A_2089 = %slice3A_774, %while3A_2090 = %broadcast_in_dim3A_776) : (vector<1x128xf32>, vector<1x128xf32>) -> (vector<1x128xf32>, vector<1x128xf32>) {
      %reduce_max3A = vector.shape_cast %while3A_2089 : vector<1x128xf32> to vector<1x1x128xf32>
      %reduce_max3A_2091 = arith.constant dense<0xFF800000> : vector<1xf32>
      %reduce_max3A_2092 = vector.multi_reduction <maximumf>, %reduce_max3A, %reduce_max3A_2091 [1, 2] : vector<1x1x128xf32> to vector<1xf32>
      %reduce_max3A_2093 = vector.shape_cast %reduce_max3A_2092 : vector<1xf32> to vector<1x1x1xf32>
      %reduce_max3A_2094 = vector.extract %reduce_max3A_2093[0, 0, 0] : f32 from vector<1x1x1xf32>
      %gt3A_2095 = arith.constant 5.000000e-01 : f32
      %gt3A_2096 = arith.cmpf ogt, %reduce_max3A_2094, %gt3A_2095 : f32
      scf.condition(%gt3A_2096) %while3A_2089, %while3A_2090 : vector<1x128xf32>, vector<1x128xf32>
    } do {
    ^bb0(%while3A_2089: vector<1x128xf32>, %while3A_2090: vector<1x128xf32>):
      %dot_general3A_2091 = arith.constant dense<0.000000e+00> : vector<1x128xf32>
      %dot_general3A_2092 = tpu.matmul %while3A_2089, %select_n3A_773, %dot_general3A_2091 {dimension_numbers = #tpu.dot_dimension_numbers<[1], [0], [0], [1], [0, 0, 1, 1], [], []>, transpose_lhs_hint = false} : vector<1x128xf32>, vector<128x128xf32>, vector<1x128xf32> -> vector<1x128xf32>
      %lt3A = arith.constant 5.000000e-01 : f32
      %lt3A_2093 = vector.broadcast %lt3A : f32 to vector<1x128xf32>
      %lt3A_2094 = arith.cmpf olt, %dot_general3A_2092, %lt3A_2093 : vector<1x128xf32>
      %convert_element_type3A_2095 = arith.extui %lt3A_2094 : vector<1x128xi1> to vector<1x128xi32>
      %convert_element_type3A_2096 = arith.sitofp %convert_element_type3A_2095 : vector<1x128xi32> to vector<1x128xf32>
      %mul3A_2097 = arith.mulf %while3A_2089, %convert_element_type3A_2096 : vector<1x128xf32>
      %add3A_2098 = arith.addf %while3A_2090, %mul3A_2097 : vector<1x128xf32>
      %dot_general3A_2099 = arith.constant dense<0.000000e+00> : vector<1x128xf32>
      %dot_general3A_2100 = tpu.matmul %mul3A_2097, %select_n3A_773, %dot_general3A_2099 {dimension_numbers = #tpu.dot_dimension_numbers<[1], [0], [0], [1], [0, 0, 1, 1], [], []>, transpose_lhs_hint = false} : vector<1x128xf32>, vector<128x128xf32>, vector<1x128xf32> -> vector<1x128xf32>
      %sub3A_2101 = arith.constant 1.000000e+00 : f32
      %sub3A_2102 = vector.broadcast %sub3A_2101 : f32 to vector<1x128xf32>
      %sub3A_2103 = arith.subf %sub3A_2102, %mul3A_2097 : vector<1x128xf32>
      %mul3A_2104 = arith.mulf %while3A_2089, %sub3A_2103 : vector<1x128xf32>
      %lt3A_2105 = arith.constant 5.000000e-01 : f32
      %lt3A_2106 = vector.broadcast %lt3A_2105 : f32 to vector<1x128xf32>
      %lt3A_2107 = arith.cmpf olt, %dot_general3A_2100, %lt3A_2106 : vector<1x128xf32>
      %convert_element_type3A_2108 = arith.extui %lt3A_2107 : vector<1x128xi1> to vector<1x128xi32>
      %convert_element_type3A_2109 = arith.sitofp %convert_element_type3A_2108 : vector<1x128xi32> to vector<1x128xf32>
      %mul3A_2110 = arith.mulf %mul3A_2104, %convert_element_type3A_2109 : vector<1x128xf32>
      scf.yield %mul3A_2110, %add3A_2098 : vector<1x128xf32>, vector<1x128xf32>
    }
    %dot_general3A_778 = arith.constant dense<0.000000e+00> : vector<1x2048xf32>
    %dot_general3A_779 = tpu.matmul %while3A_777#1, %convert_element_type3A_768, %dot_general3A_778 {dimension_numbers = #tpu.dot_dimension_numbers<[1], [0], [0], [1], [0, 0, 1, 1], [], []>, transpose_lhs_hint = false} : vector<1x128xf32>, vector<128x2048xf32>, vector<1x2048xf32> -> vector<1x2048xf32>
    %slice3A_780 = vector.extract_strided_slice %dot_general3A_779 {offsets = [0, 128], sizes = [1, 1920], strides = [1, 1]} : vector<1x2048xf32> to vector<1x1920xf32>
    %gt3A_781 = arith.constant 5.000000e-01 : f32
    %gt3A_782 = vector.broadcast %gt3A_781 : f32 to vector<1x1920xf32>
    %gt3A_783 = arith.cmpf ogt, %slice3A_780, %gt3A_782 : vector<1x1920xf32>
    %slice3A_784 = vector.extract_strided_slice %concatenate3A_702 {offsets = [0, 1152], sizes = [1, 1920], strides = [1, 1]} : vector<1x3072xf32> to vector<1x1920xf32>
    %jit3A_785 = arith.constant 0.000000e+00 : f32
    %broadcast_in_dim3A_786 = vector.broadcast %jit3A_785 : f32 to vector<1x1920xf32>
    %select_n3A_787 = arith.select %gt3A_783, %broadcast_in_dim3A_786, %slice3A_784 : vector<1x1920xi1>, vector<1x1920xf32>
    %slice3A_788 = vector.extract_strided_slice %concatenate3A_702 {offsets = [0, 0], sizes = [1, 1024], strides = [1, 1]} : vector<1x3072xf32> to vector<1x1024xf32>
    %concatenate3A_789 = tpu.concatenate %slice3A_788, %while3A_777#1, %select_n3A_787 in 1 : vector<1x1024xf32>, vector<1x128xf32>, vector<1x1920xf32> -> vector<1x3072xf32>
    %get3A_790 = arith.constant 0 : index
    %get3A_791 = arith.constant 9 : index
    %get3A_792 = arith.constant 0 : index
    %get3A_793 = arith.constant 0 : index
    %get3A_794 = vector.load %arg5[%get3A_790, %get3A_791, %get3A_792, %get3A_793] : memref<1x24x128x1xf32, #tpu.memory_space<vmem>>, vector<1x1x128x1xf32>
    %get3A_795 = vector.shape_cast %get3A_794 : vector<1x1x128x1xf32> to vector<128x1xf32>
    %get3A_796 = arith.constant 0 : index
    %get3A_797 = arith.constant 9 : index
    %get3A_798 = arith.constant 0 : index
    %get3A_799 = arith.constant 0 : index
    %get3A_800 = vector.load %arg6[%get3A_796, %get3A_797, %get3A_798, %get3A_799] : memref<1x24x128x1xf32, #tpu.memory_space<vmem>>, vector<1x1x128x1xf32>
    %get3A_801 = vector.shape_cast %get3A_800 : vector<1x1x128x1xf32> to vector<128x1xf32>
    %get3A_802 = arith.constant 0 : index
    %get3A_803 = arith.constant 9 : index
    %get3A_804 = arith.constant 0 : index
    %get3A_805 = arith.constant 0 : index
    %get3A_806 = vector.load %arg7[%get3A_802, %get3A_803, %get3A_804, %get3A_805] : memref<1x24x128x1xf32, #tpu.memory_space<vmem>>, vector<1x1x128x1xf32>
    %get3A_807 = vector.shape_cast %get3A_806 : vector<1x1x128x1xf32> to vector<128x1xf32>
    %get3A_808 = arith.constant 0 : index
    %get3A_809 = arith.constant 9 : index
    %get3A_810 = arith.constant 0 : index
    %get3A_811 = arith.constant 0 : index
    %get3A_812 = vector.load %arg8[%get3A_808, %get3A_809, %get3A_810, %get3A_811] : memref<1x24x128x1xf32, #tpu.memory_space<vmem>>, vector<1x1x128x1xf32>
    %get3A_813 = vector.shape_cast %get3A_812 : vector<1x1x128x1xf32> to vector<128x1xf32>
    %sub3A_814 = arith.subf %get3A_807, %get3A_795 : vector<128x1xf32>
    %sub3A_815 = arith.subf %get3A_813, %get3A_801 : vector<128x1xf32>
    %mul3A_816 = arith.mulf %sub3A_814, %sub3A_815 : vector<128x1xf32>
    %slice3A_817 = vector.extract_strided_slice %get3A_3 {offsets = [0, 1152], sizes = [1, 1920], strides = [1, 1]} : vector<1x3072xf32> to vector<1x1920xf32>
    %max3A_818 = vector.broadcast %get3A_795 : vector<128x1xf32> to vector<128x1920xf32>
    %max3A_819 = vector.broadcast %slice3A_817 : vector<1x1920xf32> to vector<128x1920xf32>
    %max3A_820 = arith.maximumf %max3A_818, %max3A_819 : vector<128x1920xf32>
    %slice3A_821 = vector.extract_strided_slice %get3A_8 {offsets = [0, 1152], sizes = [1, 1920], strides = [1, 1]} : vector<1x3072xf32> to vector<1x1920xf32>
    %max3A_822 = vector.broadcast %get3A_801 : vector<128x1xf32> to vector<128x1920xf32>
    %max3A_823 = vector.broadcast %slice3A_821 : vector<1x1920xf32> to vector<128x1920xf32>
    %max3A_824 = arith.maximumf %max3A_822, %max3A_823 : vector<128x1920xf32>
    %slice3A_825 = vector.extract_strided_slice %get3A_13 {offsets = [0, 1152], sizes = [1, 1920], strides = [1, 1]} : vector<1x3072xf32> to vector<1x1920xf32>
    %min3A_826 = vector.broadcast %get3A_807 : vector<128x1xf32> to vector<128x1920xf32>
    %min3A_827 = vector.broadcast %slice3A_825 : vector<1x1920xf32> to vector<128x1920xf32>
    %min3A_828 = arith.minimumf %min3A_826, %min3A_827 : vector<128x1920xf32>
    %slice3A_829 = vector.extract_strided_slice %get3A_18 {offsets = [0, 1152], sizes = [1, 1920], strides = [1, 1]} : vector<1x3072xf32> to vector<1x1920xf32>
    %min3A_830 = vector.broadcast %get3A_813 : vector<128x1xf32> to vector<128x1920xf32>
    %min3A_831 = vector.broadcast %slice3A_829 : vector<1x1920xf32> to vector<128x1920xf32>
    %min3A_832 = arith.minimumf %min3A_830, %min3A_831 : vector<128x1920xf32>
    %sub3A_833 = arith.subf %min3A_828, %max3A_820 : vector<128x1920xf32>
    %max3A_834 = arith.constant 0.000000e+00 : f32
    %max3A_835 = vector.broadcast %max3A_834 : f32 to vector<128x1920xf32>
    %max3A_836 = arith.maximumf %sub3A_833, %max3A_835 : vector<128x1920xf32>
    %sub3A_837 = arith.subf %min3A_832, %max3A_824 : vector<128x1920xf32>
    %max3A_838 = arith.constant 0.000000e+00 : f32
    %max3A_839 = vector.broadcast %max3A_838 : f32 to vector<128x1920xf32>
    %max3A_840 = arith.maximumf %sub3A_837, %max3A_839 : vector<128x1920xf32>
    %mul3A_841 = arith.mulf %max3A_836, %max3A_840 : vector<128x1920xf32>
    %slice3A_842 = vector.extract_strided_slice %mul3A {offsets = [0, 1152], sizes = [1, 1920], strides = [1, 1]} : vector<1x3072xf32> to vector<1x1920xf32>
    %add3A_843 = vector.broadcast %mul3A_816 : vector<128x1xf32> to vector<128x1920xf32>
    %add3A_844 = vector.broadcast %slice3A_842 : vector<1x1920xf32> to vector<128x1920xf32>
    %add3A_845 = arith.addf %add3A_843, %add3A_844 : vector<128x1920xf32>
    %sub3A_846 = arith.subf %add3A_845, %mul3A_841 : vector<128x1920xf32>
    %add3A_847 = arith.constant 9.99999971E-10 : f32
    %add3A_848 = vector.broadcast %add3A_847 : f32 to vector<128x1920xf32>
    %add3A_849 = arith.addf %sub3A_846, %add3A_848 : vector<128x1920xf32>
    %div3A_850 = arith.divf %mul3A_841, %add3A_849 : vector<128x1920xf32>
    %gt3A_851 = arith.constant 0.699999988 : f32
    %gt3A_852 = vector.broadcast %gt3A_851 : f32 to vector<128x1920xf32>
    %gt3A_853 = arith.cmpf ogt, %div3A_850, %gt3A_852 : vector<128x1920xf32>
    %convert_element_type3A_854 = arith.extui %gt3A_853 : vector<128x1920xi1> to vector<128x1920xi32>
    %convert_element_type3A_855 = arith.sitofp %convert_element_type3A_854 : vector<128x1920xi32> to vector<128x1920xf32>
    %gt3A_856 = arith.cmpi sgt, %iota3A_20, %iota3A : vector<128x128xi32>
    %slice3A_857 = vector.extract_strided_slice %convert_element_type3A_855 {offsets = [0, 0], sizes = [128, 128], strides = [1, 1]} : vector<128x1920xf32> to vector<128x128xf32>
    %jit3A_858 = arith.constant 0.000000e+00 : f32
    %broadcast_in_dim3A_859 = vector.broadcast %jit3A_858 : f32 to vector<128x128xf32>
    %select_n3A_860 = arith.select %gt3A_856, %slice3A_857, %broadcast_in_dim3A_859 : vector<128x128xi1>, vector<128x128xf32>
    %slice3A_861 = vector.extract_strided_slice %concatenate3A_789 {offsets = [0, 1152], sizes = [1, 128], strides = [1, 1]} : vector<1x3072xf32> to vector<1x128xf32>
    %broadcast_in_dim3A_862 = arith.constant 0.000000e+00 : f32
    %broadcast_in_dim3A_863 = vector.broadcast %broadcast_in_dim3A_862 : f32 to vector<1x128xf32>
    %while3A_864:2 = scf.while (%while3A_2089 = %slice3A_861, %while3A_2090 = %broadcast_in_dim3A_863) : (vector<1x128xf32>, vector<1x128xf32>) -> (vector<1x128xf32>, vector<1x128xf32>) {
      %reduce_max3A = vector.shape_cast %while3A_2089 : vector<1x128xf32> to vector<1x1x128xf32>
      %reduce_max3A_2091 = arith.constant dense<0xFF800000> : vector<1xf32>
      %reduce_max3A_2092 = vector.multi_reduction <maximumf>, %reduce_max3A, %reduce_max3A_2091 [1, 2] : vector<1x1x128xf32> to vector<1xf32>
      %reduce_max3A_2093 = vector.shape_cast %reduce_max3A_2092 : vector<1xf32> to vector<1x1x1xf32>
      %reduce_max3A_2094 = vector.extract %reduce_max3A_2093[0, 0, 0] : f32 from vector<1x1x1xf32>
      %gt3A_2095 = arith.constant 5.000000e-01 : f32
      %gt3A_2096 = arith.cmpf ogt, %reduce_max3A_2094, %gt3A_2095 : f32
      scf.condition(%gt3A_2096) %while3A_2089, %while3A_2090 : vector<1x128xf32>, vector<1x128xf32>
    } do {
    ^bb0(%while3A_2089: vector<1x128xf32>, %while3A_2090: vector<1x128xf32>):
      %dot_general3A_2091 = arith.constant dense<0.000000e+00> : vector<1x128xf32>
      %dot_general3A_2092 = tpu.matmul %while3A_2089, %select_n3A_860, %dot_general3A_2091 {dimension_numbers = #tpu.dot_dimension_numbers<[1], [0], [0], [1], [0, 0, 1, 1], [], []>, transpose_lhs_hint = false} : vector<1x128xf32>, vector<128x128xf32>, vector<1x128xf32> -> vector<1x128xf32>
      %lt3A = arith.constant 5.000000e-01 : f32
      %lt3A_2093 = vector.broadcast %lt3A : f32 to vector<1x128xf32>
      %lt3A_2094 = arith.cmpf olt, %dot_general3A_2092, %lt3A_2093 : vector<1x128xf32>
      %convert_element_type3A_2095 = arith.extui %lt3A_2094 : vector<1x128xi1> to vector<1x128xi32>
      %convert_element_type3A_2096 = arith.sitofp %convert_element_type3A_2095 : vector<1x128xi32> to vector<1x128xf32>
      %mul3A_2097 = arith.mulf %while3A_2089, %convert_element_type3A_2096 : vector<1x128xf32>
      %add3A_2098 = arith.addf %while3A_2090, %mul3A_2097 : vector<1x128xf32>
      %dot_general3A_2099 = arith.constant dense<0.000000e+00> : vector<1x128xf32>
      %dot_general3A_2100 = tpu.matmul %mul3A_2097, %select_n3A_860, %dot_general3A_2099 {dimension_numbers = #tpu.dot_dimension_numbers<[1], [0], [0], [1], [0, 0, 1, 1], [], []>, transpose_lhs_hint = false} : vector<1x128xf32>, vector<128x128xf32>, vector<1x128xf32> -> vector<1x128xf32>
      %sub3A_2101 = arith.constant 1.000000e+00 : f32
      %sub3A_2102 = vector.broadcast %sub3A_2101 : f32 to vector<1x128xf32>
      %sub3A_2103 = arith.subf %sub3A_2102, %mul3A_2097 : vector<1x128xf32>
      %mul3A_2104 = arith.mulf %while3A_2089, %sub3A_2103 : vector<1x128xf32>
      %lt3A_2105 = arith.constant 5.000000e-01 : f32
      %lt3A_2106 = vector.broadcast %lt3A_2105 : f32 to vector<1x128xf32>
      %lt3A_2107 = arith.cmpf olt, %dot_general3A_2100, %lt3A_2106 : vector<1x128xf32>
      %convert_element_type3A_2108 = arith.extui %lt3A_2107 : vector<1x128xi1> to vector<1x128xi32>
      %convert_element_type3A_2109 = arith.sitofp %convert_element_type3A_2108 : vector<1x128xi32> to vector<1x128xf32>
      %mul3A_2110 = arith.mulf %mul3A_2104, %convert_element_type3A_2109 : vector<1x128xf32>
      scf.yield %mul3A_2110, %add3A_2098 : vector<1x128xf32>, vector<1x128xf32>
    }
    %dot_general3A_865 = arith.constant dense<0.000000e+00> : vector<1x1920xf32>
    %dot_general3A_866 = tpu.matmul %while3A_864#1, %convert_element_type3A_855, %dot_general3A_865 {dimension_numbers = #tpu.dot_dimension_numbers<[1], [0], [0], [1], [0, 0, 1, 1], [], []>, transpose_lhs_hint = false} : vector<1x128xf32>, vector<128x1920xf32>, vector<1x1920xf32> -> vector<1x1920xf32>
    %slice3A_867 = vector.extract_strided_slice %dot_general3A_866 {offsets = [0, 128], sizes = [1, 1792], strides = [1, 1]} : vector<1x1920xf32> to vector<1x1792xf32>
    %gt3A_868 = arith.constant 5.000000e-01 : f32
    %gt3A_869 = vector.broadcast %gt3A_868 : f32 to vector<1x1792xf32>
    %gt3A_870 = arith.cmpf ogt, %slice3A_867, %gt3A_869 : vector<1x1792xf32>
    %slice3A_871 = vector.extract_strided_slice %concatenate3A_789 {offsets = [0, 1280], sizes = [1, 1792], strides = [1, 1]} : vector<1x3072xf32> to vector<1x1792xf32>
    %jit3A_872 = arith.constant 0.000000e+00 : f32
    %broadcast_in_dim3A_873 = vector.broadcast %jit3A_872 : f32 to vector<1x1792xf32>
    %select_n3A_874 = arith.select %gt3A_870, %broadcast_in_dim3A_873, %slice3A_871 : vector<1x1792xi1>, vector<1x1792xf32>
    %slice3A_875 = vector.extract_strided_slice %concatenate3A_789 {offsets = [0, 0], sizes = [1, 1152], strides = [1, 1]} : vector<1x3072xf32> to vector<1x1152xf32>
    %concatenate3A_876 = tpu.concatenate %slice3A_875, %while3A_864#1, %select_n3A_874 in 1 : vector<1x1152xf32>, vector<1x128xf32>, vector<1x1792xf32> -> vector<1x3072xf32>
    %get3A_877 = arith.constant 0 : index
    %get3A_878 = arith.constant 10 : index
    %get3A_879 = arith.constant 0 : index
    %get3A_880 = arith.constant 0 : index
    %get3A_881 = vector.load %arg5[%get3A_877, %get3A_878, %get3A_879, %get3A_880] : memref<1x24x128x1xf32, #tpu.memory_space<vmem>>, vector<1x1x128x1xf32>
    %get3A_882 = vector.shape_cast %get3A_881 : vector<1x1x128x1xf32> to vector<128x1xf32>
    %get3A_883 = arith.constant 0 : index
    %get3A_884 = arith.constant 10 : index
    %get3A_885 = arith.constant 0 : index
    %get3A_886 = arith.constant 0 : index
    %get3A_887 = vector.load %arg6[%get3A_883, %get3A_884, %get3A_885, %get3A_886] : memref<1x24x128x1xf32, #tpu.memory_space<vmem>>, vector<1x1x128x1xf32>
    %get3A_888 = vector.shape_cast %get3A_887 : vector<1x1x128x1xf32> to vector<128x1xf32>
    %get3A_889 = arith.constant 0 : index
    %get3A_890 = arith.constant 10 : index
    %get3A_891 = arith.constant 0 : index
    %get3A_892 = arith.constant 0 : index
    %get3A_893 = vector.load %arg7[%get3A_889, %get3A_890, %get3A_891, %get3A_892] : memref<1x24x128x1xf32, #tpu.memory_space<vmem>>, vector<1x1x128x1xf32>
    %get3A_894 = vector.shape_cast %get3A_893 : vector<1x1x128x1xf32> to vector<128x1xf32>
    %get3A_895 = arith.constant 0 : index
    %get3A_896 = arith.constant 10 : index
    %get3A_897 = arith.constant 0 : index
    %get3A_898 = arith.constant 0 : index
    %get3A_899 = vector.load %arg8[%get3A_895, %get3A_896, %get3A_897, %get3A_898] : memref<1x24x128x1xf32, #tpu.memory_space<vmem>>, vector<1x1x128x1xf32>
    %get3A_900 = vector.shape_cast %get3A_899 : vector<1x1x128x1xf32> to vector<128x1xf32>
    %sub3A_901 = arith.subf %get3A_894, %get3A_882 : vector<128x1xf32>
    %sub3A_902 = arith.subf %get3A_900, %get3A_888 : vector<128x1xf32>
    %mul3A_903 = arith.mulf %sub3A_901, %sub3A_902 : vector<128x1xf32>
    %slice3A_904 = vector.extract_strided_slice %get3A_3 {offsets = [0, 1280], sizes = [1, 1792], strides = [1, 1]} : vector<1x3072xf32> to vector<1x1792xf32>
    %max3A_905 = vector.broadcast %get3A_882 : vector<128x1xf32> to vector<128x1792xf32>
    %max3A_906 = vector.broadcast %slice3A_904 : vector<1x1792xf32> to vector<128x1792xf32>
    %max3A_907 = arith.maximumf %max3A_905, %max3A_906 : vector<128x1792xf32>
    %slice3A_908 = vector.extract_strided_slice %get3A_8 {offsets = [0, 1280], sizes = [1, 1792], strides = [1, 1]} : vector<1x3072xf32> to vector<1x1792xf32>
    %max3A_909 = vector.broadcast %get3A_888 : vector<128x1xf32> to vector<128x1792xf32>
    %max3A_910 = vector.broadcast %slice3A_908 : vector<1x1792xf32> to vector<128x1792xf32>
    %max3A_911 = arith.maximumf %max3A_909, %max3A_910 : vector<128x1792xf32>
    %slice3A_912 = vector.extract_strided_slice %get3A_13 {offsets = [0, 1280], sizes = [1, 1792], strides = [1, 1]} : vector<1x3072xf32> to vector<1x1792xf32>
    %min3A_913 = vector.broadcast %get3A_894 : vector<128x1xf32> to vector<128x1792xf32>
    %min3A_914 = vector.broadcast %slice3A_912 : vector<1x1792xf32> to vector<128x1792xf32>
    %min3A_915 = arith.minimumf %min3A_913, %min3A_914 : vector<128x1792xf32>
    %slice3A_916 = vector.extract_strided_slice %get3A_18 {offsets = [0, 1280], sizes = [1, 1792], strides = [1, 1]} : vector<1x3072xf32> to vector<1x1792xf32>
    %min3A_917 = vector.broadcast %get3A_900 : vector<128x1xf32> to vector<128x1792xf32>
    %min3A_918 = vector.broadcast %slice3A_916 : vector<1x1792xf32> to vector<128x1792xf32>
    %min3A_919 = arith.minimumf %min3A_917, %min3A_918 : vector<128x1792xf32>
    %sub3A_920 = arith.subf %min3A_915, %max3A_907 : vector<128x1792xf32>
    %max3A_921 = arith.constant 0.000000e+00 : f32
    %max3A_922 = vector.broadcast %max3A_921 : f32 to vector<128x1792xf32>
    %max3A_923 = arith.maximumf %sub3A_920, %max3A_922 : vector<128x1792xf32>
    %sub3A_924 = arith.subf %min3A_919, %max3A_911 : vector<128x1792xf32>
    %max3A_925 = arith.constant 0.000000e+00 : f32
    %max3A_926 = vector.broadcast %max3A_925 : f32 to vector<128x1792xf32>
    %max3A_927 = arith.maximumf %sub3A_924, %max3A_926 : vector<128x1792xf32>
    %mul3A_928 = arith.mulf %max3A_923, %max3A_927 : vector<128x1792xf32>
    %slice3A_929 = vector.extract_strided_slice %mul3A {offsets = [0, 1280], sizes = [1, 1792], strides = [1, 1]} : vector<1x3072xf32> to vector<1x1792xf32>
    %add3A_930 = vector.broadcast %mul3A_903 : vector<128x1xf32> to vector<128x1792xf32>
    %add3A_931 = vector.broadcast %slice3A_929 : vector<1x1792xf32> to vector<128x1792xf32>
    %add3A_932 = arith.addf %add3A_930, %add3A_931 : vector<128x1792xf32>
    %sub3A_933 = arith.subf %add3A_932, %mul3A_928 : vector<128x1792xf32>
    %add3A_934 = arith.constant 9.99999971E-10 : f32
    %add3A_935 = vector.broadcast %add3A_934 : f32 to vector<128x1792xf32>
    %add3A_936 = arith.addf %sub3A_933, %add3A_935 : vector<128x1792xf32>
    %div3A_937 = arith.divf %mul3A_928, %add3A_936 : vector<128x1792xf32>
    %gt3A_938 = arith.constant 0.699999988 : f32
    %gt3A_939 = vector.broadcast %gt3A_938 : f32 to vector<128x1792xf32>
    %gt3A_940 = arith.cmpf ogt, %div3A_937, %gt3A_939 : vector<128x1792xf32>
    %convert_element_type3A_941 = arith.extui %gt3A_940 : vector<128x1792xi1> to vector<128x1792xi32>
    %convert_element_type3A_942 = arith.sitofp %convert_element_type3A_941 : vector<128x1792xi32> to vector<128x1792xf32>
    %gt3A_943 = arith.cmpi sgt, %iota3A_20, %iota3A : vector<128x128xi32>
    %slice3A_944 = vector.extract_strided_slice %convert_element_type3A_942 {offsets = [0, 0], sizes = [128, 128], strides = [1, 1]} : vector<128x1792xf32> to vector<128x128xf32>
    %jit3A_945 = arith.constant 0.000000e+00 : f32
    %broadcast_in_dim3A_946 = vector.broadcast %jit3A_945 : f32 to vector<128x128xf32>
    %select_n3A_947 = arith.select %gt3A_943, %slice3A_944, %broadcast_in_dim3A_946 : vector<128x128xi1>, vector<128x128xf32>
    %slice3A_948 = vector.extract_strided_slice %concatenate3A_876 {offsets = [0, 1280], sizes = [1, 128], strides = [1, 1]} : vector<1x3072xf32> to vector<1x128xf32>
    %broadcast_in_dim3A_949 = arith.constant 0.000000e+00 : f32
    %broadcast_in_dim3A_950 = vector.broadcast %broadcast_in_dim3A_949 : f32 to vector<1x128xf32>
    %while3A_951:2 = scf.while (%while3A_2089 = %slice3A_948, %while3A_2090 = %broadcast_in_dim3A_950) : (vector<1x128xf32>, vector<1x128xf32>) -> (vector<1x128xf32>, vector<1x128xf32>) {
      %reduce_max3A = vector.shape_cast %while3A_2089 : vector<1x128xf32> to vector<1x1x128xf32>
      %reduce_max3A_2091 = arith.constant dense<0xFF800000> : vector<1xf32>
      %reduce_max3A_2092 = vector.multi_reduction <maximumf>, %reduce_max3A, %reduce_max3A_2091 [1, 2] : vector<1x1x128xf32> to vector<1xf32>
      %reduce_max3A_2093 = vector.shape_cast %reduce_max3A_2092 : vector<1xf32> to vector<1x1x1xf32>
      %reduce_max3A_2094 = vector.extract %reduce_max3A_2093[0, 0, 0] : f32 from vector<1x1x1xf32>
      %gt3A_2095 = arith.constant 5.000000e-01 : f32
      %gt3A_2096 = arith.cmpf ogt, %reduce_max3A_2094, %gt3A_2095 : f32
      scf.condition(%gt3A_2096) %while3A_2089, %while3A_2090 : vector<1x128xf32>, vector<1x128xf32>
    } do {
    ^bb0(%while3A_2089: vector<1x128xf32>, %while3A_2090: vector<1x128xf32>):
      %dot_general3A_2091 = arith.constant dense<0.000000e+00> : vector<1x128xf32>
      %dot_general3A_2092 = tpu.matmul %while3A_2089, %select_n3A_947, %dot_general3A_2091 {dimension_numbers = #tpu.dot_dimension_numbers<[1], [0], [0], [1], [0, 0, 1, 1], [], []>, transpose_lhs_hint = false} : vector<1x128xf32>, vector<128x128xf32>, vector<1x128xf32> -> vector<1x128xf32>
      %lt3A = arith.constant 5.000000e-01 : f32
      %lt3A_2093 = vector.broadcast %lt3A : f32 to vector<1x128xf32>
      %lt3A_2094 = arith.cmpf olt, %dot_general3A_2092, %lt3A_2093 : vector<1x128xf32>
      %convert_element_type3A_2095 = arith.extui %lt3A_2094 : vector<1x128xi1> to vector<1x128xi32>
      %convert_element_type3A_2096 = arith.sitofp %convert_element_type3A_2095 : vector<1x128xi32> to vector<1x128xf32>
      %mul3A_2097 = arith.mulf %while3A_2089, %convert_element_type3A_2096 : vector<1x128xf32>
      %add3A_2098 = arith.addf %while3A_2090, %mul3A_2097 : vector<1x128xf32>
      %dot_general3A_2099 = arith.constant dense<0.000000e+00> : vector<1x128xf32>
      %dot_general3A_2100 = tpu.matmul %mul3A_2097, %select_n3A_947, %dot_general3A_2099 {dimension_numbers = #tpu.dot_dimension_numbers<[1], [0], [0], [1], [0, 0, 1, 1], [], []>, transpose_lhs_hint = false} : vector<1x128xf32>, vector<128x128xf32>, vector<1x128xf32> -> vector<1x128xf32>
      %sub3A_2101 = arith.constant 1.000000e+00 : f32
      %sub3A_2102 = vector.broadcast %sub3A_2101 : f32 to vector<1x128xf32>
      %sub3A_2103 = arith.subf %sub3A_2102, %mul3A_2097 : vector<1x128xf32>
      %mul3A_2104 = arith.mulf %while3A_2089, %sub3A_2103 : vector<1x128xf32>
      %lt3A_2105 = arith.constant 5.000000e-01 : f32
      %lt3A_2106 = vector.broadcast %lt3A_2105 : f32 to vector<1x128xf32>
      %lt3A_2107 = arith.cmpf olt, %dot_general3A_2100, %lt3A_2106 : vector<1x128xf32>
      %convert_element_type3A_2108 = arith.extui %lt3A_2107 : vector<1x128xi1> to vector<1x128xi32>
      %convert_element_type3A_2109 = arith.sitofp %convert_element_type3A_2108 : vector<1x128xi32> to vector<1x128xf32>
      %mul3A_2110 = arith.mulf %mul3A_2104, %convert_element_type3A_2109 : vector<1x128xf32>
      scf.yield %mul3A_2110, %add3A_2098 : vector<1x128xf32>, vector<1x128xf32>
    }
    %dot_general3A_952 = arith.constant dense<0.000000e+00> : vector<1x1792xf32>
    %dot_general3A_953 = tpu.matmul %while3A_951#1, %convert_element_type3A_942, %dot_general3A_952 {dimension_numbers = #tpu.dot_dimension_numbers<[1], [0], [0], [1], [0, 0, 1, 1], [], []>, transpose_lhs_hint = false} : vector<1x128xf32>, vector<128x1792xf32>, vector<1x1792xf32> -> vector<1x1792xf32>
    %slice3A_954 = vector.extract_strided_slice %dot_general3A_953 {offsets = [0, 128], sizes = [1, 1664], strides = [1, 1]} : vector<1x1792xf32> to vector<1x1664xf32>
    %gt3A_955 = arith.constant 5.000000e-01 : f32
    %gt3A_956 = vector.broadcast %gt3A_955 : f32 to vector<1x1664xf32>
    %gt3A_957 = arith.cmpf ogt, %slice3A_954, %gt3A_956 : vector<1x1664xf32>
    %slice3A_958 = vector.extract_strided_slice %concatenate3A_876 {offsets = [0, 1408], sizes = [1, 1664], strides = [1, 1]} : vector<1x3072xf32> to vector<1x1664xf32>
    %jit3A_959 = arith.constant 0.000000e+00 : f32
    %broadcast_in_dim3A_960 = vector.broadcast %jit3A_959 : f32 to vector<1x1664xf32>
    %select_n3A_961 = arith.select %gt3A_957, %broadcast_in_dim3A_960, %slice3A_958 : vector<1x1664xi1>, vector<1x1664xf32>
    %slice3A_962 = vector.extract_strided_slice %concatenate3A_876 {offsets = [0, 0], sizes = [1, 1280], strides = [1, 1]} : vector<1x3072xf32> to vector<1x1280xf32>
    %concatenate3A_963 = tpu.concatenate %slice3A_962, %while3A_951#1, %select_n3A_961 in 1 : vector<1x1280xf32>, vector<1x128xf32>, vector<1x1664xf32> -> vector<1x3072xf32>
    %get3A_964 = arith.constant 0 : index
    %get3A_965 = arith.constant 11 : index
    %get3A_966 = arith.constant 0 : index
    %get3A_967 = arith.constant 0 : index
    %get3A_968 = vector.load %arg5[%get3A_964, %get3A_965, %get3A_966, %get3A_967] : memref<1x24x128x1xf32, #tpu.memory_space<vmem>>, vector<1x1x128x1xf32>
    %get3A_969 = vector.shape_cast %get3A_968 : vector<1x1x128x1xf32> to vector<128x1xf32>
    %get3A_970 = arith.constant 0 : index
    %get3A_971 = arith.constant 11 : index
    %get3A_972 = arith.constant 0 : index
    %get3A_973 = arith.constant 0 : index
    %get3A_974 = vector.load %arg6[%get3A_970, %get3A_971, %get3A_972, %get3A_973] : memref<1x24x128x1xf32, #tpu.memory_space<vmem>>, vector<1x1x128x1xf32>
    %get3A_975 = vector.shape_cast %get3A_974 : vector<1x1x128x1xf32> to vector<128x1xf32>
    %get3A_976 = arith.constant 0 : index
    %get3A_977 = arith.constant 11 : index
    %get3A_978 = arith.constant 0 : index
    %get3A_979 = arith.constant 0 : index
    %get3A_980 = vector.load %arg7[%get3A_976, %get3A_977, %get3A_978, %get3A_979] : memref<1x24x128x1xf32, #tpu.memory_space<vmem>>, vector<1x1x128x1xf32>
    %get3A_981 = vector.shape_cast %get3A_980 : vector<1x1x128x1xf32> to vector<128x1xf32>
    %get3A_982 = arith.constant 0 : index
    %get3A_983 = arith.constant 11 : index
    %get3A_984 = arith.constant 0 : index
    %get3A_985 = arith.constant 0 : index
    %get3A_986 = vector.load %arg8[%get3A_982, %get3A_983, %get3A_984, %get3A_985] : memref<1x24x128x1xf32, #tpu.memory_space<vmem>>, vector<1x1x128x1xf32>
    %get3A_987 = vector.shape_cast %get3A_986 : vector<1x1x128x1xf32> to vector<128x1xf32>
    %sub3A_988 = arith.subf %get3A_981, %get3A_969 : vector<128x1xf32>
    %sub3A_989 = arith.subf %get3A_987, %get3A_975 : vector<128x1xf32>
    %mul3A_990 = arith.mulf %sub3A_988, %sub3A_989 : vector<128x1xf32>
    %slice3A_991 = vector.extract_strided_slice %get3A_3 {offsets = [0, 1408], sizes = [1, 1664], strides = [1, 1]} : vector<1x3072xf32> to vector<1x1664xf32>
    %max3A_992 = vector.broadcast %get3A_969 : vector<128x1xf32> to vector<128x1664xf32>
    %max3A_993 = vector.broadcast %slice3A_991 : vector<1x1664xf32> to vector<128x1664xf32>
    %max3A_994 = arith.maximumf %max3A_992, %max3A_993 : vector<128x1664xf32>
    %slice3A_995 = vector.extract_strided_slice %get3A_8 {offsets = [0, 1408], sizes = [1, 1664], strides = [1, 1]} : vector<1x3072xf32> to vector<1x1664xf32>
    %max3A_996 = vector.broadcast %get3A_975 : vector<128x1xf32> to vector<128x1664xf32>
    %max3A_997 = vector.broadcast %slice3A_995 : vector<1x1664xf32> to vector<128x1664xf32>
    %max3A_998 = arith.maximumf %max3A_996, %max3A_997 : vector<128x1664xf32>
    %slice3A_999 = vector.extract_strided_slice %get3A_13 {offsets = [0, 1408], sizes = [1, 1664], strides = [1, 1]} : vector<1x3072xf32> to vector<1x1664xf32>
    %min3A_1000 = vector.broadcast %get3A_981 : vector<128x1xf32> to vector<128x1664xf32>
    %min3A_1001 = vector.broadcast %slice3A_999 : vector<1x1664xf32> to vector<128x1664xf32>
    %min3A_1002 = arith.minimumf %min3A_1000, %min3A_1001 : vector<128x1664xf32>
    %slice3A_1003 = vector.extract_strided_slice %get3A_18 {offsets = [0, 1408], sizes = [1, 1664], strides = [1, 1]} : vector<1x3072xf32> to vector<1x1664xf32>
    %min3A_1004 = vector.broadcast %get3A_987 : vector<128x1xf32> to vector<128x1664xf32>
    %min3A_1005 = vector.broadcast %slice3A_1003 : vector<1x1664xf32> to vector<128x1664xf32>
    %min3A_1006 = arith.minimumf %min3A_1004, %min3A_1005 : vector<128x1664xf32>
    %sub3A_1007 = arith.subf %min3A_1002, %max3A_994 : vector<128x1664xf32>
    %max3A_1008 = arith.constant 0.000000e+00 : f32
    %max3A_1009 = vector.broadcast %max3A_1008 : f32 to vector<128x1664xf32>
    %max3A_1010 = arith.maximumf %sub3A_1007, %max3A_1009 : vector<128x1664xf32>
    %sub3A_1011 = arith.subf %min3A_1006, %max3A_998 : vector<128x1664xf32>
    %max3A_1012 = arith.constant 0.000000e+00 : f32
    %max3A_1013 = vector.broadcast %max3A_1012 : f32 to vector<128x1664xf32>
    %max3A_1014 = arith.maximumf %sub3A_1011, %max3A_1013 : vector<128x1664xf32>
    %mul3A_1015 = arith.mulf %max3A_1010, %max3A_1014 : vector<128x1664xf32>
    %slice3A_1016 = vector.extract_strided_slice %mul3A {offsets = [0, 1408], sizes = [1, 1664], strides = [1, 1]} : vector<1x3072xf32> to vector<1x1664xf32>
    %add3A_1017 = vector.broadcast %mul3A_990 : vector<128x1xf32> to vector<128x1664xf32>
    %add3A_1018 = vector.broadcast %slice3A_1016 : vector<1x1664xf32> to vector<128x1664xf32>
    %add3A_1019 = arith.addf %add3A_1017, %add3A_1018 : vector<128x1664xf32>
    %sub3A_1020 = arith.subf %add3A_1019, %mul3A_1015 : vector<128x1664xf32>
    %add3A_1021 = arith.constant 9.99999971E-10 : f32
    %add3A_1022 = vector.broadcast %add3A_1021 : f32 to vector<128x1664xf32>
    %add3A_1023 = arith.addf %sub3A_1020, %add3A_1022 : vector<128x1664xf32>
    %div3A_1024 = arith.divf %mul3A_1015, %add3A_1023 : vector<128x1664xf32>
    %gt3A_1025 = arith.constant 0.699999988 : f32
    %gt3A_1026 = vector.broadcast %gt3A_1025 : f32 to vector<128x1664xf32>
    %gt3A_1027 = arith.cmpf ogt, %div3A_1024, %gt3A_1026 : vector<128x1664xf32>
    %convert_element_type3A_1028 = arith.extui %gt3A_1027 : vector<128x1664xi1> to vector<128x1664xi32>
    %convert_element_type3A_1029 = arith.sitofp %convert_element_type3A_1028 : vector<128x1664xi32> to vector<128x1664xf32>
    %gt3A_1030 = arith.cmpi sgt, %iota3A_20, %iota3A : vector<128x128xi32>
    %slice3A_1031 = vector.extract_strided_slice %convert_element_type3A_1029 {offsets = [0, 0], sizes = [128, 128], strides = [1, 1]} : vector<128x1664xf32> to vector<128x128xf32>
    %jit3A_1032 = arith.constant 0.000000e+00 : f32
    %broadcast_in_dim3A_1033 = vector.broadcast %jit3A_1032 : f32 to vector<128x128xf32>
    %select_n3A_1034 = arith.select %gt3A_1030, %slice3A_1031, %broadcast_in_dim3A_1033 : vector<128x128xi1>, vector<128x128xf32>
    %slice3A_1035 = vector.extract_strided_slice %concatenate3A_963 {offsets = [0, 1408], sizes = [1, 128], strides = [1, 1]} : vector<1x3072xf32> to vector<1x128xf32>
    %broadcast_in_dim3A_1036 = arith.constant 0.000000e+00 : f32
    %broadcast_in_dim3A_1037 = vector.broadcast %broadcast_in_dim3A_1036 : f32 to vector<1x128xf32>
    %while3A_1038:2 = scf.while (%while3A_2089 = %slice3A_1035, %while3A_2090 = %broadcast_in_dim3A_1037) : (vector<1x128xf32>, vector<1x128xf32>) -> (vector<1x128xf32>, vector<1x128xf32>) {
      %reduce_max3A = vector.shape_cast %while3A_2089 : vector<1x128xf32> to vector<1x1x128xf32>
      %reduce_max3A_2091 = arith.constant dense<0xFF800000> : vector<1xf32>
      %reduce_max3A_2092 = vector.multi_reduction <maximumf>, %reduce_max3A, %reduce_max3A_2091 [1, 2] : vector<1x1x128xf32> to vector<1xf32>
      %reduce_max3A_2093 = vector.shape_cast %reduce_max3A_2092 : vector<1xf32> to vector<1x1x1xf32>
      %reduce_max3A_2094 = vector.extract %reduce_max3A_2093[0, 0, 0] : f32 from vector<1x1x1xf32>
      %gt3A_2095 = arith.constant 5.000000e-01 : f32
      %gt3A_2096 = arith.cmpf ogt, %reduce_max3A_2094, %gt3A_2095 : f32
      scf.condition(%gt3A_2096) %while3A_2089, %while3A_2090 : vector<1x128xf32>, vector<1x128xf32>
    } do {
    ^bb0(%while3A_2089: vector<1x128xf32>, %while3A_2090: vector<1x128xf32>):
      %dot_general3A_2091 = arith.constant dense<0.000000e+00> : vector<1x128xf32>
      %dot_general3A_2092 = tpu.matmul %while3A_2089, %select_n3A_1034, %dot_general3A_2091 {dimension_numbers = #tpu.dot_dimension_numbers<[1], [0], [0], [1], [0, 0, 1, 1], [], []>, transpose_lhs_hint = false} : vector<1x128xf32>, vector<128x128xf32>, vector<1x128xf32> -> vector<1x128xf32>
      %lt3A = arith.constant 5.000000e-01 : f32
      %lt3A_2093 = vector.broadcast %lt3A : f32 to vector<1x128xf32>
      %lt3A_2094 = arith.cmpf olt, %dot_general3A_2092, %lt3A_2093 : vector<1x128xf32>
      %convert_element_type3A_2095 = arith.extui %lt3A_2094 : vector<1x128xi1> to vector<1x128xi32>
      %convert_element_type3A_2096 = arith.sitofp %convert_element_type3A_2095 : vector<1x128xi32> to vector<1x128xf32>
      %mul3A_2097 = arith.mulf %while3A_2089, %convert_element_type3A_2096 : vector<1x128xf32>
      %add3A_2098 = arith.addf %while3A_2090, %mul3A_2097 : vector<1x128xf32>
      %dot_general3A_2099 = arith.constant dense<0.000000e+00> : vector<1x128xf32>
      %dot_general3A_2100 = tpu.matmul %mul3A_2097, %select_n3A_1034, %dot_general3A_2099 {dimension_numbers = #tpu.dot_dimension_numbers<[1], [0], [0], [1], [0, 0, 1, 1], [], []>, transpose_lhs_hint = false} : vector<1x128xf32>, vector<128x128xf32>, vector<1x128xf32> -> vector<1x128xf32>
      %sub3A_2101 = arith.constant 1.000000e+00 : f32
      %sub3A_2102 = vector.broadcast %sub3A_2101 : f32 to vector<1x128xf32>
      %sub3A_2103 = arith.subf %sub3A_2102, %mul3A_2097 : vector<1x128xf32>
      %mul3A_2104 = arith.mulf %while3A_2089, %sub3A_2103 : vector<1x128xf32>
      %lt3A_2105 = arith.constant 5.000000e-01 : f32
      %lt3A_2106 = vector.broadcast %lt3A_2105 : f32 to vector<1x128xf32>
      %lt3A_2107 = arith.cmpf olt, %dot_general3A_2100, %lt3A_2106 : vector<1x128xf32>
      %convert_element_type3A_2108 = arith.extui %lt3A_2107 : vector<1x128xi1> to vector<1x128xi32>
      %convert_element_type3A_2109 = arith.sitofp %convert_element_type3A_2108 : vector<1x128xi32> to vector<1x128xf32>
      %mul3A_2110 = arith.mulf %mul3A_2104, %convert_element_type3A_2109 : vector<1x128xf32>
      scf.yield %mul3A_2110, %add3A_2098 : vector<1x128xf32>, vector<1x128xf32>
    }
    %dot_general3A_1039 = arith.constant dense<0.000000e+00> : vector<1x1664xf32>
    %dot_general3A_1040 = tpu.matmul %while3A_1038#1, %convert_element_type3A_1029, %dot_general3A_1039 {dimension_numbers = #tpu.dot_dimension_numbers<[1], [0], [0], [1], [0, 0, 1, 1], [], []>, transpose_lhs_hint = false} : vector<1x128xf32>, vector<128x1664xf32>, vector<1x1664xf32> -> vector<1x1664xf32>
    %slice3A_1041 = vector.extract_strided_slice %dot_general3A_1040 {offsets = [0, 128], sizes = [1, 1536], strides = [1, 1]} : vector<1x1664xf32> to vector<1x1536xf32>
    %gt3A_1042 = arith.constant 5.000000e-01 : f32
    %gt3A_1043 = vector.broadcast %gt3A_1042 : f32 to vector<1x1536xf32>
    %gt3A_1044 = arith.cmpf ogt, %slice3A_1041, %gt3A_1043 : vector<1x1536xf32>
    %slice3A_1045 = vector.extract_strided_slice %concatenate3A_963 {offsets = [0, 1536], sizes = [1, 1536], strides = [1, 1]} : vector<1x3072xf32> to vector<1x1536xf32>
    %jit3A_1046 = arith.constant 0.000000e+00 : f32
    %broadcast_in_dim3A_1047 = vector.broadcast %jit3A_1046 : f32 to vector<1x1536xf32>
    %select_n3A_1048 = arith.select %gt3A_1044, %broadcast_in_dim3A_1047, %slice3A_1045 : vector<1x1536xi1>, vector<1x1536xf32>
    %slice3A_1049 = vector.extract_strided_slice %concatenate3A_963 {offsets = [0, 0], sizes = [1, 1408], strides = [1, 1]} : vector<1x3072xf32> to vector<1x1408xf32>
    %concatenate3A_1050 = tpu.concatenate %slice3A_1049, %while3A_1038#1, %select_n3A_1048 in 1 : vector<1x1408xf32>, vector<1x128xf32>, vector<1x1536xf32> -> vector<1x3072xf32>
    %get3A_1051 = arith.constant 0 : index
    %get3A_1052 = arith.constant 12 : index
    %get3A_1053 = arith.constant 0 : index
    %get3A_1054 = arith.constant 0 : index
    %get3A_1055 = vector.load %arg5[%get3A_1051, %get3A_1052, %get3A_1053, %get3A_1054] : memref<1x24x128x1xf32, #tpu.memory_space<vmem>>, vector<1x1x128x1xf32>
    %get3A_1056 = vector.shape_cast %get3A_1055 : vector<1x1x128x1xf32> to vector<128x1xf32>
    %get3A_1057 = arith.constant 0 : index
    %get3A_1058 = arith.constant 12 : index
    %get3A_1059 = arith.constant 0 : index
    %get3A_1060 = arith.constant 0 : index
    %get3A_1061 = vector.load %arg6[%get3A_1057, %get3A_1058, %get3A_1059, %get3A_1060] : memref<1x24x128x1xf32, #tpu.memory_space<vmem>>, vector<1x1x128x1xf32>
    %get3A_1062 = vector.shape_cast %get3A_1061 : vector<1x1x128x1xf32> to vector<128x1xf32>
    %get3A_1063 = arith.constant 0 : index
    %get3A_1064 = arith.constant 12 : index
    %get3A_1065 = arith.constant 0 : index
    %get3A_1066 = arith.constant 0 : index
    %get3A_1067 = vector.load %arg7[%get3A_1063, %get3A_1064, %get3A_1065, %get3A_1066] : memref<1x24x128x1xf32, #tpu.memory_space<vmem>>, vector<1x1x128x1xf32>
    %get3A_1068 = vector.shape_cast %get3A_1067 : vector<1x1x128x1xf32> to vector<128x1xf32>
    %get3A_1069 = arith.constant 0 : index
    %get3A_1070 = arith.constant 12 : index
    %get3A_1071 = arith.constant 0 : index
    %get3A_1072 = arith.constant 0 : index
    %get3A_1073 = vector.load %arg8[%get3A_1069, %get3A_1070, %get3A_1071, %get3A_1072] : memref<1x24x128x1xf32, #tpu.memory_space<vmem>>, vector<1x1x128x1xf32>
    %get3A_1074 = vector.shape_cast %get3A_1073 : vector<1x1x128x1xf32> to vector<128x1xf32>
    %sub3A_1075 = arith.subf %get3A_1068, %get3A_1056 : vector<128x1xf32>
    %sub3A_1076 = arith.subf %get3A_1074, %get3A_1062 : vector<128x1xf32>
    %mul3A_1077 = arith.mulf %sub3A_1075, %sub3A_1076 : vector<128x1xf32>
    %slice3A_1078 = vector.extract_strided_slice %get3A_3 {offsets = [0, 1536], sizes = [1, 1536], strides = [1, 1]} : vector<1x3072xf32> to vector<1x1536xf32>
    %max3A_1079 = vector.broadcast %get3A_1056 : vector<128x1xf32> to vector<128x1536xf32>
    %max3A_1080 = vector.broadcast %slice3A_1078 : vector<1x1536xf32> to vector<128x1536xf32>
    %max3A_1081 = arith.maximumf %max3A_1079, %max3A_1080 : vector<128x1536xf32>
    %slice3A_1082 = vector.extract_strided_slice %get3A_8 {offsets = [0, 1536], sizes = [1, 1536], strides = [1, 1]} : vector<1x3072xf32> to vector<1x1536xf32>
    %max3A_1083 = vector.broadcast %get3A_1062 : vector<128x1xf32> to vector<128x1536xf32>
    %max3A_1084 = vector.broadcast %slice3A_1082 : vector<1x1536xf32> to vector<128x1536xf32>
    %max3A_1085 = arith.maximumf %max3A_1083, %max3A_1084 : vector<128x1536xf32>
    %slice3A_1086 = vector.extract_strided_slice %get3A_13 {offsets = [0, 1536], sizes = [1, 1536], strides = [1, 1]} : vector<1x3072xf32> to vector<1x1536xf32>
    %min3A_1087 = vector.broadcast %get3A_1068 : vector<128x1xf32> to vector<128x1536xf32>
    %min3A_1088 = vector.broadcast %slice3A_1086 : vector<1x1536xf32> to vector<128x1536xf32>
    %min3A_1089 = arith.minimumf %min3A_1087, %min3A_1088 : vector<128x1536xf32>
    %slice3A_1090 = vector.extract_strided_slice %get3A_18 {offsets = [0, 1536], sizes = [1, 1536], strides = [1, 1]} : vector<1x3072xf32> to vector<1x1536xf32>
    %min3A_1091 = vector.broadcast %get3A_1074 : vector<128x1xf32> to vector<128x1536xf32>
    %min3A_1092 = vector.broadcast %slice3A_1090 : vector<1x1536xf32> to vector<128x1536xf32>
    %min3A_1093 = arith.minimumf %min3A_1091, %min3A_1092 : vector<128x1536xf32>
    %sub3A_1094 = arith.subf %min3A_1089, %max3A_1081 : vector<128x1536xf32>
    %max3A_1095 = arith.constant 0.000000e+00 : f32
    %max3A_1096 = vector.broadcast %max3A_1095 : f32 to vector<128x1536xf32>
    %max3A_1097 = arith.maximumf %sub3A_1094, %max3A_1096 : vector<128x1536xf32>
    %sub3A_1098 = arith.subf %min3A_1093, %max3A_1085 : vector<128x1536xf32>
    %max3A_1099 = arith.constant 0.000000e+00 : f32
    %max3A_1100 = vector.broadcast %max3A_1099 : f32 to vector<128x1536xf32>
    %max3A_1101 = arith.maximumf %sub3A_1098, %max3A_1100 : vector<128x1536xf32>
    %mul3A_1102 = arith.mulf %max3A_1097, %max3A_1101 : vector<128x1536xf32>
    %slice3A_1103 = vector.extract_strided_slice %mul3A {offsets = [0, 1536], sizes = [1, 1536], strides = [1, 1]} : vector<1x3072xf32> to vector<1x1536xf32>
    %add3A_1104 = vector.broadcast %mul3A_1077 : vector<128x1xf32> to vector<128x1536xf32>
    %add3A_1105 = vector.broadcast %slice3A_1103 : vector<1x1536xf32> to vector<128x1536xf32>
    %add3A_1106 = arith.addf %add3A_1104, %add3A_1105 : vector<128x1536xf32>
    %sub3A_1107 = arith.subf %add3A_1106, %mul3A_1102 : vector<128x1536xf32>
    %add3A_1108 = arith.constant 9.99999971E-10 : f32
    %add3A_1109 = vector.broadcast %add3A_1108 : f32 to vector<128x1536xf32>
    %add3A_1110 = arith.addf %sub3A_1107, %add3A_1109 : vector<128x1536xf32>
    %div3A_1111 = arith.divf %mul3A_1102, %add3A_1110 : vector<128x1536xf32>
    %gt3A_1112 = arith.constant 0.699999988 : f32
    %gt3A_1113 = vector.broadcast %gt3A_1112 : f32 to vector<128x1536xf32>
    %gt3A_1114 = arith.cmpf ogt, %div3A_1111, %gt3A_1113 : vector<128x1536xf32>
    %convert_element_type3A_1115 = arith.extui %gt3A_1114 : vector<128x1536xi1> to vector<128x1536xi32>
    %convert_element_type3A_1116 = arith.sitofp %convert_element_type3A_1115 : vector<128x1536xi32> to vector<128x1536xf32>
    %gt3A_1117 = arith.cmpi sgt, %iota3A_20, %iota3A : vector<128x128xi32>
    %slice3A_1118 = vector.extract_strided_slice %convert_element_type3A_1116 {offsets = [0, 0], sizes = [128, 128], strides = [1, 1]} : vector<128x1536xf32> to vector<128x128xf32>
    %jit3A_1119 = arith.constant 0.000000e+00 : f32
    %broadcast_in_dim3A_1120 = vector.broadcast %jit3A_1119 : f32 to vector<128x128xf32>
    %select_n3A_1121 = arith.select %gt3A_1117, %slice3A_1118, %broadcast_in_dim3A_1120 : vector<128x128xi1>, vector<128x128xf32>
    %slice3A_1122 = vector.extract_strided_slice %concatenate3A_1050 {offsets = [0, 1536], sizes = [1, 128], strides = [1, 1]} : vector<1x3072xf32> to vector<1x128xf32>
    %broadcast_in_dim3A_1123 = arith.constant 0.000000e+00 : f32
    %broadcast_in_dim3A_1124 = vector.broadcast %broadcast_in_dim3A_1123 : f32 to vector<1x128xf32>
    %while3A_1125:2 = scf.while (%while3A_2089 = %slice3A_1122, %while3A_2090 = %broadcast_in_dim3A_1124) : (vector<1x128xf32>, vector<1x128xf32>) -> (vector<1x128xf32>, vector<1x128xf32>) {
      %reduce_max3A = vector.shape_cast %while3A_2089 : vector<1x128xf32> to vector<1x1x128xf32>
      %reduce_max3A_2091 = arith.constant dense<0xFF800000> : vector<1xf32>
      %reduce_max3A_2092 = vector.multi_reduction <maximumf>, %reduce_max3A, %reduce_max3A_2091 [1, 2] : vector<1x1x128xf32> to vector<1xf32>
      %reduce_max3A_2093 = vector.shape_cast %reduce_max3A_2092 : vector<1xf32> to vector<1x1x1xf32>
      %reduce_max3A_2094 = vector.extract %reduce_max3A_2093[0, 0, 0] : f32 from vector<1x1x1xf32>
      %gt3A_2095 = arith.constant 5.000000e-01 : f32
      %gt3A_2096 = arith.cmpf ogt, %reduce_max3A_2094, %gt3A_2095 : f32
      scf.condition(%gt3A_2096) %while3A_2089, %while3A_2090 : vector<1x128xf32>, vector<1x128xf32>
    } do {
    ^bb0(%while3A_2089: vector<1x128xf32>, %while3A_2090: vector<1x128xf32>):
      %dot_general3A_2091 = arith.constant dense<0.000000e+00> : vector<1x128xf32>
      %dot_general3A_2092 = tpu.matmul %while3A_2089, %select_n3A_1121, %dot_general3A_2091 {dimension_numbers = #tpu.dot_dimension_numbers<[1], [0], [0], [1], [0, 0, 1, 1], [], []>, transpose_lhs_hint = false} : vector<1x128xf32>, vector<128x128xf32>, vector<1x128xf32> -> vector<1x128xf32>
      %lt3A = arith.constant 5.000000e-01 : f32
      %lt3A_2093 = vector.broadcast %lt3A : f32 to vector<1x128xf32>
      %lt3A_2094 = arith.cmpf olt, %dot_general3A_2092, %lt3A_2093 : vector<1x128xf32>
      %convert_element_type3A_2095 = arith.extui %lt3A_2094 : vector<1x128xi1> to vector<1x128xi32>
      %convert_element_type3A_2096 = arith.sitofp %convert_element_type3A_2095 : vector<1x128xi32> to vector<1x128xf32>
      %mul3A_2097 = arith.mulf %while3A_2089, %convert_element_type3A_2096 : vector<1x128xf32>
      %add3A_2098 = arith.addf %while3A_2090, %mul3A_2097 : vector<1x128xf32>
      %dot_general3A_2099 = arith.constant dense<0.000000e+00> : vector<1x128xf32>
      %dot_general3A_2100 = tpu.matmul %mul3A_2097, %select_n3A_1121, %dot_general3A_2099 {dimension_numbers = #tpu.dot_dimension_numbers<[1], [0], [0], [1], [0, 0, 1, 1], [], []>, transpose_lhs_hint = false} : vector<1x128xf32>, vector<128x128xf32>, vector<1x128xf32> -> vector<1x128xf32>
      %sub3A_2101 = arith.constant 1.000000e+00 : f32
      %sub3A_2102 = vector.broadcast %sub3A_2101 : f32 to vector<1x128xf32>
      %sub3A_2103 = arith.subf %sub3A_2102, %mul3A_2097 : vector<1x128xf32>
      %mul3A_2104 = arith.mulf %while3A_2089, %sub3A_2103 : vector<1x128xf32>
      %lt3A_2105 = arith.constant 5.000000e-01 : f32
      %lt3A_2106 = vector.broadcast %lt3A_2105 : f32 to vector<1x128xf32>
      %lt3A_2107 = arith.cmpf olt, %dot_general3A_2100, %lt3A_2106 : vector<1x128xf32>
      %convert_element_type3A_2108 = arith.extui %lt3A_2107 : vector<1x128xi1> to vector<1x128xi32>
      %convert_element_type3A_2109 = arith.sitofp %convert_element_type3A_2108 : vector<1x128xi32> to vector<1x128xf32>
      %mul3A_2110 = arith.mulf %mul3A_2104, %convert_element_type3A_2109 : vector<1x128xf32>
      scf.yield %mul3A_2110, %add3A_2098 : vector<1x128xf32>, vector<1x128xf32>
    }
    %dot_general3A_1126 = arith.constant dense<0.000000e+00> : vector<1x1536xf32>
    %dot_general3A_1127 = tpu.matmul %while3A_1125#1, %convert_element_type3A_1116, %dot_general3A_1126 {dimension_numbers = #tpu.dot_dimension_numbers<[1], [0], [0], [1], [0, 0, 1, 1], [], []>, transpose_lhs_hint = false} : vector<1x128xf32>, vector<128x1536xf32>, vector<1x1536xf32> -> vector<1x1536xf32>
    %slice3A_1128 = vector.extract_strided_slice %dot_general3A_1127 {offsets = [0, 128], sizes = [1, 1408], strides = [1, 1]} : vector<1x1536xf32> to vector<1x1408xf32>
    %gt3A_1129 = arith.constant 5.000000e-01 : f32
    %gt3A_1130 = vector.broadcast %gt3A_1129 : f32 to vector<1x1408xf32>
    %gt3A_1131 = arith.cmpf ogt, %slice3A_1128, %gt3A_1130 : vector<1x1408xf32>
    %slice3A_1132 = vector.extract_strided_slice %concatenate3A_1050 {offsets = [0, 1664], sizes = [1, 1408], strides = [1, 1]} : vector<1x3072xf32> to vector<1x1408xf32>
    %jit3A_1133 = arith.constant 0.000000e+00 : f32
    %broadcast_in_dim3A_1134 = vector.broadcast %jit3A_1133 : f32 to vector<1x1408xf32>
    %select_n3A_1135 = arith.select %gt3A_1131, %broadcast_in_dim3A_1134, %slice3A_1132 : vector<1x1408xi1>, vector<1x1408xf32>
    %slice3A_1136 = vector.extract_strided_slice %concatenate3A_1050 {offsets = [0, 0], sizes = [1, 1536], strides = [1, 1]} : vector<1x3072xf32> to vector<1x1536xf32>
    %concatenate3A_1137 = tpu.concatenate %slice3A_1136, %while3A_1125#1, %select_n3A_1135 in 1 : vector<1x1536xf32>, vector<1x128xf32>, vector<1x1408xf32> -> vector<1x3072xf32>
    %get3A_1138 = arith.constant 0 : index
    %get3A_1139 = arith.constant 13 : index
    %get3A_1140 = arith.constant 0 : index
    %get3A_1141 = arith.constant 0 : index
    %get3A_1142 = vector.load %arg5[%get3A_1138, %get3A_1139, %get3A_1140, %get3A_1141] : memref<1x24x128x1xf32, #tpu.memory_space<vmem>>, vector<1x1x128x1xf32>
    %get3A_1143 = vector.shape_cast %get3A_1142 : vector<1x1x128x1xf32> to vector<128x1xf32>
    %get3A_1144 = arith.constant 0 : index
    %get3A_1145 = arith.constant 13 : index
    %get3A_1146 = arith.constant 0 : index
    %get3A_1147 = arith.constant 0 : index
    %get3A_1148 = vector.load %arg6[%get3A_1144, %get3A_1145, %get3A_1146, %get3A_1147] : memref<1x24x128x1xf32, #tpu.memory_space<vmem>>, vector<1x1x128x1xf32>
    %get3A_1149 = vector.shape_cast %get3A_1148 : vector<1x1x128x1xf32> to vector<128x1xf32>
    %get3A_1150 = arith.constant 0 : index
    %get3A_1151 = arith.constant 13 : index
    %get3A_1152 = arith.constant 0 : index
    %get3A_1153 = arith.constant 0 : index
    %get3A_1154 = vector.load %arg7[%get3A_1150, %get3A_1151, %get3A_1152, %get3A_1153] : memref<1x24x128x1xf32, #tpu.memory_space<vmem>>, vector<1x1x128x1xf32>
    %get3A_1155 = vector.shape_cast %get3A_1154 : vector<1x1x128x1xf32> to vector<128x1xf32>
    %get3A_1156 = arith.constant 0 : index
    %get3A_1157 = arith.constant 13 : index
    %get3A_1158 = arith.constant 0 : index
    %get3A_1159 = arith.constant 0 : index
    %get3A_1160 = vector.load %arg8[%get3A_1156, %get3A_1157, %get3A_1158, %get3A_1159] : memref<1x24x128x1xf32, #tpu.memory_space<vmem>>, vector<1x1x128x1xf32>
    %get3A_1161 = vector.shape_cast %get3A_1160 : vector<1x1x128x1xf32> to vector<128x1xf32>
    %sub3A_1162 = arith.subf %get3A_1155, %get3A_1143 : vector<128x1xf32>
    %sub3A_1163 = arith.subf %get3A_1161, %get3A_1149 : vector<128x1xf32>
    %mul3A_1164 = arith.mulf %sub3A_1162, %sub3A_1163 : vector<128x1xf32>
    %slice3A_1165 = vector.extract_strided_slice %get3A_3 {offsets = [0, 1664], sizes = [1, 1408], strides = [1, 1]} : vector<1x3072xf32> to vector<1x1408xf32>
    %max3A_1166 = vector.broadcast %get3A_1143 : vector<128x1xf32> to vector<128x1408xf32>
    %max3A_1167 = vector.broadcast %slice3A_1165 : vector<1x1408xf32> to vector<128x1408xf32>
    %max3A_1168 = arith.maximumf %max3A_1166, %max3A_1167 : vector<128x1408xf32>
    %slice3A_1169 = vector.extract_strided_slice %get3A_8 {offsets = [0, 1664], sizes = [1, 1408], strides = [1, 1]} : vector<1x3072xf32> to vector<1x1408xf32>
    %max3A_1170 = vector.broadcast %get3A_1149 : vector<128x1xf32> to vector<128x1408xf32>
    %max3A_1171 = vector.broadcast %slice3A_1169 : vector<1x1408xf32> to vector<128x1408xf32>
    %max3A_1172 = arith.maximumf %max3A_1170, %max3A_1171 : vector<128x1408xf32>
    %slice3A_1173 = vector.extract_strided_slice %get3A_13 {offsets = [0, 1664], sizes = [1, 1408], strides = [1, 1]} : vector<1x3072xf32> to vector<1x1408xf32>
    %min3A_1174 = vector.broadcast %get3A_1155 : vector<128x1xf32> to vector<128x1408xf32>
    %min3A_1175 = vector.broadcast %slice3A_1173 : vector<1x1408xf32> to vector<128x1408xf32>
    %min3A_1176 = arith.minimumf %min3A_1174, %min3A_1175 : vector<128x1408xf32>
    %slice3A_1177 = vector.extract_strided_slice %get3A_18 {offsets = [0, 1664], sizes = [1, 1408], strides = [1, 1]} : vector<1x3072xf32> to vector<1x1408xf32>
    %min3A_1178 = vector.broadcast %get3A_1161 : vector<128x1xf32> to vector<128x1408xf32>
    %min3A_1179 = vector.broadcast %slice3A_1177 : vector<1x1408xf32> to vector<128x1408xf32>
    %min3A_1180 = arith.minimumf %min3A_1178, %min3A_1179 : vector<128x1408xf32>
    %sub3A_1181 = arith.subf %min3A_1176, %max3A_1168 : vector<128x1408xf32>
    %max3A_1182 = arith.constant 0.000000e+00 : f32
    %max3A_1183 = vector.broadcast %max3A_1182 : f32 to vector<128x1408xf32>
    %max3A_1184 = arith.maximumf %sub3A_1181, %max3A_1183 : vector<128x1408xf32>
    %sub3A_1185 = arith.subf %min3A_1180, %max3A_1172 : vector<128x1408xf32>
    %max3A_1186 = arith.constant 0.000000e+00 : f32
    %max3A_1187 = vector.broadcast %max3A_1186 : f32 to vector<128x1408xf32>
    %max3A_1188 = arith.maximumf %sub3A_1185, %max3A_1187 : vector<128x1408xf32>
    %mul3A_1189 = arith.mulf %max3A_1184, %max3A_1188 : vector<128x1408xf32>
    %slice3A_1190 = vector.extract_strided_slice %mul3A {offsets = [0, 1664], sizes = [1, 1408], strides = [1, 1]} : vector<1x3072xf32> to vector<1x1408xf32>
    %add3A_1191 = vector.broadcast %mul3A_1164 : vector<128x1xf32> to vector<128x1408xf32>
    %add3A_1192 = vector.broadcast %slice3A_1190 : vector<1x1408xf32> to vector<128x1408xf32>
    %add3A_1193 = arith.addf %add3A_1191, %add3A_1192 : vector<128x1408xf32>
    %sub3A_1194 = arith.subf %add3A_1193, %mul3A_1189 : vector<128x1408xf32>
    %add3A_1195 = arith.constant 9.99999971E-10 : f32
    %add3A_1196 = vector.broadcast %add3A_1195 : f32 to vector<128x1408xf32>
    %add3A_1197 = arith.addf %sub3A_1194, %add3A_1196 : vector<128x1408xf32>
    %div3A_1198 = arith.divf %mul3A_1189, %add3A_1197 : vector<128x1408xf32>
    %gt3A_1199 = arith.constant 0.699999988 : f32
    %gt3A_1200 = vector.broadcast %gt3A_1199 : f32 to vector<128x1408xf32>
    %gt3A_1201 = arith.cmpf ogt, %div3A_1198, %gt3A_1200 : vector<128x1408xf32>
    %convert_element_type3A_1202 = arith.extui %gt3A_1201 : vector<128x1408xi1> to vector<128x1408xi32>
    %convert_element_type3A_1203 = arith.sitofp %convert_element_type3A_1202 : vector<128x1408xi32> to vector<128x1408xf32>
    %gt3A_1204 = arith.cmpi sgt, %iota3A_20, %iota3A : vector<128x128xi32>
    %slice3A_1205 = vector.extract_strided_slice %convert_element_type3A_1203 {offsets = [0, 0], sizes = [128, 128], strides = [1, 1]} : vector<128x1408xf32> to vector<128x128xf32>
    %jit3A_1206 = arith.constant 0.000000e+00 : f32
    %broadcast_in_dim3A_1207 = vector.broadcast %jit3A_1206 : f32 to vector<128x128xf32>
    %select_n3A_1208 = arith.select %gt3A_1204, %slice3A_1205, %broadcast_in_dim3A_1207 : vector<128x128xi1>, vector<128x128xf32>
    %slice3A_1209 = vector.extract_strided_slice %concatenate3A_1137 {offsets = [0, 1664], sizes = [1, 128], strides = [1, 1]} : vector<1x3072xf32> to vector<1x128xf32>
    %broadcast_in_dim3A_1210 = arith.constant 0.000000e+00 : f32
    %broadcast_in_dim3A_1211 = vector.broadcast %broadcast_in_dim3A_1210 : f32 to vector<1x128xf32>
    %while3A_1212:2 = scf.while (%while3A_2089 = %slice3A_1209, %while3A_2090 = %broadcast_in_dim3A_1211) : (vector<1x128xf32>, vector<1x128xf32>) -> (vector<1x128xf32>, vector<1x128xf32>) {
      %reduce_max3A = vector.shape_cast %while3A_2089 : vector<1x128xf32> to vector<1x1x128xf32>
      %reduce_max3A_2091 = arith.constant dense<0xFF800000> : vector<1xf32>
      %reduce_max3A_2092 = vector.multi_reduction <maximumf>, %reduce_max3A, %reduce_max3A_2091 [1, 2] : vector<1x1x128xf32> to vector<1xf32>
      %reduce_max3A_2093 = vector.shape_cast %reduce_max3A_2092 : vector<1xf32> to vector<1x1x1xf32>
      %reduce_max3A_2094 = vector.extract %reduce_max3A_2093[0, 0, 0] : f32 from vector<1x1x1xf32>
      %gt3A_2095 = arith.constant 5.000000e-01 : f32
      %gt3A_2096 = arith.cmpf ogt, %reduce_max3A_2094, %gt3A_2095 : f32
      scf.condition(%gt3A_2096) %while3A_2089, %while3A_2090 : vector<1x128xf32>, vector<1x128xf32>
    } do {
    ^bb0(%while3A_2089: vector<1x128xf32>, %while3A_2090: vector<1x128xf32>):
      %dot_general3A_2091 = arith.constant dense<0.000000e+00> : vector<1x128xf32>
      %dot_general3A_2092 = tpu.matmul %while3A_2089, %select_n3A_1208, %dot_general3A_2091 {dimension_numbers = #tpu.dot_dimension_numbers<[1], [0], [0], [1], [0, 0, 1, 1], [], []>, transpose_lhs_hint = false} : vector<1x128xf32>, vector<128x128xf32>, vector<1x128xf32> -> vector<1x128xf32>
      %lt3A = arith.constant 5.000000e-01 : f32
      %lt3A_2093 = vector.broadcast %lt3A : f32 to vector<1x128xf32>
      %lt3A_2094 = arith.cmpf olt, %dot_general3A_2092, %lt3A_2093 : vector<1x128xf32>
      %convert_element_type3A_2095 = arith.extui %lt3A_2094 : vector<1x128xi1> to vector<1x128xi32>
      %convert_element_type3A_2096 = arith.sitofp %convert_element_type3A_2095 : vector<1x128xi32> to vector<1x128xf32>
      %mul3A_2097 = arith.mulf %while3A_2089, %convert_element_type3A_2096 : vector<1x128xf32>
      %add3A_2098 = arith.addf %while3A_2090, %mul3A_2097 : vector<1x128xf32>
      %dot_general3A_2099 = arith.constant dense<0.000000e+00> : vector<1x128xf32>
      %dot_general3A_2100 = tpu.matmul %mul3A_2097, %select_n3A_1208, %dot_general3A_2099 {dimension_numbers = #tpu.dot_dimension_numbers<[1], [0], [0], [1], [0, 0, 1, 1], [], []>, transpose_lhs_hint = false} : vector<1x128xf32>, vector<128x128xf32>, vector<1x128xf32> -> vector<1x128xf32>
      %sub3A_2101 = arith.constant 1.000000e+00 : f32
      %sub3A_2102 = vector.broadcast %sub3A_2101 : f32 to vector<1x128xf32>
      %sub3A_2103 = arith.subf %sub3A_2102, %mul3A_2097 : vector<1x128xf32>
      %mul3A_2104 = arith.mulf %while3A_2089, %sub3A_2103 : vector<1x128xf32>
      %lt3A_2105 = arith.constant 5.000000e-01 : f32
      %lt3A_2106 = vector.broadcast %lt3A_2105 : f32 to vector<1x128xf32>
      %lt3A_2107 = arith.cmpf olt, %dot_general3A_2100, %lt3A_2106 : vector<1x128xf32>
      %convert_element_type3A_2108 = arith.extui %lt3A_2107 : vector<1x128xi1> to vector<1x128xi32>
      %convert_element_type3A_2109 = arith.sitofp %convert_element_type3A_2108 : vector<1x128xi32> to vector<1x128xf32>
      %mul3A_2110 = arith.mulf %mul3A_2104, %convert_element_type3A_2109 : vector<1x128xf32>
      scf.yield %mul3A_2110, %add3A_2098 : vector<1x128xf32>, vector<1x128xf32>
    }
    %dot_general3A_1213 = arith.constant dense<0.000000e+00> : vector<1x1408xf32>
    %dot_general3A_1214 = tpu.matmul %while3A_1212#1, %convert_element_type3A_1203, %dot_general3A_1213 {dimension_numbers = #tpu.dot_dimension_numbers<[1], [0], [0], [1], [0, 0, 1, 1], [], []>, transpose_lhs_hint = false} : vector<1x128xf32>, vector<128x1408xf32>, vector<1x1408xf32> -> vector<1x1408xf32>
    %slice3A_1215 = vector.extract_strided_slice %dot_general3A_1214 {offsets = [0, 128], sizes = [1, 1280], strides = [1, 1]} : vector<1x1408xf32> to vector<1x1280xf32>
    %gt3A_1216 = arith.constant 5.000000e-01 : f32
    %gt3A_1217 = vector.broadcast %gt3A_1216 : f32 to vector<1x1280xf32>
    %gt3A_1218 = arith.cmpf ogt, %slice3A_1215, %gt3A_1217 : vector<1x1280xf32>
    %slice3A_1219 = vector.extract_strided_slice %concatenate3A_1137 {offsets = [0, 1792], sizes = [1, 1280], strides = [1, 1]} : vector<1x3072xf32> to vector<1x1280xf32>
    %jit3A_1220 = arith.constant 0.000000e+00 : f32
    %broadcast_in_dim3A_1221 = vector.broadcast %jit3A_1220 : f32 to vector<1x1280xf32>
    %select_n3A_1222 = arith.select %gt3A_1218, %broadcast_in_dim3A_1221, %slice3A_1219 : vector<1x1280xi1>, vector<1x1280xf32>
    %slice3A_1223 = vector.extract_strided_slice %concatenate3A_1137 {offsets = [0, 0], sizes = [1, 1664], strides = [1, 1]} : vector<1x3072xf32> to vector<1x1664xf32>
    %concatenate3A_1224 = tpu.concatenate %slice3A_1223, %while3A_1212#1, %select_n3A_1222 in 1 : vector<1x1664xf32>, vector<1x128xf32>, vector<1x1280xf32> -> vector<1x3072xf32>
    %get3A_1225 = arith.constant 0 : index
    %get3A_1226 = arith.constant 14 : index
    %get3A_1227 = arith.constant 0 : index
    %get3A_1228 = arith.constant 0 : index
    %get3A_1229 = vector.load %arg5[%get3A_1225, %get3A_1226, %get3A_1227, %get3A_1228] : memref<1x24x128x1xf32, #tpu.memory_space<vmem>>, vector<1x1x128x1xf32>
    %get3A_1230 = vector.shape_cast %get3A_1229 : vector<1x1x128x1xf32> to vector<128x1xf32>
    %get3A_1231 = arith.constant 0 : index
    %get3A_1232 = arith.constant 14 : index
    %get3A_1233 = arith.constant 0 : index
    %get3A_1234 = arith.constant 0 : index
    %get3A_1235 = vector.load %arg6[%get3A_1231, %get3A_1232, %get3A_1233, %get3A_1234] : memref<1x24x128x1xf32, #tpu.memory_space<vmem>>, vector<1x1x128x1xf32>
    %get3A_1236 = vector.shape_cast %get3A_1235 : vector<1x1x128x1xf32> to vector<128x1xf32>
    %get3A_1237 = arith.constant 0 : index
    %get3A_1238 = arith.constant 14 : index
    %get3A_1239 = arith.constant 0 : index
    %get3A_1240 = arith.constant 0 : index
    %get3A_1241 = vector.load %arg7[%get3A_1237, %get3A_1238, %get3A_1239, %get3A_1240] : memref<1x24x128x1xf32, #tpu.memory_space<vmem>>, vector<1x1x128x1xf32>
    %get3A_1242 = vector.shape_cast %get3A_1241 : vector<1x1x128x1xf32> to vector<128x1xf32>
    %get3A_1243 = arith.constant 0 : index
    %get3A_1244 = arith.constant 14 : index
    %get3A_1245 = arith.constant 0 : index
    %get3A_1246 = arith.constant 0 : index
    %get3A_1247 = vector.load %arg8[%get3A_1243, %get3A_1244, %get3A_1245, %get3A_1246] : memref<1x24x128x1xf32, #tpu.memory_space<vmem>>, vector<1x1x128x1xf32>
    %get3A_1248 = vector.shape_cast %get3A_1247 : vector<1x1x128x1xf32> to vector<128x1xf32>
    %sub3A_1249 = arith.subf %get3A_1242, %get3A_1230 : vector<128x1xf32>
    %sub3A_1250 = arith.subf %get3A_1248, %get3A_1236 : vector<128x1xf32>
    %mul3A_1251 = arith.mulf %sub3A_1249, %sub3A_1250 : vector<128x1xf32>
    %slice3A_1252 = vector.extract_strided_slice %get3A_3 {offsets = [0, 1792], sizes = [1, 1280], strides = [1, 1]} : vector<1x3072xf32> to vector<1x1280xf32>
    %max3A_1253 = vector.broadcast %get3A_1230 : vector<128x1xf32> to vector<128x1280xf32>
    %max3A_1254 = vector.broadcast %slice3A_1252 : vector<1x1280xf32> to vector<128x1280xf32>
    %max3A_1255 = arith.maximumf %max3A_1253, %max3A_1254 : vector<128x1280xf32>
    %slice3A_1256 = vector.extract_strided_slice %get3A_8 {offsets = [0, 1792], sizes = [1, 1280], strides = [1, 1]} : vector<1x3072xf32> to vector<1x1280xf32>
    %max3A_1257 = vector.broadcast %get3A_1236 : vector<128x1xf32> to vector<128x1280xf32>
    %max3A_1258 = vector.broadcast %slice3A_1256 : vector<1x1280xf32> to vector<128x1280xf32>
    %max3A_1259 = arith.maximumf %max3A_1257, %max3A_1258 : vector<128x1280xf32>
    %slice3A_1260 = vector.extract_strided_slice %get3A_13 {offsets = [0, 1792], sizes = [1, 1280], strides = [1, 1]} : vector<1x3072xf32> to vector<1x1280xf32>
    %min3A_1261 = vector.broadcast %get3A_1242 : vector<128x1xf32> to vector<128x1280xf32>
    %min3A_1262 = vector.broadcast %slice3A_1260 : vector<1x1280xf32> to vector<128x1280xf32>
    %min3A_1263 = arith.minimumf %min3A_1261, %min3A_1262 : vector<128x1280xf32>
    %slice3A_1264 = vector.extract_strided_slice %get3A_18 {offsets = [0, 1792], sizes = [1, 1280], strides = [1, 1]} : vector<1x3072xf32> to vector<1x1280xf32>
    %min3A_1265 = vector.broadcast %get3A_1248 : vector<128x1xf32> to vector<128x1280xf32>
    %min3A_1266 = vector.broadcast %slice3A_1264 : vector<1x1280xf32> to vector<128x1280xf32>
    %min3A_1267 = arith.minimumf %min3A_1265, %min3A_1266 : vector<128x1280xf32>
    %sub3A_1268 = arith.subf %min3A_1263, %max3A_1255 : vector<128x1280xf32>
    %max3A_1269 = arith.constant 0.000000e+00 : f32
    %max3A_1270 = vector.broadcast %max3A_1269 : f32 to vector<128x1280xf32>
    %max3A_1271 = arith.maximumf %sub3A_1268, %max3A_1270 : vector<128x1280xf32>
    %sub3A_1272 = arith.subf %min3A_1267, %max3A_1259 : vector<128x1280xf32>
    %max3A_1273 = arith.constant 0.000000e+00 : f32
    %max3A_1274 = vector.broadcast %max3A_1273 : f32 to vector<128x1280xf32>
    %max3A_1275 = arith.maximumf %sub3A_1272, %max3A_1274 : vector<128x1280xf32>
    %mul3A_1276 = arith.mulf %max3A_1271, %max3A_1275 : vector<128x1280xf32>
    %slice3A_1277 = vector.extract_strided_slice %mul3A {offsets = [0, 1792], sizes = [1, 1280], strides = [1, 1]} : vector<1x3072xf32> to vector<1x1280xf32>
    %add3A_1278 = vector.broadcast %mul3A_1251 : vector<128x1xf32> to vector<128x1280xf32>
    %add3A_1279 = vector.broadcast %slice3A_1277 : vector<1x1280xf32> to vector<128x1280xf32>
    %add3A_1280 = arith.addf %add3A_1278, %add3A_1279 : vector<128x1280xf32>
    %sub3A_1281 = arith.subf %add3A_1280, %mul3A_1276 : vector<128x1280xf32>
    %add3A_1282 = arith.constant 9.99999971E-10 : f32
    %add3A_1283 = vector.broadcast %add3A_1282 : f32 to vector<128x1280xf32>
    %add3A_1284 = arith.addf %sub3A_1281, %add3A_1283 : vector<128x1280xf32>
    %div3A_1285 = arith.divf %mul3A_1276, %add3A_1284 : vector<128x1280xf32>
    %gt3A_1286 = arith.constant 0.699999988 : f32
    %gt3A_1287 = vector.broadcast %gt3A_1286 : f32 to vector<128x1280xf32>
    %gt3A_1288 = arith.cmpf ogt, %div3A_1285, %gt3A_1287 : vector<128x1280xf32>
    %convert_element_type3A_1289 = arith.extui %gt3A_1288 : vector<128x1280xi1> to vector<128x1280xi32>
    %convert_element_type3A_1290 = arith.sitofp %convert_element_type3A_1289 : vector<128x1280xi32> to vector<128x1280xf32>
    %gt3A_1291 = arith.cmpi sgt, %iota3A_20, %iota3A : vector<128x128xi32>
    %slice3A_1292 = vector.extract_strided_slice %convert_element_type3A_1290 {offsets = [0, 0], sizes = [128, 128], strides = [1, 1]} : vector<128x1280xf32> to vector<128x128xf32>
    %jit3A_1293 = arith.constant 0.000000e+00 : f32
    %broadcast_in_dim3A_1294 = vector.broadcast %jit3A_1293 : f32 to vector<128x128xf32>
    %select_n3A_1295 = arith.select %gt3A_1291, %slice3A_1292, %broadcast_in_dim3A_1294 : vector<128x128xi1>, vector<128x128xf32>
    %slice3A_1296 = vector.extract_strided_slice %concatenate3A_1224 {offsets = [0, 1792], sizes = [1, 128], strides = [1, 1]} : vector<1x3072xf32> to vector<1x128xf32>
    %broadcast_in_dim3A_1297 = arith.constant 0.000000e+00 : f32
    %broadcast_in_dim3A_1298 = vector.broadcast %broadcast_in_dim3A_1297 : f32 to vector<1x128xf32>
    %while3A_1299:2 = scf.while (%while3A_2089 = %slice3A_1296, %while3A_2090 = %broadcast_in_dim3A_1298) : (vector<1x128xf32>, vector<1x128xf32>) -> (vector<1x128xf32>, vector<1x128xf32>) {
      %reduce_max3A = vector.shape_cast %while3A_2089 : vector<1x128xf32> to vector<1x1x128xf32>
      %reduce_max3A_2091 = arith.constant dense<0xFF800000> : vector<1xf32>
      %reduce_max3A_2092 = vector.multi_reduction <maximumf>, %reduce_max3A, %reduce_max3A_2091 [1, 2] : vector<1x1x128xf32> to vector<1xf32>
      %reduce_max3A_2093 = vector.shape_cast %reduce_max3A_2092 : vector<1xf32> to vector<1x1x1xf32>
      %reduce_max3A_2094 = vector.extract %reduce_max3A_2093[0, 0, 0] : f32 from vector<1x1x1xf32>
      %gt3A_2095 = arith.constant 5.000000e-01 : f32
      %gt3A_2096 = arith.cmpf ogt, %reduce_max3A_2094, %gt3A_2095 : f32
      scf.condition(%gt3A_2096) %while3A_2089, %while3A_2090 : vector<1x128xf32>, vector<1x128xf32>
    } do {
    ^bb0(%while3A_2089: vector<1x128xf32>, %while3A_2090: vector<1x128xf32>):
      %dot_general3A_2091 = arith.constant dense<0.000000e+00> : vector<1x128xf32>
      %dot_general3A_2092 = tpu.matmul %while3A_2089, %select_n3A_1295, %dot_general3A_2091 {dimension_numbers = #tpu.dot_dimension_numbers<[1], [0], [0], [1], [0, 0, 1, 1], [], []>, transpose_lhs_hint = false} : vector<1x128xf32>, vector<128x128xf32>, vector<1x128xf32> -> vector<1x128xf32>
      %lt3A = arith.constant 5.000000e-01 : f32
      %lt3A_2093 = vector.broadcast %lt3A : f32 to vector<1x128xf32>
      %lt3A_2094 = arith.cmpf olt, %dot_general3A_2092, %lt3A_2093 : vector<1x128xf32>
      %convert_element_type3A_2095 = arith.extui %lt3A_2094 : vector<1x128xi1> to vector<1x128xi32>
      %convert_element_type3A_2096 = arith.sitofp %convert_element_type3A_2095 : vector<1x128xi32> to vector<1x128xf32>
      %mul3A_2097 = arith.mulf %while3A_2089, %convert_element_type3A_2096 : vector<1x128xf32>
      %add3A_2098 = arith.addf %while3A_2090, %mul3A_2097 : vector<1x128xf32>
      %dot_general3A_2099 = arith.constant dense<0.000000e+00> : vector<1x128xf32>
      %dot_general3A_2100 = tpu.matmul %mul3A_2097, %select_n3A_1295, %dot_general3A_2099 {dimension_numbers = #tpu.dot_dimension_numbers<[1], [0], [0], [1], [0, 0, 1, 1], [], []>, transpose_lhs_hint = false} : vector<1x128xf32>, vector<128x128xf32>, vector<1x128xf32> -> vector<1x128xf32>
      %sub3A_2101 = arith.constant 1.000000e+00 : f32
      %sub3A_2102 = vector.broadcast %sub3A_2101 : f32 to vector<1x128xf32>
      %sub3A_2103 = arith.subf %sub3A_2102, %mul3A_2097 : vector<1x128xf32>
      %mul3A_2104 = arith.mulf %while3A_2089, %sub3A_2103 : vector<1x128xf32>
      %lt3A_2105 = arith.constant 5.000000e-01 : f32
      %lt3A_2106 = vector.broadcast %lt3A_2105 : f32 to vector<1x128xf32>
      %lt3A_2107 = arith.cmpf olt, %dot_general3A_2100, %lt3A_2106 : vector<1x128xf32>
      %convert_element_type3A_2108 = arith.extui %lt3A_2107 : vector<1x128xi1> to vector<1x128xi32>
      %convert_element_type3A_2109 = arith.sitofp %convert_element_type3A_2108 : vector<1x128xi32> to vector<1x128xf32>
      %mul3A_2110 = arith.mulf %mul3A_2104, %convert_element_type3A_2109 : vector<1x128xf32>
      scf.yield %mul3A_2110, %add3A_2098 : vector<1x128xf32>, vector<1x128xf32>
    }
    %dot_general3A_1300 = arith.constant dense<0.000000e+00> : vector<1x1280xf32>
    %dot_general3A_1301 = tpu.matmul %while3A_1299#1, %convert_element_type3A_1290, %dot_general3A_1300 {dimension_numbers = #tpu.dot_dimension_numbers<[1], [0], [0], [1], [0, 0, 1, 1], [], []>, transpose_lhs_hint = false} : vector<1x128xf32>, vector<128x1280xf32>, vector<1x1280xf32> -> vector<1x1280xf32>
    %slice3A_1302 = vector.extract_strided_slice %dot_general3A_1301 {offsets = [0, 128], sizes = [1, 1152], strides = [1, 1]} : vector<1x1280xf32> to vector<1x1152xf32>
    %gt3A_1303 = arith.constant 5.000000e-01 : f32
    %gt3A_1304 = vector.broadcast %gt3A_1303 : f32 to vector<1x1152xf32>
    %gt3A_1305 = arith.cmpf ogt, %slice3A_1302, %gt3A_1304 : vector<1x1152xf32>
    %slice3A_1306 = vector.extract_strided_slice %concatenate3A_1224 {offsets = [0, 1920], sizes = [1, 1152], strides = [1, 1]} : vector<1x3072xf32> to vector<1x1152xf32>
    %jit3A_1307 = arith.constant 0.000000e+00 : f32
    %broadcast_in_dim3A_1308 = vector.broadcast %jit3A_1307 : f32 to vector<1x1152xf32>
    %select_n3A_1309 = arith.select %gt3A_1305, %broadcast_in_dim3A_1308, %slice3A_1306 : vector<1x1152xi1>, vector<1x1152xf32>
    %slice3A_1310 = vector.extract_strided_slice %concatenate3A_1224 {offsets = [0, 0], sizes = [1, 1792], strides = [1, 1]} : vector<1x3072xf32> to vector<1x1792xf32>
    %concatenate3A_1311 = tpu.concatenate %slice3A_1310, %while3A_1299#1, %select_n3A_1309 in 1 : vector<1x1792xf32>, vector<1x128xf32>, vector<1x1152xf32> -> vector<1x3072xf32>
    %get3A_1312 = arith.constant 0 : index
    %get3A_1313 = arith.constant 15 : index
    %get3A_1314 = arith.constant 0 : index
    %get3A_1315 = arith.constant 0 : index
    %get3A_1316 = vector.load %arg5[%get3A_1312, %get3A_1313, %get3A_1314, %get3A_1315] : memref<1x24x128x1xf32, #tpu.memory_space<vmem>>, vector<1x1x128x1xf32>
    %get3A_1317 = vector.shape_cast %get3A_1316 : vector<1x1x128x1xf32> to vector<128x1xf32>
    %get3A_1318 = arith.constant 0 : index
    %get3A_1319 = arith.constant 15 : index
    %get3A_1320 = arith.constant 0 : index
    %get3A_1321 = arith.constant 0 : index
    %get3A_1322 = vector.load %arg6[%get3A_1318, %get3A_1319, %get3A_1320, %get3A_1321] : memref<1x24x128x1xf32, #tpu.memory_space<vmem>>, vector<1x1x128x1xf32>
    %get3A_1323 = vector.shape_cast %get3A_1322 : vector<1x1x128x1xf32> to vector<128x1xf32>
    %get3A_1324 = arith.constant 0 : index
    %get3A_1325 = arith.constant 15 : index
    %get3A_1326 = arith.constant 0 : index
    %get3A_1327 = arith.constant 0 : index
    %get3A_1328 = vector.load %arg7[%get3A_1324, %get3A_1325, %get3A_1326, %get3A_1327] : memref<1x24x128x1xf32, #tpu.memory_space<vmem>>, vector<1x1x128x1xf32>
    %get3A_1329 = vector.shape_cast %get3A_1328 : vector<1x1x128x1xf32> to vector<128x1xf32>
    %get3A_1330 = arith.constant 0 : index
    %get3A_1331 = arith.constant 15 : index
    %get3A_1332 = arith.constant 0 : index
    %get3A_1333 = arith.constant 0 : index
    %get3A_1334 = vector.load %arg8[%get3A_1330, %get3A_1331, %get3A_1332, %get3A_1333] : memref<1x24x128x1xf32, #tpu.memory_space<vmem>>, vector<1x1x128x1xf32>
    %get3A_1335 = vector.shape_cast %get3A_1334 : vector<1x1x128x1xf32> to vector<128x1xf32>
    %sub3A_1336 = arith.subf %get3A_1329, %get3A_1317 : vector<128x1xf32>
    %sub3A_1337 = arith.subf %get3A_1335, %get3A_1323 : vector<128x1xf32>
    %mul3A_1338 = arith.mulf %sub3A_1336, %sub3A_1337 : vector<128x1xf32>
    %slice3A_1339 = vector.extract_strided_slice %get3A_3 {offsets = [0, 1920], sizes = [1, 1152], strides = [1, 1]} : vector<1x3072xf32> to vector<1x1152xf32>
    %max3A_1340 = vector.broadcast %get3A_1317 : vector<128x1xf32> to vector<128x1152xf32>
    %max3A_1341 = vector.broadcast %slice3A_1339 : vector<1x1152xf32> to vector<128x1152xf32>
    %max3A_1342 = arith.maximumf %max3A_1340, %max3A_1341 : vector<128x1152xf32>
    %slice3A_1343 = vector.extract_strided_slice %get3A_8 {offsets = [0, 1920], sizes = [1, 1152], strides = [1, 1]} : vector<1x3072xf32> to vector<1x1152xf32>
    %max3A_1344 = vector.broadcast %get3A_1323 : vector<128x1xf32> to vector<128x1152xf32>
    %max3A_1345 = vector.broadcast %slice3A_1343 : vector<1x1152xf32> to vector<128x1152xf32>
    %max3A_1346 = arith.maximumf %max3A_1344, %max3A_1345 : vector<128x1152xf32>
    %slice3A_1347 = vector.extract_strided_slice %get3A_13 {offsets = [0, 1920], sizes = [1, 1152], strides = [1, 1]} : vector<1x3072xf32> to vector<1x1152xf32>
    %min3A_1348 = vector.broadcast %get3A_1329 : vector<128x1xf32> to vector<128x1152xf32>
    %min3A_1349 = vector.broadcast %slice3A_1347 : vector<1x1152xf32> to vector<128x1152xf32>
    %min3A_1350 = arith.minimumf %min3A_1348, %min3A_1349 : vector<128x1152xf32>
    %slice3A_1351 = vector.extract_strided_slice %get3A_18 {offsets = [0, 1920], sizes = [1, 1152], strides = [1, 1]} : vector<1x3072xf32> to vector<1x1152xf32>
    %min3A_1352 = vector.broadcast %get3A_1335 : vector<128x1xf32> to vector<128x1152xf32>
    %min3A_1353 = vector.broadcast %slice3A_1351 : vector<1x1152xf32> to vector<128x1152xf32>
    %min3A_1354 = arith.minimumf %min3A_1352, %min3A_1353 : vector<128x1152xf32>
    %sub3A_1355 = arith.subf %min3A_1350, %max3A_1342 : vector<128x1152xf32>
    %max3A_1356 = arith.constant 0.000000e+00 : f32
    %max3A_1357 = vector.broadcast %max3A_1356 : f32 to vector<128x1152xf32>
    %max3A_1358 = arith.maximumf %sub3A_1355, %max3A_1357 : vector<128x1152xf32>
    %sub3A_1359 = arith.subf %min3A_1354, %max3A_1346 : vector<128x1152xf32>
    %max3A_1360 = arith.constant 0.000000e+00 : f32
    %max3A_1361 = vector.broadcast %max3A_1360 : f32 to vector<128x1152xf32>
    %max3A_1362 = arith.maximumf %sub3A_1359, %max3A_1361 : vector<128x1152xf32>
    %mul3A_1363 = arith.mulf %max3A_1358, %max3A_1362 : vector<128x1152xf32>
    %slice3A_1364 = vector.extract_strided_slice %mul3A {offsets = [0, 1920], sizes = [1, 1152], strides = [1, 1]} : vector<1x3072xf32> to vector<1x1152xf32>
    %add3A_1365 = vector.broadcast %mul3A_1338 : vector<128x1xf32> to vector<128x1152xf32>
    %add3A_1366 = vector.broadcast %slice3A_1364 : vector<1x1152xf32> to vector<128x1152xf32>
    %add3A_1367 = arith.addf %add3A_1365, %add3A_1366 : vector<128x1152xf32>
    %sub3A_1368 = arith.subf %add3A_1367, %mul3A_1363 : vector<128x1152xf32>
    %add3A_1369 = arith.constant 9.99999971E-10 : f32
    %add3A_1370 = vector.broadcast %add3A_1369 : f32 to vector<128x1152xf32>
    %add3A_1371 = arith.addf %sub3A_1368, %add3A_1370 : vector<128x1152xf32>
    %div3A_1372 = arith.divf %mul3A_1363, %add3A_1371 : vector<128x1152xf32>
    %gt3A_1373 = arith.constant 0.699999988 : f32
    %gt3A_1374 = vector.broadcast %gt3A_1373 : f32 to vector<128x1152xf32>
    %gt3A_1375 = arith.cmpf ogt, %div3A_1372, %gt3A_1374 : vector<128x1152xf32>
    %convert_element_type3A_1376 = arith.extui %gt3A_1375 : vector<128x1152xi1> to vector<128x1152xi32>
    %convert_element_type3A_1377 = arith.sitofp %convert_element_type3A_1376 : vector<128x1152xi32> to vector<128x1152xf32>
    %gt3A_1378 = arith.cmpi sgt, %iota3A_20, %iota3A : vector<128x128xi32>
    %slice3A_1379 = vector.extract_strided_slice %convert_element_type3A_1377 {offsets = [0, 0], sizes = [128, 128], strides = [1, 1]} : vector<128x1152xf32> to vector<128x128xf32>
    %jit3A_1380 = arith.constant 0.000000e+00 : f32
    %broadcast_in_dim3A_1381 = vector.broadcast %jit3A_1380 : f32 to vector<128x128xf32>
    %select_n3A_1382 = arith.select %gt3A_1378, %slice3A_1379, %broadcast_in_dim3A_1381 : vector<128x128xi1>, vector<128x128xf32>
    %slice3A_1383 = vector.extract_strided_slice %concatenate3A_1311 {offsets = [0, 1920], sizes = [1, 128], strides = [1, 1]} : vector<1x3072xf32> to vector<1x128xf32>
    %broadcast_in_dim3A_1384 = arith.constant 0.000000e+00 : f32
    %broadcast_in_dim3A_1385 = vector.broadcast %broadcast_in_dim3A_1384 : f32 to vector<1x128xf32>
    %while3A_1386:2 = scf.while (%while3A_2089 = %slice3A_1383, %while3A_2090 = %broadcast_in_dim3A_1385) : (vector<1x128xf32>, vector<1x128xf32>) -> (vector<1x128xf32>, vector<1x128xf32>) {
      %reduce_max3A = vector.shape_cast %while3A_2089 : vector<1x128xf32> to vector<1x1x128xf32>
      %reduce_max3A_2091 = arith.constant dense<0xFF800000> : vector<1xf32>
      %reduce_max3A_2092 = vector.multi_reduction <maximumf>, %reduce_max3A, %reduce_max3A_2091 [1, 2] : vector<1x1x128xf32> to vector<1xf32>
      %reduce_max3A_2093 = vector.shape_cast %reduce_max3A_2092 : vector<1xf32> to vector<1x1x1xf32>
      %reduce_max3A_2094 = vector.extract %reduce_max3A_2093[0, 0, 0] : f32 from vector<1x1x1xf32>
      %gt3A_2095 = arith.constant 5.000000e-01 : f32
      %gt3A_2096 = arith.cmpf ogt, %reduce_max3A_2094, %gt3A_2095 : f32
      scf.condition(%gt3A_2096) %while3A_2089, %while3A_2090 : vector<1x128xf32>, vector<1x128xf32>
    } do {
    ^bb0(%while3A_2089: vector<1x128xf32>, %while3A_2090: vector<1x128xf32>):
      %dot_general3A_2091 = arith.constant dense<0.000000e+00> : vector<1x128xf32>
      %dot_general3A_2092 = tpu.matmul %while3A_2089, %select_n3A_1382, %dot_general3A_2091 {dimension_numbers = #tpu.dot_dimension_numbers<[1], [0], [0], [1], [0, 0, 1, 1], [], []>, transpose_lhs_hint = false} : vector<1x128xf32>, vector<128x128xf32>, vector<1x128xf32> -> vector<1x128xf32>
      %lt3A = arith.constant 5.000000e-01 : f32
      %lt3A_2093 = vector.broadcast %lt3A : f32 to vector<1x128xf32>
      %lt3A_2094 = arith.cmpf olt, %dot_general3A_2092, %lt3A_2093 : vector<1x128xf32>
      %convert_element_type3A_2095 = arith.extui %lt3A_2094 : vector<1x128xi1> to vector<1x128xi32>
      %convert_element_type3A_2096 = arith.sitofp %convert_element_type3A_2095 : vector<1x128xi32> to vector<1x128xf32>
      %mul3A_2097 = arith.mulf %while3A_2089, %convert_element_type3A_2096 : vector<1x128xf32>
      %add3A_2098 = arith.addf %while3A_2090, %mul3A_2097 : vector<1x128xf32>
      %dot_general3A_2099 = arith.constant dense<0.000000e+00> : vector<1x128xf32>
      %dot_general3A_2100 = tpu.matmul %mul3A_2097, %select_n3A_1382, %dot_general3A_2099 {dimension_numbers = #tpu.dot_dimension_numbers<[1], [0], [0], [1], [0, 0, 1, 1], [], []>, transpose_lhs_hint = false} : vector<1x128xf32>, vector<128x128xf32>, vector<1x128xf32> -> vector<1x128xf32>
      %sub3A_2101 = arith.constant 1.000000e+00 : f32
      %sub3A_2102 = vector.broadcast %sub3A_2101 : f32 to vector<1x128xf32>
      %sub3A_2103 = arith.subf %sub3A_2102, %mul3A_2097 : vector<1x128xf32>
      %mul3A_2104 = arith.mulf %while3A_2089, %sub3A_2103 : vector<1x128xf32>
      %lt3A_2105 = arith.constant 5.000000e-01 : f32
      %lt3A_2106 = vector.broadcast %lt3A_2105 : f32 to vector<1x128xf32>
      %lt3A_2107 = arith.cmpf olt, %dot_general3A_2100, %lt3A_2106 : vector<1x128xf32>
      %convert_element_type3A_2108 = arith.extui %lt3A_2107 : vector<1x128xi1> to vector<1x128xi32>
      %convert_element_type3A_2109 = arith.sitofp %convert_element_type3A_2108 : vector<1x128xi32> to vector<1x128xf32>
      %mul3A_2110 = arith.mulf %mul3A_2104, %convert_element_type3A_2109 : vector<1x128xf32>
      scf.yield %mul3A_2110, %add3A_2098 : vector<1x128xf32>, vector<1x128xf32>
    }
    %dot_general3A_1387 = arith.constant dense<0.000000e+00> : vector<1x1152xf32>
    %dot_general3A_1388 = tpu.matmul %while3A_1386#1, %convert_element_type3A_1377, %dot_general3A_1387 {dimension_numbers = #tpu.dot_dimension_numbers<[1], [0], [0], [1], [0, 0, 1, 1], [], []>, transpose_lhs_hint = false} : vector<1x128xf32>, vector<128x1152xf32>, vector<1x1152xf32> -> vector<1x1152xf32>
    %slice3A_1389 = vector.extract_strided_slice %dot_general3A_1388 {offsets = [0, 128], sizes = [1, 1024], strides = [1, 1]} : vector<1x1152xf32> to vector<1x1024xf32>
    %gt3A_1390 = arith.constant 5.000000e-01 : f32
    %gt3A_1391 = vector.broadcast %gt3A_1390 : f32 to vector<1x1024xf32>
    %gt3A_1392 = arith.cmpf ogt, %slice3A_1389, %gt3A_1391 : vector<1x1024xf32>
    %slice3A_1393 = vector.extract_strided_slice %concatenate3A_1311 {offsets = [0, 2048], sizes = [1, 1024], strides = [1, 1]} : vector<1x3072xf32> to vector<1x1024xf32>
    %jit3A_1394 = arith.constant 0.000000e+00 : f32
    %broadcast_in_dim3A_1395 = vector.broadcast %jit3A_1394 : f32 to vector<1x1024xf32>
    %select_n3A_1396 = arith.select %gt3A_1392, %broadcast_in_dim3A_1395, %slice3A_1393 : vector<1x1024xi1>, vector<1x1024xf32>
    %slice3A_1397 = vector.extract_strided_slice %concatenate3A_1311 {offsets = [0, 0], sizes = [1, 1920], strides = [1, 1]} : vector<1x3072xf32> to vector<1x1920xf32>
    %concatenate3A_1398 = tpu.concatenate %slice3A_1397, %while3A_1386#1, %select_n3A_1396 in 1 : vector<1x1920xf32>, vector<1x128xf32>, vector<1x1024xf32> -> vector<1x3072xf32>
    %get3A_1399 = arith.constant 0 : index
    %get3A_1400 = arith.constant 16 : index
    %get3A_1401 = arith.constant 0 : index
    %get3A_1402 = arith.constant 0 : index
    %get3A_1403 = vector.load %arg5[%get3A_1399, %get3A_1400, %get3A_1401, %get3A_1402] : memref<1x24x128x1xf32, #tpu.memory_space<vmem>>, vector<1x1x128x1xf32>
    %get3A_1404 = vector.shape_cast %get3A_1403 : vector<1x1x128x1xf32> to vector<128x1xf32>
    %get3A_1405 = arith.constant 0 : index
    %get3A_1406 = arith.constant 16 : index
    %get3A_1407 = arith.constant 0 : index
    %get3A_1408 = arith.constant 0 : index
    %get3A_1409 = vector.load %arg6[%get3A_1405, %get3A_1406, %get3A_1407, %get3A_1408] : memref<1x24x128x1xf32, #tpu.memory_space<vmem>>, vector<1x1x128x1xf32>
    %get3A_1410 = vector.shape_cast %get3A_1409 : vector<1x1x128x1xf32> to vector<128x1xf32>
    %get3A_1411 = arith.constant 0 : index
    %get3A_1412 = arith.constant 16 : index
    %get3A_1413 = arith.constant 0 : index
    %get3A_1414 = arith.constant 0 : index
    %get3A_1415 = vector.load %arg7[%get3A_1411, %get3A_1412, %get3A_1413, %get3A_1414] : memref<1x24x128x1xf32, #tpu.memory_space<vmem>>, vector<1x1x128x1xf32>
    %get3A_1416 = vector.shape_cast %get3A_1415 : vector<1x1x128x1xf32> to vector<128x1xf32>
    %get3A_1417 = arith.constant 0 : index
    %get3A_1418 = arith.constant 16 : index
    %get3A_1419 = arith.constant 0 : index
    %get3A_1420 = arith.constant 0 : index
    %get3A_1421 = vector.load %arg8[%get3A_1417, %get3A_1418, %get3A_1419, %get3A_1420] : memref<1x24x128x1xf32, #tpu.memory_space<vmem>>, vector<1x1x128x1xf32>
    %get3A_1422 = vector.shape_cast %get3A_1421 : vector<1x1x128x1xf32> to vector<128x1xf32>
    %sub3A_1423 = arith.subf %get3A_1416, %get3A_1404 : vector<128x1xf32>
    %sub3A_1424 = arith.subf %get3A_1422, %get3A_1410 : vector<128x1xf32>
    %mul3A_1425 = arith.mulf %sub3A_1423, %sub3A_1424 : vector<128x1xf32>
    %slice3A_1426 = vector.extract_strided_slice %get3A_3 {offsets = [0, 2048], sizes = [1, 1024], strides = [1, 1]} : vector<1x3072xf32> to vector<1x1024xf32>
    %max3A_1427 = vector.broadcast %get3A_1404 : vector<128x1xf32> to vector<128x1024xf32>
    %max3A_1428 = vector.broadcast %slice3A_1426 : vector<1x1024xf32> to vector<128x1024xf32>
    %max3A_1429 = arith.maximumf %max3A_1427, %max3A_1428 : vector<128x1024xf32>
    %slice3A_1430 = vector.extract_strided_slice %get3A_8 {offsets = [0, 2048], sizes = [1, 1024], strides = [1, 1]} : vector<1x3072xf32> to vector<1x1024xf32>
    %max3A_1431 = vector.broadcast %get3A_1410 : vector<128x1xf32> to vector<128x1024xf32>
    %max3A_1432 = vector.broadcast %slice3A_1430 : vector<1x1024xf32> to vector<128x1024xf32>
    %max3A_1433 = arith.maximumf %max3A_1431, %max3A_1432 : vector<128x1024xf32>
    %slice3A_1434 = vector.extract_strided_slice %get3A_13 {offsets = [0, 2048], sizes = [1, 1024], strides = [1, 1]} : vector<1x3072xf32> to vector<1x1024xf32>
    %min3A_1435 = vector.broadcast %get3A_1416 : vector<128x1xf32> to vector<128x1024xf32>
    %min3A_1436 = vector.broadcast %slice3A_1434 : vector<1x1024xf32> to vector<128x1024xf32>
    %min3A_1437 = arith.minimumf %min3A_1435, %min3A_1436 : vector<128x1024xf32>
    %slice3A_1438 = vector.extract_strided_slice %get3A_18 {offsets = [0, 2048], sizes = [1, 1024], strides = [1, 1]} : vector<1x3072xf32> to vector<1x1024xf32>
    %min3A_1439 = vector.broadcast %get3A_1422 : vector<128x1xf32> to vector<128x1024xf32>
    %min3A_1440 = vector.broadcast %slice3A_1438 : vector<1x1024xf32> to vector<128x1024xf32>
    %min3A_1441 = arith.minimumf %min3A_1439, %min3A_1440 : vector<128x1024xf32>
    %sub3A_1442 = arith.subf %min3A_1437, %max3A_1429 : vector<128x1024xf32>
    %max3A_1443 = arith.constant 0.000000e+00 : f32
    %max3A_1444 = vector.broadcast %max3A_1443 : f32 to vector<128x1024xf32>
    %max3A_1445 = arith.maximumf %sub3A_1442, %max3A_1444 : vector<128x1024xf32>
    %sub3A_1446 = arith.subf %min3A_1441, %max3A_1433 : vector<128x1024xf32>
    %max3A_1447 = arith.constant 0.000000e+00 : f32
    %max3A_1448 = vector.broadcast %max3A_1447 : f32 to vector<128x1024xf32>
    %max3A_1449 = arith.maximumf %sub3A_1446, %max3A_1448 : vector<128x1024xf32>
    %mul3A_1450 = arith.mulf %max3A_1445, %max3A_1449 : vector<128x1024xf32>
    %slice3A_1451 = vector.extract_strided_slice %mul3A {offsets = [0, 2048], sizes = [1, 1024], strides = [1, 1]} : vector<1x3072xf32> to vector<1x1024xf32>
    %add3A_1452 = vector.broadcast %mul3A_1425 : vector<128x1xf32> to vector<128x1024xf32>
    %add3A_1453 = vector.broadcast %slice3A_1451 : vector<1x1024xf32> to vector<128x1024xf32>
    %add3A_1454 = arith.addf %add3A_1452, %add3A_1453 : vector<128x1024xf32>
    %sub3A_1455 = arith.subf %add3A_1454, %mul3A_1450 : vector<128x1024xf32>
    %add3A_1456 = arith.constant 9.99999971E-10 : f32
    %add3A_1457 = vector.broadcast %add3A_1456 : f32 to vector<128x1024xf32>
    %add3A_1458 = arith.addf %sub3A_1455, %add3A_1457 : vector<128x1024xf32>
    %div3A_1459 = arith.divf %mul3A_1450, %add3A_1458 : vector<128x1024xf32>
    %gt3A_1460 = arith.constant 0.699999988 : f32
    %gt3A_1461 = vector.broadcast %gt3A_1460 : f32 to vector<128x1024xf32>
    %gt3A_1462 = arith.cmpf ogt, %div3A_1459, %gt3A_1461 : vector<128x1024xf32>
    %convert_element_type3A_1463 = arith.extui %gt3A_1462 : vector<128x1024xi1> to vector<128x1024xi32>
    %convert_element_type3A_1464 = arith.sitofp %convert_element_type3A_1463 : vector<128x1024xi32> to vector<128x1024xf32>
    %gt3A_1465 = arith.cmpi sgt, %iota3A_20, %iota3A : vector<128x128xi32>
    %slice3A_1466 = vector.extract_strided_slice %convert_element_type3A_1464 {offsets = [0, 0], sizes = [128, 128], strides = [1, 1]} : vector<128x1024xf32> to vector<128x128xf32>
    %jit3A_1467 = arith.constant 0.000000e+00 : f32
    %broadcast_in_dim3A_1468 = vector.broadcast %jit3A_1467 : f32 to vector<128x128xf32>
    %select_n3A_1469 = arith.select %gt3A_1465, %slice3A_1466, %broadcast_in_dim3A_1468 : vector<128x128xi1>, vector<128x128xf32>
    %slice3A_1470 = vector.extract_strided_slice %concatenate3A_1398 {offsets = [0, 2048], sizes = [1, 128], strides = [1, 1]} : vector<1x3072xf32> to vector<1x128xf32>
    %broadcast_in_dim3A_1471 = arith.constant 0.000000e+00 : f32
    %broadcast_in_dim3A_1472 = vector.broadcast %broadcast_in_dim3A_1471 : f32 to vector<1x128xf32>
    %while3A_1473:2 = scf.while (%while3A_2089 = %slice3A_1470, %while3A_2090 = %broadcast_in_dim3A_1472) : (vector<1x128xf32>, vector<1x128xf32>) -> (vector<1x128xf32>, vector<1x128xf32>) {
      %reduce_max3A = vector.shape_cast %while3A_2089 : vector<1x128xf32> to vector<1x1x128xf32>
      %reduce_max3A_2091 = arith.constant dense<0xFF800000> : vector<1xf32>
      %reduce_max3A_2092 = vector.multi_reduction <maximumf>, %reduce_max3A, %reduce_max3A_2091 [1, 2] : vector<1x1x128xf32> to vector<1xf32>
      %reduce_max3A_2093 = vector.shape_cast %reduce_max3A_2092 : vector<1xf32> to vector<1x1x1xf32>
      %reduce_max3A_2094 = vector.extract %reduce_max3A_2093[0, 0, 0] : f32 from vector<1x1x1xf32>
      %gt3A_2095 = arith.constant 5.000000e-01 : f32
      %gt3A_2096 = arith.cmpf ogt, %reduce_max3A_2094, %gt3A_2095 : f32
      scf.condition(%gt3A_2096) %while3A_2089, %while3A_2090 : vector<1x128xf32>, vector<1x128xf32>
    } do {
    ^bb0(%while3A_2089: vector<1x128xf32>, %while3A_2090: vector<1x128xf32>):
      %dot_general3A_2091 = arith.constant dense<0.000000e+00> : vector<1x128xf32>
      %dot_general3A_2092 = tpu.matmul %while3A_2089, %select_n3A_1469, %dot_general3A_2091 {dimension_numbers = #tpu.dot_dimension_numbers<[1], [0], [0], [1], [0, 0, 1, 1], [], []>, transpose_lhs_hint = false} : vector<1x128xf32>, vector<128x128xf32>, vector<1x128xf32> -> vector<1x128xf32>
      %lt3A = arith.constant 5.000000e-01 : f32
      %lt3A_2093 = vector.broadcast %lt3A : f32 to vector<1x128xf32>
      %lt3A_2094 = arith.cmpf olt, %dot_general3A_2092, %lt3A_2093 : vector<1x128xf32>
      %convert_element_type3A_2095 = arith.extui %lt3A_2094 : vector<1x128xi1> to vector<1x128xi32>
      %convert_element_type3A_2096 = arith.sitofp %convert_element_type3A_2095 : vector<1x128xi32> to vector<1x128xf32>
      %mul3A_2097 = arith.mulf %while3A_2089, %convert_element_type3A_2096 : vector<1x128xf32>
      %add3A_2098 = arith.addf %while3A_2090, %mul3A_2097 : vector<1x128xf32>
      %dot_general3A_2099 = arith.constant dense<0.000000e+00> : vector<1x128xf32>
      %dot_general3A_2100 = tpu.matmul %mul3A_2097, %select_n3A_1469, %dot_general3A_2099 {dimension_numbers = #tpu.dot_dimension_numbers<[1], [0], [0], [1], [0, 0, 1, 1], [], []>, transpose_lhs_hint = false} : vector<1x128xf32>, vector<128x128xf32>, vector<1x128xf32> -> vector<1x128xf32>
      %sub3A_2101 = arith.constant 1.000000e+00 : f32
      %sub3A_2102 = vector.broadcast %sub3A_2101 : f32 to vector<1x128xf32>
      %sub3A_2103 = arith.subf %sub3A_2102, %mul3A_2097 : vector<1x128xf32>
      %mul3A_2104 = arith.mulf %while3A_2089, %sub3A_2103 : vector<1x128xf32>
      %lt3A_2105 = arith.constant 5.000000e-01 : f32
      %lt3A_2106 = vector.broadcast %lt3A_2105 : f32 to vector<1x128xf32>
      %lt3A_2107 = arith.cmpf olt, %dot_general3A_2100, %lt3A_2106 : vector<1x128xf32>
      %convert_element_type3A_2108 = arith.extui %lt3A_2107 : vector<1x128xi1> to vector<1x128xi32>
      %convert_element_type3A_2109 = arith.sitofp %convert_element_type3A_2108 : vector<1x128xi32> to vector<1x128xf32>
      %mul3A_2110 = arith.mulf %mul3A_2104, %convert_element_type3A_2109 : vector<1x128xf32>
      scf.yield %mul3A_2110, %add3A_2098 : vector<1x128xf32>, vector<1x128xf32>
    }
    %dot_general3A_1474 = arith.constant dense<0.000000e+00> : vector<1x1024xf32>
    %dot_general3A_1475 = tpu.matmul %while3A_1473#1, %convert_element_type3A_1464, %dot_general3A_1474 {dimension_numbers = #tpu.dot_dimension_numbers<[1], [0], [0], [1], [0, 0, 1, 1], [], []>, transpose_lhs_hint = false} : vector<1x128xf32>, vector<128x1024xf32>, vector<1x1024xf32> -> vector<1x1024xf32>
    %slice3A_1476 = vector.extract_strided_slice %dot_general3A_1475 {offsets = [0, 128], sizes = [1, 896], strides = [1, 1]} : vector<1x1024xf32> to vector<1x896xf32>
    %gt3A_1477 = arith.constant 5.000000e-01 : f32
    %gt3A_1478 = vector.broadcast %gt3A_1477 : f32 to vector<1x896xf32>
    %gt3A_1479 = arith.cmpf ogt, %slice3A_1476, %gt3A_1478 : vector<1x896xf32>
    %slice3A_1480 = vector.extract_strided_slice %concatenate3A_1398 {offsets = [0, 2176], sizes = [1, 896], strides = [1, 1]} : vector<1x3072xf32> to vector<1x896xf32>
    %jit3A_1481 = arith.constant 0.000000e+00 : f32
    %broadcast_in_dim3A_1482 = vector.broadcast %jit3A_1481 : f32 to vector<1x896xf32>
    %select_n3A_1483 = arith.select %gt3A_1479, %broadcast_in_dim3A_1482, %slice3A_1480 : vector<1x896xi1>, vector<1x896xf32>
    %slice3A_1484 = vector.extract_strided_slice %concatenate3A_1398 {offsets = [0, 0], sizes = [1, 2048], strides = [1, 1]} : vector<1x3072xf32> to vector<1x2048xf32>
    %concatenate3A_1485 = tpu.concatenate %slice3A_1484, %while3A_1473#1, %select_n3A_1483 in 1 : vector<1x2048xf32>, vector<1x128xf32>, vector<1x896xf32> -> vector<1x3072xf32>
    %get3A_1486 = arith.constant 0 : index
    %get3A_1487 = arith.constant 17 : index
    %get3A_1488 = arith.constant 0 : index
    %get3A_1489 = arith.constant 0 : index
    %get3A_1490 = vector.load %arg5[%get3A_1486, %get3A_1487, %get3A_1488, %get3A_1489] : memref<1x24x128x1xf32, #tpu.memory_space<vmem>>, vector<1x1x128x1xf32>
    %get3A_1491 = vector.shape_cast %get3A_1490 : vector<1x1x128x1xf32> to vector<128x1xf32>
    %get3A_1492 = arith.constant 0 : index
    %get3A_1493 = arith.constant 17 : index
    %get3A_1494 = arith.constant 0 : index
    %get3A_1495 = arith.constant 0 : index
    %get3A_1496 = vector.load %arg6[%get3A_1492, %get3A_1493, %get3A_1494, %get3A_1495] : memref<1x24x128x1xf32, #tpu.memory_space<vmem>>, vector<1x1x128x1xf32>
    %get3A_1497 = vector.shape_cast %get3A_1496 : vector<1x1x128x1xf32> to vector<128x1xf32>
    %get3A_1498 = arith.constant 0 : index
    %get3A_1499 = arith.constant 17 : index
    %get3A_1500 = arith.constant 0 : index
    %get3A_1501 = arith.constant 0 : index
    %get3A_1502 = vector.load %arg7[%get3A_1498, %get3A_1499, %get3A_1500, %get3A_1501] : memref<1x24x128x1xf32, #tpu.memory_space<vmem>>, vector<1x1x128x1xf32>
    %get3A_1503 = vector.shape_cast %get3A_1502 : vector<1x1x128x1xf32> to vector<128x1xf32>
    %get3A_1504 = arith.constant 0 : index
    %get3A_1505 = arith.constant 17 : index
    %get3A_1506 = arith.constant 0 : index
    %get3A_1507 = arith.constant 0 : index
    %get3A_1508 = vector.load %arg8[%get3A_1504, %get3A_1505, %get3A_1506, %get3A_1507] : memref<1x24x128x1xf32, #tpu.memory_space<vmem>>, vector<1x1x128x1xf32>
    %get3A_1509 = vector.shape_cast %get3A_1508 : vector<1x1x128x1xf32> to vector<128x1xf32>
    %sub3A_1510 = arith.subf %get3A_1503, %get3A_1491 : vector<128x1xf32>
    %sub3A_1511 = arith.subf %get3A_1509, %get3A_1497 : vector<128x1xf32>
    %mul3A_1512 = arith.mulf %sub3A_1510, %sub3A_1511 : vector<128x1xf32>
    %slice3A_1513 = vector.extract_strided_slice %get3A_3 {offsets = [0, 2176], sizes = [1, 896], strides = [1, 1]} : vector<1x3072xf32> to vector<1x896xf32>
    %max3A_1514 = vector.broadcast %get3A_1491 : vector<128x1xf32> to vector<128x896xf32>
    %max3A_1515 = vector.broadcast %slice3A_1513 : vector<1x896xf32> to vector<128x896xf32>
    %max3A_1516 = arith.maximumf %max3A_1514, %max3A_1515 : vector<128x896xf32>
    %slice3A_1517 = vector.extract_strided_slice %get3A_8 {offsets = [0, 2176], sizes = [1, 896], strides = [1, 1]} : vector<1x3072xf32> to vector<1x896xf32>
    %max3A_1518 = vector.broadcast %get3A_1497 : vector<128x1xf32> to vector<128x896xf32>
    %max3A_1519 = vector.broadcast %slice3A_1517 : vector<1x896xf32> to vector<128x896xf32>
    %max3A_1520 = arith.maximumf %max3A_1518, %max3A_1519 : vector<128x896xf32>
    %slice3A_1521 = vector.extract_strided_slice %get3A_13 {offsets = [0, 2176], sizes = [1, 896], strides = [1, 1]} : vector<1x3072xf32> to vector<1x896xf32>
    %min3A_1522 = vector.broadcast %get3A_1503 : vector<128x1xf32> to vector<128x896xf32>
    %min3A_1523 = vector.broadcast %slice3A_1521 : vector<1x896xf32> to vector<128x896xf32>
    %min3A_1524 = arith.minimumf %min3A_1522, %min3A_1523 : vector<128x896xf32>
    %slice3A_1525 = vector.extract_strided_slice %get3A_18 {offsets = [0, 2176], sizes = [1, 896], strides = [1, 1]} : vector<1x3072xf32> to vector<1x896xf32>
    %min3A_1526 = vector.broadcast %get3A_1509 : vector<128x1xf32> to vector<128x896xf32>
    %min3A_1527 = vector.broadcast %slice3A_1525 : vector<1x896xf32> to vector<128x896xf32>
    %min3A_1528 = arith.minimumf %min3A_1526, %min3A_1527 : vector<128x896xf32>
    %sub3A_1529 = arith.subf %min3A_1524, %max3A_1516 : vector<128x896xf32>
    %max3A_1530 = arith.constant 0.000000e+00 : f32
    %max3A_1531 = vector.broadcast %max3A_1530 : f32 to vector<128x896xf32>
    %max3A_1532 = arith.maximumf %sub3A_1529, %max3A_1531 : vector<128x896xf32>
    %sub3A_1533 = arith.subf %min3A_1528, %max3A_1520 : vector<128x896xf32>
    %max3A_1534 = arith.constant 0.000000e+00 : f32
    %max3A_1535 = vector.broadcast %max3A_1534 : f32 to vector<128x896xf32>
    %max3A_1536 = arith.maximumf %sub3A_1533, %max3A_1535 : vector<128x896xf32>
    %mul3A_1537 = arith.mulf %max3A_1532, %max3A_1536 : vector<128x896xf32>
    %slice3A_1538 = vector.extract_strided_slice %mul3A {offsets = [0, 2176], sizes = [1, 896], strides = [1, 1]} : vector<1x3072xf32> to vector<1x896xf32>
    %add3A_1539 = vector.broadcast %mul3A_1512 : vector<128x1xf32> to vector<128x896xf32>
    %add3A_1540 = vector.broadcast %slice3A_1538 : vector<1x896xf32> to vector<128x896xf32>
    %add3A_1541 = arith.addf %add3A_1539, %add3A_1540 : vector<128x896xf32>
    %sub3A_1542 = arith.subf %add3A_1541, %mul3A_1537 : vector<128x896xf32>
    %add3A_1543 = arith.constant 9.99999971E-10 : f32
    %add3A_1544 = vector.broadcast %add3A_1543 : f32 to vector<128x896xf32>
    %add3A_1545 = arith.addf %sub3A_1542, %add3A_1544 : vector<128x896xf32>
    %div3A_1546 = arith.divf %mul3A_1537, %add3A_1545 : vector<128x896xf32>
    %gt3A_1547 = arith.constant 0.699999988 : f32
    %gt3A_1548 = vector.broadcast %gt3A_1547 : f32 to vector<128x896xf32>
    %gt3A_1549 = arith.cmpf ogt, %div3A_1546, %gt3A_1548 : vector<128x896xf32>
    %convert_element_type3A_1550 = arith.extui %gt3A_1549 : vector<128x896xi1> to vector<128x896xi32>
    %convert_element_type3A_1551 = arith.sitofp %convert_element_type3A_1550 : vector<128x896xi32> to vector<128x896xf32>
    %gt3A_1552 = arith.cmpi sgt, %iota3A_20, %iota3A : vector<128x128xi32>
    %slice3A_1553 = vector.extract_strided_slice %convert_element_type3A_1551 {offsets = [0, 0], sizes = [128, 128], strides = [1, 1]} : vector<128x896xf32> to vector<128x128xf32>
    %jit3A_1554 = arith.constant 0.000000e+00 : f32
    %broadcast_in_dim3A_1555 = vector.broadcast %jit3A_1554 : f32 to vector<128x128xf32>
    %select_n3A_1556 = arith.select %gt3A_1552, %slice3A_1553, %broadcast_in_dim3A_1555 : vector<128x128xi1>, vector<128x128xf32>
    %slice3A_1557 = vector.extract_strided_slice %concatenate3A_1485 {offsets = [0, 2176], sizes = [1, 128], strides = [1, 1]} : vector<1x3072xf32> to vector<1x128xf32>
    %broadcast_in_dim3A_1558 = arith.constant 0.000000e+00 : f32
    %broadcast_in_dim3A_1559 = vector.broadcast %broadcast_in_dim3A_1558 : f32 to vector<1x128xf32>
    %while3A_1560:2 = scf.while (%while3A_2089 = %slice3A_1557, %while3A_2090 = %broadcast_in_dim3A_1559) : (vector<1x128xf32>, vector<1x128xf32>) -> (vector<1x128xf32>, vector<1x128xf32>) {
      %reduce_max3A = vector.shape_cast %while3A_2089 : vector<1x128xf32> to vector<1x1x128xf32>
      %reduce_max3A_2091 = arith.constant dense<0xFF800000> : vector<1xf32>
      %reduce_max3A_2092 = vector.multi_reduction <maximumf>, %reduce_max3A, %reduce_max3A_2091 [1, 2] : vector<1x1x128xf32> to vector<1xf32>
      %reduce_max3A_2093 = vector.shape_cast %reduce_max3A_2092 : vector<1xf32> to vector<1x1x1xf32>
      %reduce_max3A_2094 = vector.extract %reduce_max3A_2093[0, 0, 0] : f32 from vector<1x1x1xf32>
      %gt3A_2095 = arith.constant 5.000000e-01 : f32
      %gt3A_2096 = arith.cmpf ogt, %reduce_max3A_2094, %gt3A_2095 : f32
      scf.condition(%gt3A_2096) %while3A_2089, %while3A_2090 : vector<1x128xf32>, vector<1x128xf32>
    } do {
    ^bb0(%while3A_2089: vector<1x128xf32>, %while3A_2090: vector<1x128xf32>):
      %dot_general3A_2091 = arith.constant dense<0.000000e+00> : vector<1x128xf32>
      %dot_general3A_2092 = tpu.matmul %while3A_2089, %select_n3A_1556, %dot_general3A_2091 {dimension_numbers = #tpu.dot_dimension_numbers<[1], [0], [0], [1], [0, 0, 1, 1], [], []>, transpose_lhs_hint = false} : vector<1x128xf32>, vector<128x128xf32>, vector<1x128xf32> -> vector<1x128xf32>
      %lt3A = arith.constant 5.000000e-01 : f32
      %lt3A_2093 = vector.broadcast %lt3A : f32 to vector<1x128xf32>
      %lt3A_2094 = arith.cmpf olt, %dot_general3A_2092, %lt3A_2093 : vector<1x128xf32>
      %convert_element_type3A_2095 = arith.extui %lt3A_2094 : vector<1x128xi1> to vector<1x128xi32>
      %convert_element_type3A_2096 = arith.sitofp %convert_element_type3A_2095 : vector<1x128xi32> to vector<1x128xf32>
      %mul3A_2097 = arith.mulf %while3A_2089, %convert_element_type3A_2096 : vector<1x128xf32>
      %add3A_2098 = arith.addf %while3A_2090, %mul3A_2097 : vector<1x128xf32>
      %dot_general3A_2099 = arith.constant dense<0.000000e+00> : vector<1x128xf32>
      %dot_general3A_2100 = tpu.matmul %mul3A_2097, %select_n3A_1556, %dot_general3A_2099 {dimension_numbers = #tpu.dot_dimension_numbers<[1], [0], [0], [1], [0, 0, 1, 1], [], []>, transpose_lhs_hint = false} : vector<1x128xf32>, vector<128x128xf32>, vector<1x128xf32> -> vector<1x128xf32>
      %sub3A_2101 = arith.constant 1.000000e+00 : f32
      %sub3A_2102 = vector.broadcast %sub3A_2101 : f32 to vector<1x128xf32>
      %sub3A_2103 = arith.subf %sub3A_2102, %mul3A_2097 : vector<1x128xf32>
      %mul3A_2104 = arith.mulf %while3A_2089, %sub3A_2103 : vector<1x128xf32>
      %lt3A_2105 = arith.constant 5.000000e-01 : f32
      %lt3A_2106 = vector.broadcast %lt3A_2105 : f32 to vector<1x128xf32>
      %lt3A_2107 = arith.cmpf olt, %dot_general3A_2100, %lt3A_2106 : vector<1x128xf32>
      %convert_element_type3A_2108 = arith.extui %lt3A_2107 : vector<1x128xi1> to vector<1x128xi32>
      %convert_element_type3A_2109 = arith.sitofp %convert_element_type3A_2108 : vector<1x128xi32> to vector<1x128xf32>
      %mul3A_2110 = arith.mulf %mul3A_2104, %convert_element_type3A_2109 : vector<1x128xf32>
      scf.yield %mul3A_2110, %add3A_2098 : vector<1x128xf32>, vector<1x128xf32>
    }
    %dot_general3A_1561 = arith.constant dense<0.000000e+00> : vector<1x896xf32>
    %dot_general3A_1562 = tpu.matmul %while3A_1560#1, %convert_element_type3A_1551, %dot_general3A_1561 {dimension_numbers = #tpu.dot_dimension_numbers<[1], [0], [0], [1], [0, 0, 1, 1], [], []>, transpose_lhs_hint = false} : vector<1x128xf32>, vector<128x896xf32>, vector<1x896xf32> -> vector<1x896xf32>
    %slice3A_1563 = vector.extract_strided_slice %dot_general3A_1562 {offsets = [0, 128], sizes = [1, 768], strides = [1, 1]} : vector<1x896xf32> to vector<1x768xf32>
    %gt3A_1564 = arith.constant 5.000000e-01 : f32
    %gt3A_1565 = vector.broadcast %gt3A_1564 : f32 to vector<1x768xf32>
    %gt3A_1566 = arith.cmpf ogt, %slice3A_1563, %gt3A_1565 : vector<1x768xf32>
    %slice3A_1567 = vector.extract_strided_slice %concatenate3A_1485 {offsets = [0, 2304], sizes = [1, 768], strides = [1, 1]} : vector<1x3072xf32> to vector<1x768xf32>
    %jit3A_1568 = arith.constant 0.000000e+00 : f32
    %broadcast_in_dim3A_1569 = vector.broadcast %jit3A_1568 : f32 to vector<1x768xf32>
    %select_n3A_1570 = arith.select %gt3A_1566, %broadcast_in_dim3A_1569, %slice3A_1567 : vector<1x768xi1>, vector<1x768xf32>
    %slice3A_1571 = vector.extract_strided_slice %concatenate3A_1485 {offsets = [0, 0], sizes = [1, 2176], strides = [1, 1]} : vector<1x3072xf32> to vector<1x2176xf32>
    %concatenate3A_1572 = tpu.concatenate %slice3A_1571, %while3A_1560#1, %select_n3A_1570 in 1 : vector<1x2176xf32>, vector<1x128xf32>, vector<1x768xf32> -> vector<1x3072xf32>
    %get3A_1573 = arith.constant 0 : index
    %get3A_1574 = arith.constant 18 : index
    %get3A_1575 = arith.constant 0 : index
    %get3A_1576 = arith.constant 0 : index
    %get3A_1577 = vector.load %arg5[%get3A_1573, %get3A_1574, %get3A_1575, %get3A_1576] : memref<1x24x128x1xf32, #tpu.memory_space<vmem>>, vector<1x1x128x1xf32>
    %get3A_1578 = vector.shape_cast %get3A_1577 : vector<1x1x128x1xf32> to vector<128x1xf32>
    %get3A_1579 = arith.constant 0 : index
    %get3A_1580 = arith.constant 18 : index
    %get3A_1581 = arith.constant 0 : index
    %get3A_1582 = arith.constant 0 : index
    %get3A_1583 = vector.load %arg6[%get3A_1579, %get3A_1580, %get3A_1581, %get3A_1582] : memref<1x24x128x1xf32, #tpu.memory_space<vmem>>, vector<1x1x128x1xf32>
    %get3A_1584 = vector.shape_cast %get3A_1583 : vector<1x1x128x1xf32> to vector<128x1xf32>
    %get3A_1585 = arith.constant 0 : index
    %get3A_1586 = arith.constant 18 : index
    %get3A_1587 = arith.constant 0 : index
    %get3A_1588 = arith.constant 0 : index
    %get3A_1589 = vector.load %arg7[%get3A_1585, %get3A_1586, %get3A_1587, %get3A_1588] : memref<1x24x128x1xf32, #tpu.memory_space<vmem>>, vector<1x1x128x1xf32>
    %get3A_1590 = vector.shape_cast %get3A_1589 : vector<1x1x128x1xf32> to vector<128x1xf32>
    %get3A_1591 = arith.constant 0 : index
    %get3A_1592 = arith.constant 18 : index
    %get3A_1593 = arith.constant 0 : index
    %get3A_1594 = arith.constant 0 : index
    %get3A_1595 = vector.load %arg8[%get3A_1591, %get3A_1592, %get3A_1593, %get3A_1594] : memref<1x24x128x1xf32, #tpu.memory_space<vmem>>, vector<1x1x128x1xf32>
    %get3A_1596 = vector.shape_cast %get3A_1595 : vector<1x1x128x1xf32> to vector<128x1xf32>
    %sub3A_1597 = arith.subf %get3A_1590, %get3A_1578 : vector<128x1xf32>
    %sub3A_1598 = arith.subf %get3A_1596, %get3A_1584 : vector<128x1xf32>
    %mul3A_1599 = arith.mulf %sub3A_1597, %sub3A_1598 : vector<128x1xf32>
    %slice3A_1600 = vector.extract_strided_slice %get3A_3 {offsets = [0, 2304], sizes = [1, 768], strides = [1, 1]} : vector<1x3072xf32> to vector<1x768xf32>
    %max3A_1601 = vector.broadcast %get3A_1578 : vector<128x1xf32> to vector<128x768xf32>
    %max3A_1602 = vector.broadcast %slice3A_1600 : vector<1x768xf32> to vector<128x768xf32>
    %max3A_1603 = arith.maximumf %max3A_1601, %max3A_1602 : vector<128x768xf32>
    %slice3A_1604 = vector.extract_strided_slice %get3A_8 {offsets = [0, 2304], sizes = [1, 768], strides = [1, 1]} : vector<1x3072xf32> to vector<1x768xf32>
    %max3A_1605 = vector.broadcast %get3A_1584 : vector<128x1xf32> to vector<128x768xf32>
    %max3A_1606 = vector.broadcast %slice3A_1604 : vector<1x768xf32> to vector<128x768xf32>
    %max3A_1607 = arith.maximumf %max3A_1605, %max3A_1606 : vector<128x768xf32>
    %slice3A_1608 = vector.extract_strided_slice %get3A_13 {offsets = [0, 2304], sizes = [1, 768], strides = [1, 1]} : vector<1x3072xf32> to vector<1x768xf32>
    %min3A_1609 = vector.broadcast %get3A_1590 : vector<128x1xf32> to vector<128x768xf32>
    %min3A_1610 = vector.broadcast %slice3A_1608 : vector<1x768xf32> to vector<128x768xf32>
    %min3A_1611 = arith.minimumf %min3A_1609, %min3A_1610 : vector<128x768xf32>
    %slice3A_1612 = vector.extract_strided_slice %get3A_18 {offsets = [0, 2304], sizes = [1, 768], strides = [1, 1]} : vector<1x3072xf32> to vector<1x768xf32>
    %min3A_1613 = vector.broadcast %get3A_1596 : vector<128x1xf32> to vector<128x768xf32>
    %min3A_1614 = vector.broadcast %slice3A_1612 : vector<1x768xf32> to vector<128x768xf32>
    %min3A_1615 = arith.minimumf %min3A_1613, %min3A_1614 : vector<128x768xf32>
    %sub3A_1616 = arith.subf %min3A_1611, %max3A_1603 : vector<128x768xf32>
    %max3A_1617 = arith.constant 0.000000e+00 : f32
    %max3A_1618 = vector.broadcast %max3A_1617 : f32 to vector<128x768xf32>
    %max3A_1619 = arith.maximumf %sub3A_1616, %max3A_1618 : vector<128x768xf32>
    %sub3A_1620 = arith.subf %min3A_1615, %max3A_1607 : vector<128x768xf32>
    %max3A_1621 = arith.constant 0.000000e+00 : f32
    %max3A_1622 = vector.broadcast %max3A_1621 : f32 to vector<128x768xf32>
    %max3A_1623 = arith.maximumf %sub3A_1620, %max3A_1622 : vector<128x768xf32>
    %mul3A_1624 = arith.mulf %max3A_1619, %max3A_1623 : vector<128x768xf32>
    %slice3A_1625 = vector.extract_strided_slice %mul3A {offsets = [0, 2304], sizes = [1, 768], strides = [1, 1]} : vector<1x3072xf32> to vector<1x768xf32>
    %add3A_1626 = vector.broadcast %mul3A_1599 : vector<128x1xf32> to vector<128x768xf32>
    %add3A_1627 = vector.broadcast %slice3A_1625 : vector<1x768xf32> to vector<128x768xf32>
    %add3A_1628 = arith.addf %add3A_1626, %add3A_1627 : vector<128x768xf32>
    %sub3A_1629 = arith.subf %add3A_1628, %mul3A_1624 : vector<128x768xf32>
    %add3A_1630 = arith.constant 9.99999971E-10 : f32
    %add3A_1631 = vector.broadcast %add3A_1630 : f32 to vector<128x768xf32>
    %add3A_1632 = arith.addf %sub3A_1629, %add3A_1631 : vector<128x768xf32>
    %div3A_1633 = arith.divf %mul3A_1624, %add3A_1632 : vector<128x768xf32>
    %gt3A_1634 = arith.constant 0.699999988 : f32
    %gt3A_1635 = vector.broadcast %gt3A_1634 : f32 to vector<128x768xf32>
    %gt3A_1636 = arith.cmpf ogt, %div3A_1633, %gt3A_1635 : vector<128x768xf32>
    %convert_element_type3A_1637 = arith.extui %gt3A_1636 : vector<128x768xi1> to vector<128x768xi32>
    %convert_element_type3A_1638 = arith.sitofp %convert_element_type3A_1637 : vector<128x768xi32> to vector<128x768xf32>
    %gt3A_1639 = arith.cmpi sgt, %iota3A_20, %iota3A : vector<128x128xi32>
    %slice3A_1640 = vector.extract_strided_slice %convert_element_type3A_1638 {offsets = [0, 0], sizes = [128, 128], strides = [1, 1]} : vector<128x768xf32> to vector<128x128xf32>
    %jit3A_1641 = arith.constant 0.000000e+00 : f32
    %broadcast_in_dim3A_1642 = vector.broadcast %jit3A_1641 : f32 to vector<128x128xf32>
    %select_n3A_1643 = arith.select %gt3A_1639, %slice3A_1640, %broadcast_in_dim3A_1642 : vector<128x128xi1>, vector<128x128xf32>
    %slice3A_1644 = vector.extract_strided_slice %concatenate3A_1572 {offsets = [0, 2304], sizes = [1, 128], strides = [1, 1]} : vector<1x3072xf32> to vector<1x128xf32>
    %broadcast_in_dim3A_1645 = arith.constant 0.000000e+00 : f32
    %broadcast_in_dim3A_1646 = vector.broadcast %broadcast_in_dim3A_1645 : f32 to vector<1x128xf32>
    %while3A_1647:2 = scf.while (%while3A_2089 = %slice3A_1644, %while3A_2090 = %broadcast_in_dim3A_1646) : (vector<1x128xf32>, vector<1x128xf32>) -> (vector<1x128xf32>, vector<1x128xf32>) {
      %reduce_max3A = vector.shape_cast %while3A_2089 : vector<1x128xf32> to vector<1x1x128xf32>
      %reduce_max3A_2091 = arith.constant dense<0xFF800000> : vector<1xf32>
      %reduce_max3A_2092 = vector.multi_reduction <maximumf>, %reduce_max3A, %reduce_max3A_2091 [1, 2] : vector<1x1x128xf32> to vector<1xf32>
      %reduce_max3A_2093 = vector.shape_cast %reduce_max3A_2092 : vector<1xf32> to vector<1x1x1xf32>
      %reduce_max3A_2094 = vector.extract %reduce_max3A_2093[0, 0, 0] : f32 from vector<1x1x1xf32>
      %gt3A_2095 = arith.constant 5.000000e-01 : f32
      %gt3A_2096 = arith.cmpf ogt, %reduce_max3A_2094, %gt3A_2095 : f32
      scf.condition(%gt3A_2096) %while3A_2089, %while3A_2090 : vector<1x128xf32>, vector<1x128xf32>
    } do {
    ^bb0(%while3A_2089: vector<1x128xf32>, %while3A_2090: vector<1x128xf32>):
      %dot_general3A_2091 = arith.constant dense<0.000000e+00> : vector<1x128xf32>
      %dot_general3A_2092 = tpu.matmul %while3A_2089, %select_n3A_1643, %dot_general3A_2091 {dimension_numbers = #tpu.dot_dimension_numbers<[1], [0], [0], [1], [0, 0, 1, 1], [], []>, transpose_lhs_hint = false} : vector<1x128xf32>, vector<128x128xf32>, vector<1x128xf32> -> vector<1x128xf32>
      %lt3A = arith.constant 5.000000e-01 : f32
      %lt3A_2093 = vector.broadcast %lt3A : f32 to vector<1x128xf32>
      %lt3A_2094 = arith.cmpf olt, %dot_general3A_2092, %lt3A_2093 : vector<1x128xf32>
      %convert_element_type3A_2095 = arith.extui %lt3A_2094 : vector<1x128xi1> to vector<1x128xi32>
      %convert_element_type3A_2096 = arith.sitofp %convert_element_type3A_2095 : vector<1x128xi32> to vector<1x128xf32>
      %mul3A_2097 = arith.mulf %while3A_2089, %convert_element_type3A_2096 : vector<1x128xf32>
      %add3A_2098 = arith.addf %while3A_2090, %mul3A_2097 : vector<1x128xf32>
      %dot_general3A_2099 = arith.constant dense<0.000000e+00> : vector<1x128xf32>
      %dot_general3A_2100 = tpu.matmul %mul3A_2097, %select_n3A_1643, %dot_general3A_2099 {dimension_numbers = #tpu.dot_dimension_numbers<[1], [0], [0], [1], [0, 0, 1, 1], [], []>, transpose_lhs_hint = false} : vector<1x128xf32>, vector<128x128xf32>, vector<1x128xf32> -> vector<1x128xf32>
      %sub3A_2101 = arith.constant 1.000000e+00 : f32
      %sub3A_2102 = vector.broadcast %sub3A_2101 : f32 to vector<1x128xf32>
      %sub3A_2103 = arith.subf %sub3A_2102, %mul3A_2097 : vector<1x128xf32>
      %mul3A_2104 = arith.mulf %while3A_2089, %sub3A_2103 : vector<1x128xf32>
      %lt3A_2105 = arith.constant 5.000000e-01 : f32
      %lt3A_2106 = vector.broadcast %lt3A_2105 : f32 to vector<1x128xf32>
      %lt3A_2107 = arith.cmpf olt, %dot_general3A_2100, %lt3A_2106 : vector<1x128xf32>
      %convert_element_type3A_2108 = arith.extui %lt3A_2107 : vector<1x128xi1> to vector<1x128xi32>
      %convert_element_type3A_2109 = arith.sitofp %convert_element_type3A_2108 : vector<1x128xi32> to vector<1x128xf32>
      %mul3A_2110 = arith.mulf %mul3A_2104, %convert_element_type3A_2109 : vector<1x128xf32>
      scf.yield %mul3A_2110, %add3A_2098 : vector<1x128xf32>, vector<1x128xf32>
    }
    %dot_general3A_1648 = arith.constant dense<0.000000e+00> : vector<1x768xf32>
    %dot_general3A_1649 = tpu.matmul %while3A_1647#1, %convert_element_type3A_1638, %dot_general3A_1648 {dimension_numbers = #tpu.dot_dimension_numbers<[1], [0], [0], [1], [0, 0, 1, 1], [], []>, transpose_lhs_hint = false} : vector<1x128xf32>, vector<128x768xf32>, vector<1x768xf32> -> vector<1x768xf32>
    %slice3A_1650 = vector.extract_strided_slice %dot_general3A_1649 {offsets = [0, 128], sizes = [1, 640], strides = [1, 1]} : vector<1x768xf32> to vector<1x640xf32>
    %gt3A_1651 = arith.constant 5.000000e-01 : f32
    %gt3A_1652 = vector.broadcast %gt3A_1651 : f32 to vector<1x640xf32>
    %gt3A_1653 = arith.cmpf ogt, %slice3A_1650, %gt3A_1652 : vector<1x640xf32>
    %slice3A_1654 = vector.extract_strided_slice %concatenate3A_1572 {offsets = [0, 2432], sizes = [1, 640], strides = [1, 1]} : vector<1x3072xf32> to vector<1x640xf32>
    %jit3A_1655 = arith.constant 0.000000e+00 : f32
    %broadcast_in_dim3A_1656 = vector.broadcast %jit3A_1655 : f32 to vector<1x640xf32>
    %select_n3A_1657 = arith.select %gt3A_1653, %broadcast_in_dim3A_1656, %slice3A_1654 : vector<1x640xi1>, vector<1x640xf32>
    %slice3A_1658 = vector.extract_strided_slice %concatenate3A_1572 {offsets = [0, 0], sizes = [1, 2304], strides = [1, 1]} : vector<1x3072xf32> to vector<1x2304xf32>
    %concatenate3A_1659 = tpu.concatenate %slice3A_1658, %while3A_1647#1, %select_n3A_1657 in 1 : vector<1x2304xf32>, vector<1x128xf32>, vector<1x640xf32> -> vector<1x3072xf32>
    %get3A_1660 = arith.constant 0 : index
    %get3A_1661 = arith.constant 19 : index
    %get3A_1662 = arith.constant 0 : index
    %get3A_1663 = arith.constant 0 : index
    %get3A_1664 = vector.load %arg5[%get3A_1660, %get3A_1661, %get3A_1662, %get3A_1663] : memref<1x24x128x1xf32, #tpu.memory_space<vmem>>, vector<1x1x128x1xf32>
    %get3A_1665 = vector.shape_cast %get3A_1664 : vector<1x1x128x1xf32> to vector<128x1xf32>
    %get3A_1666 = arith.constant 0 : index
    %get3A_1667 = arith.constant 19 : index
    %get3A_1668 = arith.constant 0 : index
    %get3A_1669 = arith.constant 0 : index
    %get3A_1670 = vector.load %arg6[%get3A_1666, %get3A_1667, %get3A_1668, %get3A_1669] : memref<1x24x128x1xf32, #tpu.memory_space<vmem>>, vector<1x1x128x1xf32>
    %get3A_1671 = vector.shape_cast %get3A_1670 : vector<1x1x128x1xf32> to vector<128x1xf32>
    %get3A_1672 = arith.constant 0 : index
    %get3A_1673 = arith.constant 19 : index
    %get3A_1674 = arith.constant 0 : index
    %get3A_1675 = arith.constant 0 : index
    %get3A_1676 = vector.load %arg7[%get3A_1672, %get3A_1673, %get3A_1674, %get3A_1675] : memref<1x24x128x1xf32, #tpu.memory_space<vmem>>, vector<1x1x128x1xf32>
    %get3A_1677 = vector.shape_cast %get3A_1676 : vector<1x1x128x1xf32> to vector<128x1xf32>
    %get3A_1678 = arith.constant 0 : index
    %get3A_1679 = arith.constant 19 : index
    %get3A_1680 = arith.constant 0 : index
    %get3A_1681 = arith.constant 0 : index
    %get3A_1682 = vector.load %arg8[%get3A_1678, %get3A_1679, %get3A_1680, %get3A_1681] : memref<1x24x128x1xf32, #tpu.memory_space<vmem>>, vector<1x1x128x1xf32>
    %get3A_1683 = vector.shape_cast %get3A_1682 : vector<1x1x128x1xf32> to vector<128x1xf32>
    %sub3A_1684 = arith.subf %get3A_1677, %get3A_1665 : vector<128x1xf32>
    %sub3A_1685 = arith.subf %get3A_1683, %get3A_1671 : vector<128x1xf32>
    %mul3A_1686 = arith.mulf %sub3A_1684, %sub3A_1685 : vector<128x1xf32>
    %slice3A_1687 = vector.extract_strided_slice %get3A_3 {offsets = [0, 2432], sizes = [1, 640], strides = [1, 1]} : vector<1x3072xf32> to vector<1x640xf32>
    %max3A_1688 = vector.broadcast %get3A_1665 : vector<128x1xf32> to vector<128x640xf32>
    %max3A_1689 = vector.broadcast %slice3A_1687 : vector<1x640xf32> to vector<128x640xf32>
    %max3A_1690 = arith.maximumf %max3A_1688, %max3A_1689 : vector<128x640xf32>
    %slice3A_1691 = vector.extract_strided_slice %get3A_8 {offsets = [0, 2432], sizes = [1, 640], strides = [1, 1]} : vector<1x3072xf32> to vector<1x640xf32>
    %max3A_1692 = vector.broadcast %get3A_1671 : vector<128x1xf32> to vector<128x640xf32>
    %max3A_1693 = vector.broadcast %slice3A_1691 : vector<1x640xf32> to vector<128x640xf32>
    %max3A_1694 = arith.maximumf %max3A_1692, %max3A_1693 : vector<128x640xf32>
    %slice3A_1695 = vector.extract_strided_slice %get3A_13 {offsets = [0, 2432], sizes = [1, 640], strides = [1, 1]} : vector<1x3072xf32> to vector<1x640xf32>
    %min3A_1696 = vector.broadcast %get3A_1677 : vector<128x1xf32> to vector<128x640xf32>
    %min3A_1697 = vector.broadcast %slice3A_1695 : vector<1x640xf32> to vector<128x640xf32>
    %min3A_1698 = arith.minimumf %min3A_1696, %min3A_1697 : vector<128x640xf32>
    %slice3A_1699 = vector.extract_strided_slice %get3A_18 {offsets = [0, 2432], sizes = [1, 640], strides = [1, 1]} : vector<1x3072xf32> to vector<1x640xf32>
    %min3A_1700 = vector.broadcast %get3A_1683 : vector<128x1xf32> to vector<128x640xf32>
    %min3A_1701 = vector.broadcast %slice3A_1699 : vector<1x640xf32> to vector<128x640xf32>
    %min3A_1702 = arith.minimumf %min3A_1700, %min3A_1701 : vector<128x640xf32>
    %sub3A_1703 = arith.subf %min3A_1698, %max3A_1690 : vector<128x640xf32>
    %max3A_1704 = arith.constant 0.000000e+00 : f32
    %max3A_1705 = vector.broadcast %max3A_1704 : f32 to vector<128x640xf32>
    %max3A_1706 = arith.maximumf %sub3A_1703, %max3A_1705 : vector<128x640xf32>
    %sub3A_1707 = arith.subf %min3A_1702, %max3A_1694 : vector<128x640xf32>
    %max3A_1708 = arith.constant 0.000000e+00 : f32
    %max3A_1709 = vector.broadcast %max3A_1708 : f32 to vector<128x640xf32>
    %max3A_1710 = arith.maximumf %sub3A_1707, %max3A_1709 : vector<128x640xf32>
    %mul3A_1711 = arith.mulf %max3A_1706, %max3A_1710 : vector<128x640xf32>
    %slice3A_1712 = vector.extract_strided_slice %mul3A {offsets = [0, 2432], sizes = [1, 640], strides = [1, 1]} : vector<1x3072xf32> to vector<1x640xf32>
    %add3A_1713 = vector.broadcast %mul3A_1686 : vector<128x1xf32> to vector<128x640xf32>
    %add3A_1714 = vector.broadcast %slice3A_1712 : vector<1x640xf32> to vector<128x640xf32>
    %add3A_1715 = arith.addf %add3A_1713, %add3A_1714 : vector<128x640xf32>
    %sub3A_1716 = arith.subf %add3A_1715, %mul3A_1711 : vector<128x640xf32>
    %add3A_1717 = arith.constant 9.99999971E-10 : f32
    %add3A_1718 = vector.broadcast %add3A_1717 : f32 to vector<128x640xf32>
    %add3A_1719 = arith.addf %sub3A_1716, %add3A_1718 : vector<128x640xf32>
    %div3A_1720 = arith.divf %mul3A_1711, %add3A_1719 : vector<128x640xf32>
    %gt3A_1721 = arith.constant 0.699999988 : f32
    %gt3A_1722 = vector.broadcast %gt3A_1721 : f32 to vector<128x640xf32>
    %gt3A_1723 = arith.cmpf ogt, %div3A_1720, %gt3A_1722 : vector<128x640xf32>
    %convert_element_type3A_1724 = arith.extui %gt3A_1723 : vector<128x640xi1> to vector<128x640xi32>
    %convert_element_type3A_1725 = arith.sitofp %convert_element_type3A_1724 : vector<128x640xi32> to vector<128x640xf32>
    %gt3A_1726 = arith.cmpi sgt, %iota3A_20, %iota3A : vector<128x128xi32>
    %slice3A_1727 = vector.extract_strided_slice %convert_element_type3A_1725 {offsets = [0, 0], sizes = [128, 128], strides = [1, 1]} : vector<128x640xf32> to vector<128x128xf32>
    %jit3A_1728 = arith.constant 0.000000e+00 : f32
    %broadcast_in_dim3A_1729 = vector.broadcast %jit3A_1728 : f32 to vector<128x128xf32>
    %select_n3A_1730 = arith.select %gt3A_1726, %slice3A_1727, %broadcast_in_dim3A_1729 : vector<128x128xi1>, vector<128x128xf32>
    %slice3A_1731 = vector.extract_strided_slice %concatenate3A_1659 {offsets = [0, 2432], sizes = [1, 128], strides = [1, 1]} : vector<1x3072xf32> to vector<1x128xf32>
    %broadcast_in_dim3A_1732 = arith.constant 0.000000e+00 : f32
    %broadcast_in_dim3A_1733 = vector.broadcast %broadcast_in_dim3A_1732 : f32 to vector<1x128xf32>
    %while3A_1734:2 = scf.while (%while3A_2089 = %slice3A_1731, %while3A_2090 = %broadcast_in_dim3A_1733) : (vector<1x128xf32>, vector<1x128xf32>) -> (vector<1x128xf32>, vector<1x128xf32>) {
      %reduce_max3A = vector.shape_cast %while3A_2089 : vector<1x128xf32> to vector<1x1x128xf32>
      %reduce_max3A_2091 = arith.constant dense<0xFF800000> : vector<1xf32>
      %reduce_max3A_2092 = vector.multi_reduction <maximumf>, %reduce_max3A, %reduce_max3A_2091 [1, 2] : vector<1x1x128xf32> to vector<1xf32>
      %reduce_max3A_2093 = vector.shape_cast %reduce_max3A_2092 : vector<1xf32> to vector<1x1x1xf32>
      %reduce_max3A_2094 = vector.extract %reduce_max3A_2093[0, 0, 0] : f32 from vector<1x1x1xf32>
      %gt3A_2095 = arith.constant 5.000000e-01 : f32
      %gt3A_2096 = arith.cmpf ogt, %reduce_max3A_2094, %gt3A_2095 : f32
      scf.condition(%gt3A_2096) %while3A_2089, %while3A_2090 : vector<1x128xf32>, vector<1x128xf32>
    } do {
    ^bb0(%while3A_2089: vector<1x128xf32>, %while3A_2090: vector<1x128xf32>):
      %dot_general3A_2091 = arith.constant dense<0.000000e+00> : vector<1x128xf32>
      %dot_general3A_2092 = tpu.matmul %while3A_2089, %select_n3A_1730, %dot_general3A_2091 {dimension_numbers = #tpu.dot_dimension_numbers<[1], [0], [0], [1], [0, 0, 1, 1], [], []>, transpose_lhs_hint = false} : vector<1x128xf32>, vector<128x128xf32>, vector<1x128xf32> -> vector<1x128xf32>
      %lt3A = arith.constant 5.000000e-01 : f32
      %lt3A_2093 = vector.broadcast %lt3A : f32 to vector<1x128xf32>
      %lt3A_2094 = arith.cmpf olt, %dot_general3A_2092, %lt3A_2093 : vector<1x128xf32>
      %convert_element_type3A_2095 = arith.extui %lt3A_2094 : vector<1x128xi1> to vector<1x128xi32>
      %convert_element_type3A_2096 = arith.sitofp %convert_element_type3A_2095 : vector<1x128xi32> to vector<1x128xf32>
      %mul3A_2097 = arith.mulf %while3A_2089, %convert_element_type3A_2096 : vector<1x128xf32>
      %add3A_2098 = arith.addf %while3A_2090, %mul3A_2097 : vector<1x128xf32>
      %dot_general3A_2099 = arith.constant dense<0.000000e+00> : vector<1x128xf32>
      %dot_general3A_2100 = tpu.matmul %mul3A_2097, %select_n3A_1730, %dot_general3A_2099 {dimension_numbers = #tpu.dot_dimension_numbers<[1], [0], [0], [1], [0, 0, 1, 1], [], []>, transpose_lhs_hint = false} : vector<1x128xf32>, vector<128x128xf32>, vector<1x128xf32> -> vector<1x128xf32>
      %sub3A_2101 = arith.constant 1.000000e+00 : f32
      %sub3A_2102 = vector.broadcast %sub3A_2101 : f32 to vector<1x128xf32>
      %sub3A_2103 = arith.subf %sub3A_2102, %mul3A_2097 : vector<1x128xf32>
      %mul3A_2104 = arith.mulf %while3A_2089, %sub3A_2103 : vector<1x128xf32>
      %lt3A_2105 = arith.constant 5.000000e-01 : f32
      %lt3A_2106 = vector.broadcast %lt3A_2105 : f32 to vector<1x128xf32>
      %lt3A_2107 = arith.cmpf olt, %dot_general3A_2100, %lt3A_2106 : vector<1x128xf32>
      %convert_element_type3A_2108 = arith.extui %lt3A_2107 : vector<1x128xi1> to vector<1x128xi32>
      %convert_element_type3A_2109 = arith.sitofp %convert_element_type3A_2108 : vector<1x128xi32> to vector<1x128xf32>
      %mul3A_2110 = arith.mulf %mul3A_2104, %convert_element_type3A_2109 : vector<1x128xf32>
      scf.yield %mul3A_2110, %add3A_2098 : vector<1x128xf32>, vector<1x128xf32>
    }
    %dot_general3A_1735 = arith.constant dense<0.000000e+00> : vector<1x640xf32>
    %dot_general3A_1736 = tpu.matmul %while3A_1734#1, %convert_element_type3A_1725, %dot_general3A_1735 {dimension_numbers = #tpu.dot_dimension_numbers<[1], [0], [0], [1], [0, 0, 1, 1], [], []>, transpose_lhs_hint = false} : vector<1x128xf32>, vector<128x640xf32>, vector<1x640xf32> -> vector<1x640xf32>
    %slice3A_1737 = vector.extract_strided_slice %dot_general3A_1736 {offsets = [0, 128], sizes = [1, 512], strides = [1, 1]} : vector<1x640xf32> to vector<1x512xf32>
    %gt3A_1738 = arith.constant 5.000000e-01 : f32
    %gt3A_1739 = vector.broadcast %gt3A_1738 : f32 to vector<1x512xf32>
    %gt3A_1740 = arith.cmpf ogt, %slice3A_1737, %gt3A_1739 : vector<1x512xf32>
    %slice3A_1741 = vector.extract_strided_slice %concatenate3A_1659 {offsets = [0, 2560], sizes = [1, 512], strides = [1, 1]} : vector<1x3072xf32> to vector<1x512xf32>
    %jit3A_1742 = arith.constant 0.000000e+00 : f32
    %broadcast_in_dim3A_1743 = vector.broadcast %jit3A_1742 : f32 to vector<1x512xf32>
    %select_n3A_1744 = arith.select %gt3A_1740, %broadcast_in_dim3A_1743, %slice3A_1741 : vector<1x512xi1>, vector<1x512xf32>
    %slice3A_1745 = vector.extract_strided_slice %concatenate3A_1659 {offsets = [0, 0], sizes = [1, 2432], strides = [1, 1]} : vector<1x3072xf32> to vector<1x2432xf32>
    %concatenate3A_1746 = tpu.concatenate %slice3A_1745, %while3A_1734#1, %select_n3A_1744 in 1 : vector<1x2432xf32>, vector<1x128xf32>, vector<1x512xf32> -> vector<1x3072xf32>
    %get3A_1747 = arith.constant 0 : index
    %get3A_1748 = arith.constant 20 : index
    %get3A_1749 = arith.constant 0 : index
    %get3A_1750 = arith.constant 0 : index
    %get3A_1751 = vector.load %arg5[%get3A_1747, %get3A_1748, %get3A_1749, %get3A_1750] : memref<1x24x128x1xf32, #tpu.memory_space<vmem>>, vector<1x1x128x1xf32>
    %get3A_1752 = vector.shape_cast %get3A_1751 : vector<1x1x128x1xf32> to vector<128x1xf32>
    %get3A_1753 = arith.constant 0 : index
    %get3A_1754 = arith.constant 20 : index
    %get3A_1755 = arith.constant 0 : index
    %get3A_1756 = arith.constant 0 : index
    %get3A_1757 = vector.load %arg6[%get3A_1753, %get3A_1754, %get3A_1755, %get3A_1756] : memref<1x24x128x1xf32, #tpu.memory_space<vmem>>, vector<1x1x128x1xf32>
    %get3A_1758 = vector.shape_cast %get3A_1757 : vector<1x1x128x1xf32> to vector<128x1xf32>
    %get3A_1759 = arith.constant 0 : index
    %get3A_1760 = arith.constant 20 : index
    %get3A_1761 = arith.constant 0 : index
    %get3A_1762 = arith.constant 0 : index
    %get3A_1763 = vector.load %arg7[%get3A_1759, %get3A_1760, %get3A_1761, %get3A_1762] : memref<1x24x128x1xf32, #tpu.memory_space<vmem>>, vector<1x1x128x1xf32>
    %get3A_1764 = vector.shape_cast %get3A_1763 : vector<1x1x128x1xf32> to vector<128x1xf32>
    %get3A_1765 = arith.constant 0 : index
    %get3A_1766 = arith.constant 20 : index
    %get3A_1767 = arith.constant 0 : index
    %get3A_1768 = arith.constant 0 : index
    %get3A_1769 = vector.load %arg8[%get3A_1765, %get3A_1766, %get3A_1767, %get3A_1768] : memref<1x24x128x1xf32, #tpu.memory_space<vmem>>, vector<1x1x128x1xf32>
    %get3A_1770 = vector.shape_cast %get3A_1769 : vector<1x1x128x1xf32> to vector<128x1xf32>
    %sub3A_1771 = arith.subf %get3A_1764, %get3A_1752 : vector<128x1xf32>
    %sub3A_1772 = arith.subf %get3A_1770, %get3A_1758 : vector<128x1xf32>
    %mul3A_1773 = arith.mulf %sub3A_1771, %sub3A_1772 : vector<128x1xf32>
    %slice3A_1774 = vector.extract_strided_slice %get3A_3 {offsets = [0, 2560], sizes = [1, 512], strides = [1, 1]} : vector<1x3072xf32> to vector<1x512xf32>
    %max3A_1775 = vector.broadcast %get3A_1752 : vector<128x1xf32> to vector<128x512xf32>
    %max3A_1776 = vector.broadcast %slice3A_1774 : vector<1x512xf32> to vector<128x512xf32>
    %max3A_1777 = arith.maximumf %max3A_1775, %max3A_1776 : vector<128x512xf32>
    %slice3A_1778 = vector.extract_strided_slice %get3A_8 {offsets = [0, 2560], sizes = [1, 512], strides = [1, 1]} : vector<1x3072xf32> to vector<1x512xf32>
    %max3A_1779 = vector.broadcast %get3A_1758 : vector<128x1xf32> to vector<128x512xf32>
    %max3A_1780 = vector.broadcast %slice3A_1778 : vector<1x512xf32> to vector<128x512xf32>
    %max3A_1781 = arith.maximumf %max3A_1779, %max3A_1780 : vector<128x512xf32>
    %slice3A_1782 = vector.extract_strided_slice %get3A_13 {offsets = [0, 2560], sizes = [1, 512], strides = [1, 1]} : vector<1x3072xf32> to vector<1x512xf32>
    %min3A_1783 = vector.broadcast %get3A_1764 : vector<128x1xf32> to vector<128x512xf32>
    %min3A_1784 = vector.broadcast %slice3A_1782 : vector<1x512xf32> to vector<128x512xf32>
    %min3A_1785 = arith.minimumf %min3A_1783, %min3A_1784 : vector<128x512xf32>
    %slice3A_1786 = vector.extract_strided_slice %get3A_18 {offsets = [0, 2560], sizes = [1, 512], strides = [1, 1]} : vector<1x3072xf32> to vector<1x512xf32>
    %min3A_1787 = vector.broadcast %get3A_1770 : vector<128x1xf32> to vector<128x512xf32>
    %min3A_1788 = vector.broadcast %slice3A_1786 : vector<1x512xf32> to vector<128x512xf32>
    %min3A_1789 = arith.minimumf %min3A_1787, %min3A_1788 : vector<128x512xf32>
    %sub3A_1790 = arith.subf %min3A_1785, %max3A_1777 : vector<128x512xf32>
    %max3A_1791 = arith.constant 0.000000e+00 : f32
    %max3A_1792 = vector.broadcast %max3A_1791 : f32 to vector<128x512xf32>
    %max3A_1793 = arith.maximumf %sub3A_1790, %max3A_1792 : vector<128x512xf32>
    %sub3A_1794 = arith.subf %min3A_1789, %max3A_1781 : vector<128x512xf32>
    %max3A_1795 = arith.constant 0.000000e+00 : f32
    %max3A_1796 = vector.broadcast %max3A_1795 : f32 to vector<128x512xf32>
    %max3A_1797 = arith.maximumf %sub3A_1794, %max3A_1796 : vector<128x512xf32>
    %mul3A_1798 = arith.mulf %max3A_1793, %max3A_1797 : vector<128x512xf32>
    %slice3A_1799 = vector.extract_strided_slice %mul3A {offsets = [0, 2560], sizes = [1, 512], strides = [1, 1]} : vector<1x3072xf32> to vector<1x512xf32>
    %add3A_1800 = vector.broadcast %mul3A_1773 : vector<128x1xf32> to vector<128x512xf32>
    %add3A_1801 = vector.broadcast %slice3A_1799 : vector<1x512xf32> to vector<128x512xf32>
    %add3A_1802 = arith.addf %add3A_1800, %add3A_1801 : vector<128x512xf32>
    %sub3A_1803 = arith.subf %add3A_1802, %mul3A_1798 : vector<128x512xf32>
    %add3A_1804 = arith.constant 9.99999971E-10 : f32
    %add3A_1805 = vector.broadcast %add3A_1804 : f32 to vector<128x512xf32>
    %add3A_1806 = arith.addf %sub3A_1803, %add3A_1805 : vector<128x512xf32>
    %div3A_1807 = arith.divf %mul3A_1798, %add3A_1806 : vector<128x512xf32>
    %gt3A_1808 = arith.constant 0.699999988 : f32
    %gt3A_1809 = vector.broadcast %gt3A_1808 : f32 to vector<128x512xf32>
    %gt3A_1810 = arith.cmpf ogt, %div3A_1807, %gt3A_1809 : vector<128x512xf32>
    %convert_element_type3A_1811 = arith.extui %gt3A_1810 : vector<128x512xi1> to vector<128x512xi32>
    %convert_element_type3A_1812 = arith.sitofp %convert_element_type3A_1811 : vector<128x512xi32> to vector<128x512xf32>
    %gt3A_1813 = arith.cmpi sgt, %iota3A_20, %iota3A : vector<128x128xi32>
    %slice3A_1814 = vector.extract_strided_slice %convert_element_type3A_1812 {offsets = [0, 0], sizes = [128, 128], strides = [1, 1]} : vector<128x512xf32> to vector<128x128xf32>
    %jit3A_1815 = arith.constant 0.000000e+00 : f32
    %broadcast_in_dim3A_1816 = vector.broadcast %jit3A_1815 : f32 to vector<128x128xf32>
    %select_n3A_1817 = arith.select %gt3A_1813, %slice3A_1814, %broadcast_in_dim3A_1816 : vector<128x128xi1>, vector<128x128xf32>
    %slice3A_1818 = vector.extract_strided_slice %concatenate3A_1746 {offsets = [0, 2560], sizes = [1, 128], strides = [1, 1]} : vector<1x3072xf32> to vector<1x128xf32>
    %broadcast_in_dim3A_1819 = arith.constant 0.000000e+00 : f32
    %broadcast_in_dim3A_1820 = vector.broadcast %broadcast_in_dim3A_1819 : f32 to vector<1x128xf32>
    %while3A_1821:2 = scf.while (%while3A_2089 = %slice3A_1818, %while3A_2090 = %broadcast_in_dim3A_1820) : (vector<1x128xf32>, vector<1x128xf32>) -> (vector<1x128xf32>, vector<1x128xf32>) {
      %reduce_max3A = vector.shape_cast %while3A_2089 : vector<1x128xf32> to vector<1x1x128xf32>
      %reduce_max3A_2091 = arith.constant dense<0xFF800000> : vector<1xf32>
      %reduce_max3A_2092 = vector.multi_reduction <maximumf>, %reduce_max3A, %reduce_max3A_2091 [1, 2] : vector<1x1x128xf32> to vector<1xf32>
      %reduce_max3A_2093 = vector.shape_cast %reduce_max3A_2092 : vector<1xf32> to vector<1x1x1xf32>
      %reduce_max3A_2094 = vector.extract %reduce_max3A_2093[0, 0, 0] : f32 from vector<1x1x1xf32>
      %gt3A_2095 = arith.constant 5.000000e-01 : f32
      %gt3A_2096 = arith.cmpf ogt, %reduce_max3A_2094, %gt3A_2095 : f32
      scf.condition(%gt3A_2096) %while3A_2089, %while3A_2090 : vector<1x128xf32>, vector<1x128xf32>
    } do {
    ^bb0(%while3A_2089: vector<1x128xf32>, %while3A_2090: vector<1x128xf32>):
      %dot_general3A_2091 = arith.constant dense<0.000000e+00> : vector<1x128xf32>
      %dot_general3A_2092 = tpu.matmul %while3A_2089, %select_n3A_1817, %dot_general3A_2091 {dimension_numbers = #tpu.dot_dimension_numbers<[1], [0], [0], [1], [0, 0, 1, 1], [], []>, transpose_lhs_hint = false} : vector<1x128xf32>, vector<128x128xf32>, vector<1x128xf32> -> vector<1x128xf32>
      %lt3A = arith.constant 5.000000e-01 : f32
      %lt3A_2093 = vector.broadcast %lt3A : f32 to vector<1x128xf32>
      %lt3A_2094 = arith.cmpf olt, %dot_general3A_2092, %lt3A_2093 : vector<1x128xf32>
      %convert_element_type3A_2095 = arith.extui %lt3A_2094 : vector<1x128xi1> to vector<1x128xi32>
      %convert_element_type3A_2096 = arith.sitofp %convert_element_type3A_2095 : vector<1x128xi32> to vector<1x128xf32>
      %mul3A_2097 = arith.mulf %while3A_2089, %convert_element_type3A_2096 : vector<1x128xf32>
      %add3A_2098 = arith.addf %while3A_2090, %mul3A_2097 : vector<1x128xf32>
      %dot_general3A_2099 = arith.constant dense<0.000000e+00> : vector<1x128xf32>
      %dot_general3A_2100 = tpu.matmul %mul3A_2097, %select_n3A_1817, %dot_general3A_2099 {dimension_numbers = #tpu.dot_dimension_numbers<[1], [0], [0], [1], [0, 0, 1, 1], [], []>, transpose_lhs_hint = false} : vector<1x128xf32>, vector<128x128xf32>, vector<1x128xf32> -> vector<1x128xf32>
      %sub3A_2101 = arith.constant 1.000000e+00 : f32
      %sub3A_2102 = vector.broadcast %sub3A_2101 : f32 to vector<1x128xf32>
      %sub3A_2103 = arith.subf %sub3A_2102, %mul3A_2097 : vector<1x128xf32>
      %mul3A_2104 = arith.mulf %while3A_2089, %sub3A_2103 : vector<1x128xf32>
      %lt3A_2105 = arith.constant 5.000000e-01 : f32
      %lt3A_2106 = vector.broadcast %lt3A_2105 : f32 to vector<1x128xf32>
      %lt3A_2107 = arith.cmpf olt, %dot_general3A_2100, %lt3A_2106 : vector<1x128xf32>
      %convert_element_type3A_2108 = arith.extui %lt3A_2107 : vector<1x128xi1> to vector<1x128xi32>
      %convert_element_type3A_2109 = arith.sitofp %convert_element_type3A_2108 : vector<1x128xi32> to vector<1x128xf32>
      %mul3A_2110 = arith.mulf %mul3A_2104, %convert_element_type3A_2109 : vector<1x128xf32>
      scf.yield %mul3A_2110, %add3A_2098 : vector<1x128xf32>, vector<1x128xf32>
    }
    %dot_general3A_1822 = arith.constant dense<0.000000e+00> : vector<1x512xf32>
    %dot_general3A_1823 = tpu.matmul %while3A_1821#1, %convert_element_type3A_1812, %dot_general3A_1822 {dimension_numbers = #tpu.dot_dimension_numbers<[1], [0], [0], [1], [0, 0, 1, 1], [], []>, transpose_lhs_hint = false} : vector<1x128xf32>, vector<128x512xf32>, vector<1x512xf32> -> vector<1x512xf32>
    %slice3A_1824 = vector.extract_strided_slice %dot_general3A_1823 {offsets = [0, 128], sizes = [1, 384], strides = [1, 1]} : vector<1x512xf32> to vector<1x384xf32>
    %gt3A_1825 = arith.constant 5.000000e-01 : f32
    %gt3A_1826 = vector.broadcast %gt3A_1825 : f32 to vector<1x384xf32>
    %gt3A_1827 = arith.cmpf ogt, %slice3A_1824, %gt3A_1826 : vector<1x384xf32>
    %slice3A_1828 = vector.extract_strided_slice %concatenate3A_1746 {offsets = [0, 2688], sizes = [1, 384], strides = [1, 1]} : vector<1x3072xf32> to vector<1x384xf32>
    %jit3A_1829 = arith.constant 0.000000e+00 : f32
    %broadcast_in_dim3A_1830 = vector.broadcast %jit3A_1829 : f32 to vector<1x384xf32>
    %select_n3A_1831 = arith.select %gt3A_1827, %broadcast_in_dim3A_1830, %slice3A_1828 : vector<1x384xi1>, vector<1x384xf32>
    %slice3A_1832 = vector.extract_strided_slice %concatenate3A_1746 {offsets = [0, 0], sizes = [1, 2560], strides = [1, 1]} : vector<1x3072xf32> to vector<1x2560xf32>
    %concatenate3A_1833 = tpu.concatenate %slice3A_1832, %while3A_1821#1, %select_n3A_1831 in 1 : vector<1x2560xf32>, vector<1x128xf32>, vector<1x384xf32> -> vector<1x3072xf32>
    %get3A_1834 = arith.constant 0 : index
    %get3A_1835 = arith.constant 21 : index
    %get3A_1836 = arith.constant 0 : index
    %get3A_1837 = arith.constant 0 : index
    %get3A_1838 = vector.load %arg5[%get3A_1834, %get3A_1835, %get3A_1836, %get3A_1837] : memref<1x24x128x1xf32, #tpu.memory_space<vmem>>, vector<1x1x128x1xf32>
    %get3A_1839 = vector.shape_cast %get3A_1838 : vector<1x1x128x1xf32> to vector<128x1xf32>
    %get3A_1840 = arith.constant 0 : index
    %get3A_1841 = arith.constant 21 : index
    %get3A_1842 = arith.constant 0 : index
    %get3A_1843 = arith.constant 0 : index
    %get3A_1844 = vector.load %arg6[%get3A_1840, %get3A_1841, %get3A_1842, %get3A_1843] : memref<1x24x128x1xf32, #tpu.memory_space<vmem>>, vector<1x1x128x1xf32>
    %get3A_1845 = vector.shape_cast %get3A_1844 : vector<1x1x128x1xf32> to vector<128x1xf32>
    %get3A_1846 = arith.constant 0 : index
    %get3A_1847 = arith.constant 21 : index
    %get3A_1848 = arith.constant 0 : index
    %get3A_1849 = arith.constant 0 : index
    %get3A_1850 = vector.load %arg7[%get3A_1846, %get3A_1847, %get3A_1848, %get3A_1849] : memref<1x24x128x1xf32, #tpu.memory_space<vmem>>, vector<1x1x128x1xf32>
    %get3A_1851 = vector.shape_cast %get3A_1850 : vector<1x1x128x1xf32> to vector<128x1xf32>
    %get3A_1852 = arith.constant 0 : index
    %get3A_1853 = arith.constant 21 : index
    %get3A_1854 = arith.constant 0 : index
    %get3A_1855 = arith.constant 0 : index
    %get3A_1856 = vector.load %arg8[%get3A_1852, %get3A_1853, %get3A_1854, %get3A_1855] : memref<1x24x128x1xf32, #tpu.memory_space<vmem>>, vector<1x1x128x1xf32>
    %get3A_1857 = vector.shape_cast %get3A_1856 : vector<1x1x128x1xf32> to vector<128x1xf32>
    %sub3A_1858 = arith.subf %get3A_1851, %get3A_1839 : vector<128x1xf32>
    %sub3A_1859 = arith.subf %get3A_1857, %get3A_1845 : vector<128x1xf32>
    %mul3A_1860 = arith.mulf %sub3A_1858, %sub3A_1859 : vector<128x1xf32>
    %slice3A_1861 = vector.extract_strided_slice %get3A_3 {offsets = [0, 2688], sizes = [1, 384], strides = [1, 1]} : vector<1x3072xf32> to vector<1x384xf32>
    %max3A_1862 = vector.broadcast %get3A_1839 : vector<128x1xf32> to vector<128x384xf32>
    %max3A_1863 = vector.broadcast %slice3A_1861 : vector<1x384xf32> to vector<128x384xf32>
    %max3A_1864 = arith.maximumf %max3A_1862, %max3A_1863 : vector<128x384xf32>
    %slice3A_1865 = vector.extract_strided_slice %get3A_8 {offsets = [0, 2688], sizes = [1, 384], strides = [1, 1]} : vector<1x3072xf32> to vector<1x384xf32>
    %max3A_1866 = vector.broadcast %get3A_1845 : vector<128x1xf32> to vector<128x384xf32>
    %max3A_1867 = vector.broadcast %slice3A_1865 : vector<1x384xf32> to vector<128x384xf32>
    %max3A_1868 = arith.maximumf %max3A_1866, %max3A_1867 : vector<128x384xf32>
    %slice3A_1869 = vector.extract_strided_slice %get3A_13 {offsets = [0, 2688], sizes = [1, 384], strides = [1, 1]} : vector<1x3072xf32> to vector<1x384xf32>
    %min3A_1870 = vector.broadcast %get3A_1851 : vector<128x1xf32> to vector<128x384xf32>
    %min3A_1871 = vector.broadcast %slice3A_1869 : vector<1x384xf32> to vector<128x384xf32>
    %min3A_1872 = arith.minimumf %min3A_1870, %min3A_1871 : vector<128x384xf32>
    %slice3A_1873 = vector.extract_strided_slice %get3A_18 {offsets = [0, 2688], sizes = [1, 384], strides = [1, 1]} : vector<1x3072xf32> to vector<1x384xf32>
    %min3A_1874 = vector.broadcast %get3A_1857 : vector<128x1xf32> to vector<128x384xf32>
    %min3A_1875 = vector.broadcast %slice3A_1873 : vector<1x384xf32> to vector<128x384xf32>
    %min3A_1876 = arith.minimumf %min3A_1874, %min3A_1875 : vector<128x384xf32>
    %sub3A_1877 = arith.subf %min3A_1872, %max3A_1864 : vector<128x384xf32>
    %max3A_1878 = arith.constant 0.000000e+00 : f32
    %max3A_1879 = vector.broadcast %max3A_1878 : f32 to vector<128x384xf32>
    %max3A_1880 = arith.maximumf %sub3A_1877, %max3A_1879 : vector<128x384xf32>
    %sub3A_1881 = arith.subf %min3A_1876, %max3A_1868 : vector<128x384xf32>
    %max3A_1882 = arith.constant 0.000000e+00 : f32
    %max3A_1883 = vector.broadcast %max3A_1882 : f32 to vector<128x384xf32>
    %max3A_1884 = arith.maximumf %sub3A_1881, %max3A_1883 : vector<128x384xf32>
    %mul3A_1885 = arith.mulf %max3A_1880, %max3A_1884 : vector<128x384xf32>
    %slice3A_1886 = vector.extract_strided_slice %mul3A {offsets = [0, 2688], sizes = [1, 384], strides = [1, 1]} : vector<1x3072xf32> to vector<1x384xf32>
    %add3A_1887 = vector.broadcast %mul3A_1860 : vector<128x1xf32> to vector<128x384xf32>
    %add3A_1888 = vector.broadcast %slice3A_1886 : vector<1x384xf32> to vector<128x384xf32>
    %add3A_1889 = arith.addf %add3A_1887, %add3A_1888 : vector<128x384xf32>
    %sub3A_1890 = arith.subf %add3A_1889, %mul3A_1885 : vector<128x384xf32>
    %add3A_1891 = arith.constant 9.99999971E-10 : f32
    %add3A_1892 = vector.broadcast %add3A_1891 : f32 to vector<128x384xf32>
    %add3A_1893 = arith.addf %sub3A_1890, %add3A_1892 : vector<128x384xf32>
    %div3A_1894 = arith.divf %mul3A_1885, %add3A_1893 : vector<128x384xf32>
    %gt3A_1895 = arith.constant 0.699999988 : f32
    %gt3A_1896 = vector.broadcast %gt3A_1895 : f32 to vector<128x384xf32>
    %gt3A_1897 = arith.cmpf ogt, %div3A_1894, %gt3A_1896 : vector<128x384xf32>
    %convert_element_type3A_1898 = arith.extui %gt3A_1897 : vector<128x384xi1> to vector<128x384xi32>
    %convert_element_type3A_1899 = arith.sitofp %convert_element_type3A_1898 : vector<128x384xi32> to vector<128x384xf32>
    %gt3A_1900 = arith.cmpi sgt, %iota3A_20, %iota3A : vector<128x128xi32>
    %slice3A_1901 = vector.extract_strided_slice %convert_element_type3A_1899 {offsets = [0, 0], sizes = [128, 128], strides = [1, 1]} : vector<128x384xf32> to vector<128x128xf32>
    %jit3A_1902 = arith.constant 0.000000e+00 : f32
    %broadcast_in_dim3A_1903 = vector.broadcast %jit3A_1902 : f32 to vector<128x128xf32>
    %select_n3A_1904 = arith.select %gt3A_1900, %slice3A_1901, %broadcast_in_dim3A_1903 : vector<128x128xi1>, vector<128x128xf32>
    %slice3A_1905 = vector.extract_strided_slice %concatenate3A_1833 {offsets = [0, 2688], sizes = [1, 128], strides = [1, 1]} : vector<1x3072xf32> to vector<1x128xf32>
    %broadcast_in_dim3A_1906 = arith.constant 0.000000e+00 : f32
    %broadcast_in_dim3A_1907 = vector.broadcast %broadcast_in_dim3A_1906 : f32 to vector<1x128xf32>
    %while3A_1908:2 = scf.while (%while3A_2089 = %slice3A_1905, %while3A_2090 = %broadcast_in_dim3A_1907) : (vector<1x128xf32>, vector<1x128xf32>) -> (vector<1x128xf32>, vector<1x128xf32>) {
      %reduce_max3A = vector.shape_cast %while3A_2089 : vector<1x128xf32> to vector<1x1x128xf32>
      %reduce_max3A_2091 = arith.constant dense<0xFF800000> : vector<1xf32>
      %reduce_max3A_2092 = vector.multi_reduction <maximumf>, %reduce_max3A, %reduce_max3A_2091 [1, 2] : vector<1x1x128xf32> to vector<1xf32>
      %reduce_max3A_2093 = vector.shape_cast %reduce_max3A_2092 : vector<1xf32> to vector<1x1x1xf32>
      %reduce_max3A_2094 = vector.extract %reduce_max3A_2093[0, 0, 0] : f32 from vector<1x1x1xf32>
      %gt3A_2095 = arith.constant 5.000000e-01 : f32
      %gt3A_2096 = arith.cmpf ogt, %reduce_max3A_2094, %gt3A_2095 : f32
      scf.condition(%gt3A_2096) %while3A_2089, %while3A_2090 : vector<1x128xf32>, vector<1x128xf32>
    } do {
    ^bb0(%while3A_2089: vector<1x128xf32>, %while3A_2090: vector<1x128xf32>):
      %dot_general3A_2091 = arith.constant dense<0.000000e+00> : vector<1x128xf32>
      %dot_general3A_2092 = tpu.matmul %while3A_2089, %select_n3A_1904, %dot_general3A_2091 {dimension_numbers = #tpu.dot_dimension_numbers<[1], [0], [0], [1], [0, 0, 1, 1], [], []>, transpose_lhs_hint = false} : vector<1x128xf32>, vector<128x128xf32>, vector<1x128xf32> -> vector<1x128xf32>
      %lt3A = arith.constant 5.000000e-01 : f32
      %lt3A_2093 = vector.broadcast %lt3A : f32 to vector<1x128xf32>
      %lt3A_2094 = arith.cmpf olt, %dot_general3A_2092, %lt3A_2093 : vector<1x128xf32>
      %convert_element_type3A_2095 = arith.extui %lt3A_2094 : vector<1x128xi1> to vector<1x128xi32>
      %convert_element_type3A_2096 = arith.sitofp %convert_element_type3A_2095 : vector<1x128xi32> to vector<1x128xf32>
      %mul3A_2097 = arith.mulf %while3A_2089, %convert_element_type3A_2096 : vector<1x128xf32>
      %add3A_2098 = arith.addf %while3A_2090, %mul3A_2097 : vector<1x128xf32>
      %dot_general3A_2099 = arith.constant dense<0.000000e+00> : vector<1x128xf32>
      %dot_general3A_2100 = tpu.matmul %mul3A_2097, %select_n3A_1904, %dot_general3A_2099 {dimension_numbers = #tpu.dot_dimension_numbers<[1], [0], [0], [1], [0, 0, 1, 1], [], []>, transpose_lhs_hint = false} : vector<1x128xf32>, vector<128x128xf32>, vector<1x128xf32> -> vector<1x128xf32>
      %sub3A_2101 = arith.constant 1.000000e+00 : f32
      %sub3A_2102 = vector.broadcast %sub3A_2101 : f32 to vector<1x128xf32>
      %sub3A_2103 = arith.subf %sub3A_2102, %mul3A_2097 : vector<1x128xf32>
      %mul3A_2104 = arith.mulf %while3A_2089, %sub3A_2103 : vector<1x128xf32>
      %lt3A_2105 = arith.constant 5.000000e-01 : f32
      %lt3A_2106 = vector.broadcast %lt3A_2105 : f32 to vector<1x128xf32>
      %lt3A_2107 = arith.cmpf olt, %dot_general3A_2100, %lt3A_2106 : vector<1x128xf32>
      %convert_element_type3A_2108 = arith.extui %lt3A_2107 : vector<1x128xi1> to vector<1x128xi32>
      %convert_element_type3A_2109 = arith.sitofp %convert_element_type3A_2108 : vector<1x128xi32> to vector<1x128xf32>
      %mul3A_2110 = arith.mulf %mul3A_2104, %convert_element_type3A_2109 : vector<1x128xf32>
      scf.yield %mul3A_2110, %add3A_2098 : vector<1x128xf32>, vector<1x128xf32>
    }
    %dot_general3A_1909 = arith.constant dense<0.000000e+00> : vector<1x384xf32>
    %dot_general3A_1910 = tpu.matmul %while3A_1908#1, %convert_element_type3A_1899, %dot_general3A_1909 {dimension_numbers = #tpu.dot_dimension_numbers<[1], [0], [0], [1], [0, 0, 1, 1], [], []>, transpose_lhs_hint = false} : vector<1x128xf32>, vector<128x384xf32>, vector<1x384xf32> -> vector<1x384xf32>
    %slice3A_1911 = vector.extract_strided_slice %dot_general3A_1910 {offsets = [0, 128], sizes = [1, 256], strides = [1, 1]} : vector<1x384xf32> to vector<1x256xf32>
    %gt3A_1912 = arith.constant 5.000000e-01 : f32
    %gt3A_1913 = vector.broadcast %gt3A_1912 : f32 to vector<1x256xf32>
    %gt3A_1914 = arith.cmpf ogt, %slice3A_1911, %gt3A_1913 : vector<1x256xf32>
    %slice3A_1915 = vector.extract_strided_slice %concatenate3A_1833 {offsets = [0, 2816], sizes = [1, 256], strides = [1, 1]} : vector<1x3072xf32> to vector<1x256xf32>
    %jit3A_1916 = arith.constant 0.000000e+00 : f32
    %broadcast_in_dim3A_1917 = vector.broadcast %jit3A_1916 : f32 to vector<1x256xf32>
    %select_n3A_1918 = arith.select %gt3A_1914, %broadcast_in_dim3A_1917, %slice3A_1915 : vector<1x256xi1>, vector<1x256xf32>
    %slice3A_1919 = vector.extract_strided_slice %concatenate3A_1833 {offsets = [0, 0], sizes = [1, 2688], strides = [1, 1]} : vector<1x3072xf32> to vector<1x2688xf32>
    %concatenate3A_1920 = tpu.concatenate %slice3A_1919, %while3A_1908#1, %select_n3A_1918 in 1 : vector<1x2688xf32>, vector<1x128xf32>, vector<1x256xf32> -> vector<1x3072xf32>
    %get3A_1921 = arith.constant 0 : index
    %get3A_1922 = arith.constant 22 : index
    %get3A_1923 = arith.constant 0 : index
    %get3A_1924 = arith.constant 0 : index
    %get3A_1925 = vector.load %arg5[%get3A_1921, %get3A_1922, %get3A_1923, %get3A_1924] : memref<1x24x128x1xf32, #tpu.memory_space<vmem>>, vector<1x1x128x1xf32>
    %get3A_1926 = vector.shape_cast %get3A_1925 : vector<1x1x128x1xf32> to vector<128x1xf32>
    %get3A_1927 = arith.constant 0 : index
    %get3A_1928 = arith.constant 22 : index
    %get3A_1929 = arith.constant 0 : index
    %get3A_1930 = arith.constant 0 : index
    %get3A_1931 = vector.load %arg6[%get3A_1927, %get3A_1928, %get3A_1929, %get3A_1930] : memref<1x24x128x1xf32, #tpu.memory_space<vmem>>, vector<1x1x128x1xf32>
    %get3A_1932 = vector.shape_cast %get3A_1931 : vector<1x1x128x1xf32> to vector<128x1xf32>
    %get3A_1933 = arith.constant 0 : index
    %get3A_1934 = arith.constant 22 : index
    %get3A_1935 = arith.constant 0 : index
    %get3A_1936 = arith.constant 0 : index
    %get3A_1937 = vector.load %arg7[%get3A_1933, %get3A_1934, %get3A_1935, %get3A_1936] : memref<1x24x128x1xf32, #tpu.memory_space<vmem>>, vector<1x1x128x1xf32>
    %get3A_1938 = vector.shape_cast %get3A_1937 : vector<1x1x128x1xf32> to vector<128x1xf32>
    %get3A_1939 = arith.constant 0 : index
    %get3A_1940 = arith.constant 22 : index
    %get3A_1941 = arith.constant 0 : index
    %get3A_1942 = arith.constant 0 : index
    %get3A_1943 = vector.load %arg8[%get3A_1939, %get3A_1940, %get3A_1941, %get3A_1942] : memref<1x24x128x1xf32, #tpu.memory_space<vmem>>, vector<1x1x128x1xf32>
    %get3A_1944 = vector.shape_cast %get3A_1943 : vector<1x1x128x1xf32> to vector<128x1xf32>
    %sub3A_1945 = arith.subf %get3A_1938, %get3A_1926 : vector<128x1xf32>
    %sub3A_1946 = arith.subf %get3A_1944, %get3A_1932 : vector<128x1xf32>
    %mul3A_1947 = arith.mulf %sub3A_1945, %sub3A_1946 : vector<128x1xf32>
    %slice3A_1948 = vector.extract_strided_slice %get3A_3 {offsets = [0, 2816], sizes = [1, 256], strides = [1, 1]} : vector<1x3072xf32> to vector<1x256xf32>
    %max3A_1949 = vector.broadcast %get3A_1926 : vector<128x1xf32> to vector<128x256xf32>
    %max3A_1950 = vector.broadcast %slice3A_1948 : vector<1x256xf32> to vector<128x256xf32>
    %max3A_1951 = arith.maximumf %max3A_1949, %max3A_1950 : vector<128x256xf32>
    %slice3A_1952 = vector.extract_strided_slice %get3A_8 {offsets = [0, 2816], sizes = [1, 256], strides = [1, 1]} : vector<1x3072xf32> to vector<1x256xf32>
    %max3A_1953 = vector.broadcast %get3A_1932 : vector<128x1xf32> to vector<128x256xf32>
    %max3A_1954 = vector.broadcast %slice3A_1952 : vector<1x256xf32> to vector<128x256xf32>
    %max3A_1955 = arith.maximumf %max3A_1953, %max3A_1954 : vector<128x256xf32>
    %slice3A_1956 = vector.extract_strided_slice %get3A_13 {offsets = [0, 2816], sizes = [1, 256], strides = [1, 1]} : vector<1x3072xf32> to vector<1x256xf32>
    %min3A_1957 = vector.broadcast %get3A_1938 : vector<128x1xf32> to vector<128x256xf32>
    %min3A_1958 = vector.broadcast %slice3A_1956 : vector<1x256xf32> to vector<128x256xf32>
    %min3A_1959 = arith.minimumf %min3A_1957, %min3A_1958 : vector<128x256xf32>
    %slice3A_1960 = vector.extract_strided_slice %get3A_18 {offsets = [0, 2816], sizes = [1, 256], strides = [1, 1]} : vector<1x3072xf32> to vector<1x256xf32>
    %min3A_1961 = vector.broadcast %get3A_1944 : vector<128x1xf32> to vector<128x256xf32>
    %min3A_1962 = vector.broadcast %slice3A_1960 : vector<1x256xf32> to vector<128x256xf32>
    %min3A_1963 = arith.minimumf %min3A_1961, %min3A_1962 : vector<128x256xf32>
    %sub3A_1964 = arith.subf %min3A_1959, %max3A_1951 : vector<128x256xf32>
    %max3A_1965 = arith.constant 0.000000e+00 : f32
    %max3A_1966 = vector.broadcast %max3A_1965 : f32 to vector<128x256xf32>
    %max3A_1967 = arith.maximumf %sub3A_1964, %max3A_1966 : vector<128x256xf32>
    %sub3A_1968 = arith.subf %min3A_1963, %max3A_1955 : vector<128x256xf32>
    %max3A_1969 = arith.constant 0.000000e+00 : f32
    %max3A_1970 = vector.broadcast %max3A_1969 : f32 to vector<128x256xf32>
    %max3A_1971 = arith.maximumf %sub3A_1968, %max3A_1970 : vector<128x256xf32>
    %mul3A_1972 = arith.mulf %max3A_1967, %max3A_1971 : vector<128x256xf32>
    %slice3A_1973 = vector.extract_strided_slice %mul3A {offsets = [0, 2816], sizes = [1, 256], strides = [1, 1]} : vector<1x3072xf32> to vector<1x256xf32>
    %add3A_1974 = vector.broadcast %mul3A_1947 : vector<128x1xf32> to vector<128x256xf32>
    %add3A_1975 = vector.broadcast %slice3A_1973 : vector<1x256xf32> to vector<128x256xf32>
    %add3A_1976 = arith.addf %add3A_1974, %add3A_1975 : vector<128x256xf32>
    %sub3A_1977 = arith.subf %add3A_1976, %mul3A_1972 : vector<128x256xf32>
    %add3A_1978 = arith.constant 9.99999971E-10 : f32
    %add3A_1979 = vector.broadcast %add3A_1978 : f32 to vector<128x256xf32>
    %add3A_1980 = arith.addf %sub3A_1977, %add3A_1979 : vector<128x256xf32>
    %div3A_1981 = arith.divf %mul3A_1972, %add3A_1980 : vector<128x256xf32>
    %gt3A_1982 = arith.constant 0.699999988 : f32
    %gt3A_1983 = vector.broadcast %gt3A_1982 : f32 to vector<128x256xf32>
    %gt3A_1984 = arith.cmpf ogt, %div3A_1981, %gt3A_1983 : vector<128x256xf32>
    %convert_element_type3A_1985 = arith.extui %gt3A_1984 : vector<128x256xi1> to vector<128x256xi32>
    %convert_element_type3A_1986 = arith.sitofp %convert_element_type3A_1985 : vector<128x256xi32> to vector<128x256xf32>
    %gt3A_1987 = arith.cmpi sgt, %iota3A_20, %iota3A : vector<128x128xi32>
    %slice3A_1988 = vector.extract_strided_slice %convert_element_type3A_1986 {offsets = [0, 0], sizes = [128, 128], strides = [1, 1]} : vector<128x256xf32> to vector<128x128xf32>
    %jit3A_1989 = arith.constant 0.000000e+00 : f32
    %broadcast_in_dim3A_1990 = vector.broadcast %jit3A_1989 : f32 to vector<128x128xf32>
    %select_n3A_1991 = arith.select %gt3A_1987, %slice3A_1988, %broadcast_in_dim3A_1990 : vector<128x128xi1>, vector<128x128xf32>
    %slice3A_1992 = vector.extract_strided_slice %concatenate3A_1920 {offsets = [0, 2816], sizes = [1, 128], strides = [1, 1]} : vector<1x3072xf32> to vector<1x128xf32>
    %broadcast_in_dim3A_1993 = arith.constant 0.000000e+00 : f32
    %broadcast_in_dim3A_1994 = vector.broadcast %broadcast_in_dim3A_1993 : f32 to vector<1x128xf32>
    %while3A_1995:2 = scf.while (%while3A_2089 = %slice3A_1992, %while3A_2090 = %broadcast_in_dim3A_1994) : (vector<1x128xf32>, vector<1x128xf32>) -> (vector<1x128xf32>, vector<1x128xf32>) {
      %reduce_max3A = vector.shape_cast %while3A_2089 : vector<1x128xf32> to vector<1x1x128xf32>
      %reduce_max3A_2091 = arith.constant dense<0xFF800000> : vector<1xf32>
      %reduce_max3A_2092 = vector.multi_reduction <maximumf>, %reduce_max3A, %reduce_max3A_2091 [1, 2] : vector<1x1x128xf32> to vector<1xf32>
      %reduce_max3A_2093 = vector.shape_cast %reduce_max3A_2092 : vector<1xf32> to vector<1x1x1xf32>
      %reduce_max3A_2094 = vector.extract %reduce_max3A_2093[0, 0, 0] : f32 from vector<1x1x1xf32>
      %gt3A_2095 = arith.constant 5.000000e-01 : f32
      %gt3A_2096 = arith.cmpf ogt, %reduce_max3A_2094, %gt3A_2095 : f32
      scf.condition(%gt3A_2096) %while3A_2089, %while3A_2090 : vector<1x128xf32>, vector<1x128xf32>
    } do {
    ^bb0(%while3A_2089: vector<1x128xf32>, %while3A_2090: vector<1x128xf32>):
      %dot_general3A_2091 = arith.constant dense<0.000000e+00> : vector<1x128xf32>
      %dot_general3A_2092 = tpu.matmul %while3A_2089, %select_n3A_1991, %dot_general3A_2091 {dimension_numbers = #tpu.dot_dimension_numbers<[1], [0], [0], [1], [0, 0, 1, 1], [], []>, transpose_lhs_hint = false} : vector<1x128xf32>, vector<128x128xf32>, vector<1x128xf32> -> vector<1x128xf32>
      %lt3A = arith.constant 5.000000e-01 : f32
      %lt3A_2093 = vector.broadcast %lt3A : f32 to vector<1x128xf32>
      %lt3A_2094 = arith.cmpf olt, %dot_general3A_2092, %lt3A_2093 : vector<1x128xf32>
      %convert_element_type3A_2095 = arith.extui %lt3A_2094 : vector<1x128xi1> to vector<1x128xi32>
      %convert_element_type3A_2096 = arith.sitofp %convert_element_type3A_2095 : vector<1x128xi32> to vector<1x128xf32>
      %mul3A_2097 = arith.mulf %while3A_2089, %convert_element_type3A_2096 : vector<1x128xf32>
      %add3A_2098 = arith.addf %while3A_2090, %mul3A_2097 : vector<1x128xf32>
      %dot_general3A_2099 = arith.constant dense<0.000000e+00> : vector<1x128xf32>
      %dot_general3A_2100 = tpu.matmul %mul3A_2097, %select_n3A_1991, %dot_general3A_2099 {dimension_numbers = #tpu.dot_dimension_numbers<[1], [0], [0], [1], [0, 0, 1, 1], [], []>, transpose_lhs_hint = false} : vector<1x128xf32>, vector<128x128xf32>, vector<1x128xf32> -> vector<1x128xf32>
      %sub3A_2101 = arith.constant 1.000000e+00 : f32
      %sub3A_2102 = vector.broadcast %sub3A_2101 : f32 to vector<1x128xf32>
      %sub3A_2103 = arith.subf %sub3A_2102, %mul3A_2097 : vector<1x128xf32>
      %mul3A_2104 = arith.mulf %while3A_2089, %sub3A_2103 : vector<1x128xf32>
      %lt3A_2105 = arith.constant 5.000000e-01 : f32
      %lt3A_2106 = vector.broadcast %lt3A_2105 : f32 to vector<1x128xf32>
      %lt3A_2107 = arith.cmpf olt, %dot_general3A_2100, %lt3A_2106 : vector<1x128xf32>
      %convert_element_type3A_2108 = arith.extui %lt3A_2107 : vector<1x128xi1> to vector<1x128xi32>
      %convert_element_type3A_2109 = arith.sitofp %convert_element_type3A_2108 : vector<1x128xi32> to vector<1x128xf32>
      %mul3A_2110 = arith.mulf %mul3A_2104, %convert_element_type3A_2109 : vector<1x128xf32>
      scf.yield %mul3A_2110, %add3A_2098 : vector<1x128xf32>, vector<1x128xf32>
    }
    %dot_general3A_1996 = arith.constant dense<0.000000e+00> : vector<1x256xf32>
    %dot_general3A_1997 = tpu.matmul %while3A_1995#1, %convert_element_type3A_1986, %dot_general3A_1996 {dimension_numbers = #tpu.dot_dimension_numbers<[1], [0], [0], [1], [0, 0, 1, 1], [], []>, transpose_lhs_hint = false} : vector<1x128xf32>, vector<128x256xf32>, vector<1x256xf32> -> vector<1x256xf32>
    %slice3A_1998 = vector.extract_strided_slice %dot_general3A_1997 {offsets = [0, 128], sizes = [1, 128], strides = [1, 1]} : vector<1x256xf32> to vector<1x128xf32>
    %gt3A_1999 = arith.constant 5.000000e-01 : f32
    %gt3A_2000 = vector.broadcast %gt3A_1999 : f32 to vector<1x128xf32>
    %gt3A_2001 = arith.cmpf ogt, %slice3A_1998, %gt3A_2000 : vector<1x128xf32>
    %slice3A_2002 = vector.extract_strided_slice %concatenate3A_1920 {offsets = [0, 2944], sizes = [1, 128], strides = [1, 1]} : vector<1x3072xf32> to vector<1x128xf32>
    %jit3A_2003 = arith.constant 0.000000e+00 : f32
    %broadcast_in_dim3A_2004 = vector.broadcast %jit3A_2003 : f32 to vector<1x128xf32>
    %select_n3A_2005 = arith.select %gt3A_2001, %broadcast_in_dim3A_2004, %slice3A_2002 : vector<1x128xi1>, vector<1x128xf32>
    %slice3A_2006 = vector.extract_strided_slice %concatenate3A_1920 {offsets = [0, 0], sizes = [1, 2816], strides = [1, 1]} : vector<1x3072xf32> to vector<1x2816xf32>
    %concatenate3A_2007 = tpu.concatenate %slice3A_2006, %while3A_1995#1, %select_n3A_2005 in 1 : vector<1x2816xf32>, vector<1x128xf32>, vector<1x128xf32> -> vector<1x3072xf32>
    %get3A_2008 = arith.constant 0 : index
    %get3A_2009 = arith.constant 23 : index
    %get3A_2010 = arith.constant 0 : index
    %get3A_2011 = arith.constant 0 : index
    %get3A_2012 = vector.load %arg5[%get3A_2008, %get3A_2009, %get3A_2010, %get3A_2011] : memref<1x24x128x1xf32, #tpu.memory_space<vmem>>, vector<1x1x128x1xf32>
    %get3A_2013 = vector.shape_cast %get3A_2012 : vector<1x1x128x1xf32> to vector<128x1xf32>
    %get3A_2014 = arith.constant 0 : index
    %get3A_2015 = arith.constant 23 : index
    %get3A_2016 = arith.constant 0 : index
    %get3A_2017 = arith.constant 0 : index
    %get3A_2018 = vector.load %arg6[%get3A_2014, %get3A_2015, %get3A_2016, %get3A_2017] : memref<1x24x128x1xf32, #tpu.memory_space<vmem>>, vector<1x1x128x1xf32>
    %get3A_2019 = vector.shape_cast %get3A_2018 : vector<1x1x128x1xf32> to vector<128x1xf32>
    %get3A_2020 = arith.constant 0 : index
    %get3A_2021 = arith.constant 23 : index
    %get3A_2022 = arith.constant 0 : index
    %get3A_2023 = arith.constant 0 : index
    %get3A_2024 = vector.load %arg7[%get3A_2020, %get3A_2021, %get3A_2022, %get3A_2023] : memref<1x24x128x1xf32, #tpu.memory_space<vmem>>, vector<1x1x128x1xf32>
    %get3A_2025 = vector.shape_cast %get3A_2024 : vector<1x1x128x1xf32> to vector<128x1xf32>
    %get3A_2026 = arith.constant 0 : index
    %get3A_2027 = arith.constant 23 : index
    %get3A_2028 = arith.constant 0 : index
    %get3A_2029 = arith.constant 0 : index
    %get3A_2030 = vector.load %arg8[%get3A_2026, %get3A_2027, %get3A_2028, %get3A_2029] : memref<1x24x128x1xf32, #tpu.memory_space<vmem>>, vector<1x1x128x1xf32>
    %get3A_2031 = vector.shape_cast %get3A_2030 : vector<1x1x128x1xf32> to vector<128x1xf32>
    %sub3A_2032 = arith.subf %get3A_2025, %get3A_2013 : vector<128x1xf32>
    %sub3A_2033 = arith.subf %get3A_2031, %get3A_2019 : vector<128x1xf32>
    %mul3A_2034 = arith.mulf %sub3A_2032, %sub3A_2033 : vector<128x1xf32>
    %slice3A_2035 = vector.extract_strided_slice %get3A_3 {offsets = [0, 2944], sizes = [1, 128], strides = [1, 1]} : vector<1x3072xf32> to vector<1x128xf32>
    %max3A_2036 = vector.broadcast %get3A_2013 : vector<128x1xf32> to vector<128x128xf32>
    %max3A_2037 = vector.broadcast %slice3A_2035 : vector<1x128xf32> to vector<128x128xf32>
    %max3A_2038 = arith.maximumf %max3A_2036, %max3A_2037 : vector<128x128xf32>
    %slice3A_2039 = vector.extract_strided_slice %get3A_8 {offsets = [0, 2944], sizes = [1, 128], strides = [1, 1]} : vector<1x3072xf32> to vector<1x128xf32>
    %max3A_2040 = vector.broadcast %get3A_2019 : vector<128x1xf32> to vector<128x128xf32>
    %max3A_2041 = vector.broadcast %slice3A_2039 : vector<1x128xf32> to vector<128x128xf32>
    %max3A_2042 = arith.maximumf %max3A_2040, %max3A_2041 : vector<128x128xf32>
    %slice3A_2043 = vector.extract_strided_slice %get3A_13 {offsets = [0, 2944], sizes = [1, 128], strides = [1, 1]} : vector<1x3072xf32> to vector<1x128xf32>
    %min3A_2044 = vector.broadcast %get3A_2025 : vector<128x1xf32> to vector<128x128xf32>
    %min3A_2045 = vector.broadcast %slice3A_2043 : vector<1x128xf32> to vector<128x128xf32>
    %min3A_2046 = arith.minimumf %min3A_2044, %min3A_2045 : vector<128x128xf32>
    %slice3A_2047 = vector.extract_strided_slice %get3A_18 {offsets = [0, 2944], sizes = [1, 128], strides = [1, 1]} : vector<1x3072xf32> to vector<1x128xf32>
    %min3A_2048 = vector.broadcast %get3A_2031 : vector<128x1xf32> to vector<128x128xf32>
    %min3A_2049 = vector.broadcast %slice3A_2047 : vector<1x128xf32> to vector<128x128xf32>
    %min3A_2050 = arith.minimumf %min3A_2048, %min3A_2049 : vector<128x128xf32>
    %sub3A_2051 = arith.subf %min3A_2046, %max3A_2038 : vector<128x128xf32>
    %max3A_2052 = arith.constant 0.000000e+00 : f32
    %max3A_2053 = vector.broadcast %max3A_2052 : f32 to vector<128x128xf32>
    %max3A_2054 = arith.maximumf %sub3A_2051, %max3A_2053 : vector<128x128xf32>
    %sub3A_2055 = arith.subf %min3A_2050, %max3A_2042 : vector<128x128xf32>
    %max3A_2056 = arith.constant 0.000000e+00 : f32
    %max3A_2057 = vector.broadcast %max3A_2056 : f32 to vector<128x128xf32>
    %max3A_2058 = arith.maximumf %sub3A_2055, %max3A_2057 : vector<128x128xf32>
    %mul3A_2059 = arith.mulf %max3A_2054, %max3A_2058 : vector<128x128xf32>
    %slice3A_2060 = vector.extract_strided_slice %mul3A {offsets = [0, 2944], sizes = [1, 128], strides = [1, 1]} : vector<1x3072xf32> to vector<1x128xf32>
    %add3A_2061 = vector.broadcast %mul3A_2034 : vector<128x1xf32> to vector<128x128xf32>
    %add3A_2062 = vector.broadcast %slice3A_2060 : vector<1x128xf32> to vector<128x128xf32>
    %add3A_2063 = arith.addf %add3A_2061, %add3A_2062 : vector<128x128xf32>
    %sub3A_2064 = arith.subf %add3A_2063, %mul3A_2059 : vector<128x128xf32>
    %add3A_2065 = arith.constant 9.99999971E-10 : f32
    %add3A_2066 = vector.broadcast %add3A_2065 : f32 to vector<128x128xf32>
    %add3A_2067 = arith.addf %sub3A_2064, %add3A_2066 : vector<128x128xf32>
    %div3A_2068 = arith.divf %mul3A_2059, %add3A_2067 : vector<128x128xf32>
    %gt3A_2069 = arith.constant 0.699999988 : f32
    %gt3A_2070 = vector.broadcast %gt3A_2069 : f32 to vector<128x128xf32>
    %gt3A_2071 = arith.cmpf ogt, %div3A_2068, %gt3A_2070 : vector<128x128xf32>
    %convert_element_type3A_2072 = arith.extui %gt3A_2071 : vector<128x128xi1> to vector<128x128xi32>
    %convert_element_type3A_2073 = arith.sitofp %convert_element_type3A_2072 : vector<128x128xi32> to vector<128x128xf32>
    %gt3A_2074 = arith.cmpi sgt, %iota3A_20, %iota3A : vector<128x128xi32>
    %jit3A_2075 = arith.constant 0.000000e+00 : f32
    %broadcast_in_dim3A_2076 = vector.broadcast %jit3A_2075 : f32 to vector<128x128xf32>
    %select_n3A_2077 = arith.select %gt3A_2074, %convert_element_type3A_2073, %broadcast_in_dim3A_2076 : vector<128x128xi1>, vector<128x128xf32>
    %slice3A_2078 = vector.extract_strided_slice %concatenate3A_2007 {offsets = [0, 2944], sizes = [1, 128], strides = [1, 1]} : vector<1x3072xf32> to vector<1x128xf32>
    %broadcast_in_dim3A_2079 = arith.constant 0.000000e+00 : f32
    %broadcast_in_dim3A_2080 = vector.broadcast %broadcast_in_dim3A_2079 : f32 to vector<1x128xf32>
    %while3A_2081:2 = scf.while (%while3A_2089 = %slice3A_2078, %while3A_2090 = %broadcast_in_dim3A_2080) : (vector<1x128xf32>, vector<1x128xf32>) -> (vector<1x128xf32>, vector<1x128xf32>) {
      %reduce_max3A = vector.shape_cast %while3A_2089 : vector<1x128xf32> to vector<1x1x128xf32>
      %reduce_max3A_2091 = arith.constant dense<0xFF800000> : vector<1xf32>
      %reduce_max3A_2092 = vector.multi_reduction <maximumf>, %reduce_max3A, %reduce_max3A_2091 [1, 2] : vector<1x1x128xf32> to vector<1xf32>
      %reduce_max3A_2093 = vector.shape_cast %reduce_max3A_2092 : vector<1xf32> to vector<1x1x1xf32>
      %reduce_max3A_2094 = vector.extract %reduce_max3A_2093[0, 0, 0] : f32 from vector<1x1x1xf32>
      %gt3A_2095 = arith.constant 5.000000e-01 : f32
      %gt3A_2096 = arith.cmpf ogt, %reduce_max3A_2094, %gt3A_2095 : f32
      scf.condition(%gt3A_2096) %while3A_2089, %while3A_2090 : vector<1x128xf32>, vector<1x128xf32>
    } do {
    ^bb0(%while3A_2089: vector<1x128xf32>, %while3A_2090: vector<1x128xf32>):
      %dot_general3A_2091 = arith.constant dense<0.000000e+00> : vector<1x128xf32>
      %dot_general3A_2092 = tpu.matmul %while3A_2089, %select_n3A_2077, %dot_general3A_2091 {dimension_numbers = #tpu.dot_dimension_numbers<[1], [0], [0], [1], [0, 0, 1, 1], [], []>, transpose_lhs_hint = false} : vector<1x128xf32>, vector<128x128xf32>, vector<1x128xf32> -> vector<1x128xf32>
      %lt3A = arith.constant 5.000000e-01 : f32
      %lt3A_2093 = vector.broadcast %lt3A : f32 to vector<1x128xf32>
      %lt3A_2094 = arith.cmpf olt, %dot_general3A_2092, %lt3A_2093 : vector<1x128xf32>
      %convert_element_type3A_2095 = arith.extui %lt3A_2094 : vector<1x128xi1> to vector<1x128xi32>
      %convert_element_type3A_2096 = arith.sitofp %convert_element_type3A_2095 : vector<1x128xi32> to vector<1x128xf32>
      %mul3A_2097 = arith.mulf %while3A_2089, %convert_element_type3A_2096 : vector<1x128xf32>
      %add3A_2098 = arith.addf %while3A_2090, %mul3A_2097 : vector<1x128xf32>
      %dot_general3A_2099 = arith.constant dense<0.000000e+00> : vector<1x128xf32>
      %dot_general3A_2100 = tpu.matmul %mul3A_2097, %select_n3A_2077, %dot_general3A_2099 {dimension_numbers = #tpu.dot_dimension_numbers<[1], [0], [0], [1], [0, 0, 1, 1], [], []>, transpose_lhs_hint = false} : vector<1x128xf32>, vector<128x128xf32>, vector<1x128xf32> -> vector<1x128xf32>
      %sub3A_2101 = arith.constant 1.000000e+00 : f32
      %sub3A_2102 = vector.broadcast %sub3A_2101 : f32 to vector<1x128xf32>
      %sub3A_2103 = arith.subf %sub3A_2102, %mul3A_2097 : vector<1x128xf32>
      %mul3A_2104 = arith.mulf %while3A_2089, %sub3A_2103 : vector<1x128xf32>
      %lt3A_2105 = arith.constant 5.000000e-01 : f32
      %lt3A_2106 = vector.broadcast %lt3A_2105 : f32 to vector<1x128xf32>
      %lt3A_2107 = arith.cmpf olt, %dot_general3A_2100, %lt3A_2106 : vector<1x128xf32>
      %convert_element_type3A_2108 = arith.extui %lt3A_2107 : vector<1x128xi1> to vector<1x128xi32>
      %convert_element_type3A_2109 = arith.sitofp %convert_element_type3A_2108 : vector<1x128xi32> to vector<1x128xf32>
      %mul3A_2110 = arith.mulf %mul3A_2104, %convert_element_type3A_2109 : vector<1x128xf32>
      scf.yield %mul3A_2110, %add3A_2098 : vector<1x128xf32>, vector<1x128xf32>
    }
    %slice3A_2082 = vector.extract_strided_slice %concatenate3A_2007 {offsets = [0, 0], sizes = [1, 2944], strides = [1, 1]} : vector<1x3072xf32> to vector<1x2944xf32>
    %concatenate3A_2083 = tpu.concatenate %slice3A_2082, %while3A_2081#1 in 1 : vector<1x2944xf32>, vector<1x128xf32> -> vector<1x3072xf32>
    %swap3A = arith.constant 0 : index
    %swap3A_2084 = arith.constant 0 : index
    %swap3A_2085 = arith.constant 0 : index
    %swap3A_2086 = vector.load %arg10[%swap3A, %swap3A_2084, %swap3A_2085] : memref<1x1x3072xf32, #tpu.memory_space<vmem>>, vector<1x1x3072xf32>
    %swap3A_2087 = vector.shape_cast %swap3A_2086 : vector<1x1x3072xf32> to vector<1x3072xf32>
    %swap3A_2088 = vector.shape_cast %concatenate3A_2083 : vector<1x3072xf32> to vector<1x1x3072xf32>
    tpu.vector_store %arg10[%swap3A, %swap3A_2084, %swap3A_2085], %swap3A_2088 {strides = array<i32>} : memref<1x1x3072xf32, #tpu.memory_space<vmem>>, vector<1x1x3072xf32>,
    return
  }
  func.func @transform_0(%arg0: i32) -> (i32, i32, i32) {
    %c0_i32 = arith.constant 0 : i32
    %c0_i32_0 = arith.constant 0 : i32
    %c0_i32_1 = arith.constant 0 : i32
    return %arg0, %c0_i32, %c0_i32_0 : i32, i32, i32
  }
  func.func @transform_1(%arg0: i32) -> (i32, i32, i32) {
    %c0_i32 = arith.constant 0 : i32
    %c0_i32_0 = arith.constant 0 : i32
    %c0_i32_1 = arith.constant 0 : i32
    return %arg0, %c0_i32, %c0_i32_0 : i32, i32, i32
  }
  func.func @transform_2(%arg0: i32) -> (i32, i32, i32) {
    %c0_i32 = arith.constant 0 : i32
    %c0_i32_0 = arith.constant 0 : i32
    %c0_i32_1 = arith.constant 0 : i32
    return %arg0, %c0_i32, %c0_i32_0 : i32, i32, i32
  }
  func.func @transform_3(%arg0: i32) -> (i32, i32, i32) {
    %c0_i32 = arith.constant 0 : i32
    %c0_i32_0 = arith.constant 0 : i32
    %c0_i32_1 = arith.constant 0 : i32
    return %arg0, %c0_i32, %c0_i32_0 : i32, i32, i32
  }
  func.func @transform_4(%arg0: i32) -> (i32, i32, i32, i32) {
    %c0_i32 = arith.constant 0 : i32
    %c0_i32_0 = arith.constant 0 : i32
    %c0_i32_1 = arith.constant 0 : i32
    %c0_i32_2 = arith.constant 0 : i32
    return %arg0, %c0_i32, %c0_i32_0, %c0_i32_1 : i32, i32, i32, i32
  }
  func.func @transform_5(%arg0: i32) -> (i32, i32, i32, i32) {
    %c0_i32 = arith.constant 0 : i32
    %c0_i32_0 = arith.constant 0 : i32
    %c0_i32_1 = arith.constant 0 : i32
    %c0_i32_2 = arith.constant 0 : i32
    return %arg0, %c0_i32, %c0_i32_0, %c0_i32_1 : i32, i32, i32, i32
  }
  func.func @transform_6(%arg0: i32) -> (i32, i32, i32, i32) {
    %c0_i32 = arith.constant 0 : i32
    %c0_i32_0 = arith.constant 0 : i32
    %c0_i32_1 = arith.constant 0 : i32
    %c0_i32_2 = arith.constant 0 : i32
    return %arg0, %c0_i32, %c0_i32_0, %c0_i32_1 : i32, i32, i32, i32
  }
  func.func @transform_7(%arg0: i32) -> (i32, i32, i32, i32) {
    %c0_i32 = arith.constant 0 : i32
    %c0_i32_0 = arith.constant 0 : i32
    %c0_i32_1 = arith.constant 0 : i32
    %c0_i32_2 = arith.constant 0 : i32
    return %arg0, %c0_i32, %c0_i32_0, %c0_i32_1 : i32, i32, i32, i32
  }
  func.func @transform_8(%arg0: i32) -> (i32, i32, i32) {
    %c0_i32 = arith.constant 0 : i32
    %c0_i32_0 = arith.constant 0 : i32
    %c0_i32_1 = arith.constant 0 : i32
    return %arg0, %c0_i32, %c0_i32_0 : i32, i32, i32
  }
  func.func @transform_9(%arg0: i32) -> (i32, i32, i32) {
    %c0_i32 = arith.constant 0 : i32
    %c0_i32_0 = arith.constant 0 : i32
    %c0_i32_1 = arith.constant 0 : i32
    return %arg0, %c0_i32, %c0_i32_0 : i32, i32, i32
  }
}

</mosaic_0001>

<sc_bundles>
// kernel: gather_offload_async_start
scs
__scs_entry_jumppad:
0x0: {  	(pc) =	sbr.rel $0x88, $3  }
0x1: {  	(tag) =	ssettag $0x0;
	lr =	simm.s32 $0x1  }
0x2: {  	[smem:$0x3F9B] =	sst lr;
	_ =	strace $0xD0000000  }
0x3: {  	_ = 	snop  }
0x4: {  	_ = 	snop  }
0x5: {  	_ = 	snop  }
0x6: {  	_ = 	snop  }
0x7: {  	_ = 	snop  }
__scs_overlays_trampoline_lowered:
0x8: {  	[smem:$0x3FAA] =	sst s0  }
0x9: {  	[smem:$0x3FAB] =	sst s1  }
0xa: {  	[smem:$0x3FAC] =	sst s2  }
0xb: {  	[smem:$0x3FAD] =	sst s3  }
0xc: {  	[smem:$0x3FAE] =	sst s4  }
0xd: {  	[smem:$0x3FAF] =	sst s5  }
0xe: {  	[smem:$0x3FB0] =	sst s6  }
0xf: {  	[smem:$0x3FB1] =	sst s7  }
0x10: {  	[smem:$0x3FB2] =	sst s8  }
0x11: {  	[smem:$0x3FB3] =	sst s9;
	s0 =	simm.s32 @!p0 $0x0  }
0x12: {  	s1 =	sld [smem:$0x3F99];
	s0 =	simm.s32 @p0 $0x1  }
0x13: {  	[smem:$0x3FB4] =	sst s0;
	s0 =	simm.s32 @!p1 $0x0  }
0x14: {  	s2 =	sld [smem:$0x3F98];
	s0 =	simm.s32 @p1 $0x1  }
0x15: {  	[smem:$0x3FB5] =	sst s0;
	s0 =	simm.s32 @!p2 $0x0  }
0x16: {  	s3 =	sld [smem:$0x3FDB];
	s0 =	simm.s32 @p2 $0x1  }
0x17: {  	s4 =	simm.s32 $0x1BF5;
	[smem:$0x3FB7] =	sst s0  }
0x18: {  	s0 =	sld [smem:$0x3F9A];
	_ =	swait.ge [sflag:s4], $0x0  }
0x19: {  	s7 =	sld [smem:$0x3F9B]  }
0x1a: {  	s8 =	sadd.s32 $0xFFFFE003, lr  }
0x1b: {  	s9 =	sadd.s32 $0xFFFFFEF7, lr;
	s5 =	simm.s32 $0xFFFFFFFF;
	p2 =	slt.u32 s8, $0xFFFFF086  }
0x1c: {  	p1 =	slt.u32 s9, $0xF7A;
	s5 =	simm.s32 @!p2 $0x0  }
0x1d: {  	s5 =	simm.s32 @p1 $0x1;
	p0 =	seq.s32 s7, s2  }
0x1e: {  	s7 =	smul.u32 @!p0 $0xF7A, s2;
	p2 =	seq.s32 @!p0 s5, $0x0  }
0x1f: {  	s9 =	smul.u32 $0xF7A, s1;
	s8 =	simm.s32 @!p0 $0x1BF5;
	p2 =	por !p2, p0  }
0x20: {  	[sflag:s8] =	ssyncset.s32 @!p0 $0xFFFFF086;
	s6 =	sadd.s32 @!p0 s3, s7;
	s7 =	simm.s32 @!p0 $0x108  }
0x21: {  	s3 =	sadd.s32 s3, s9;
	s6 =	sadd.s32 @!p0 $0x88, s6;
	s7 =	simm.s32 @p2 $0x1082  }
0x22: {  	[simem:s7], [sflag:s8] =	dma.local @!p0 [hbm:s6], $0xF7A  }
0x23: {  	s9 =	sor.u32 $0xD0000000, s2;
	s6 =	simm.s32 $0x108;
	_ =	swait.ge @!p0 [sflag:s8], $0x0  }
0x24: {  	s3 =	sadd.s32 $0x88, s3;
	s6 =	simm.s32 @!p1 $0x1082;
	[sflag:s4] =	ssyncset.s32 $0xFFFFF086  }
0x25: {  	[simem:s6], [sflag:s4] =	dma.local [hbm:s3], $0xF7A  }
0x26: {  	[smem:$0x3F9B] =	sst s1;
	(tag) =	ssettag s2;
	_ =	strace s9  }
0x27: {  	s1 =	sld [smem:$0x3FAB]  }
0x28: {  	s2 =	sld [smem:$0x3FAC]  }
0x29: {  	s4 =	sld [smem:$0x3FAE]  }
0x2a: {  	p0 =	seq.s32 s5, $0x0;
	s5 =	sld [smem:$0x3FAF]  }
0x2b: {  	s6 =	sld [smem:$0x3FB0]  }
0x2c: {  	s7 =	sld [smem:$0x3FB1]  }
0x2d: {  	s3 =	simm.s32 $0x108;
	s8 =	sld [smem:$0x3FB2]  }
0x2e: {  	s3 =	simm.s32 @!p0 $0x1082;
	s9 =	sld [smem:$0x3FB3]  }
0x2f: {  	lr =	sadd.s32 s0, s3;
	s0 =	sld [smem:$0x3FAA]  }
0x30: {  	s3 =	sld [smem:$0x3FAD]  }
0x31: {  	[smem:$0x3FB6] =	sst s10  }
0x32: {  	s10 =	sld [smem:$0x3FB4];
	_ =	sdelay $0x3  }
0x33: {  	p0 =	seq.s32 s10, $0x1;
	s10 =	sld [smem:$0x3FB6];
	_ =	sdelay $0x3  }
0x34: {  	[smem:$0x3FB6] =	sst s10  }
0x35: {  	s10 =	sld [smem:$0x3FB5];
	_ =	sdelay $0x3  }
0x36: {  	p1 =	seq.s32 s10, $0x1;
	s10 =	sld [smem:$0x3FB6];
	_ =	sdelay $0x3  }
0x37: {  	[smem:$0x3FB6] =	sst s10  }
0x38: {  	s10 =	sld [smem:$0x3FB7]  }
0x39: {  	_ = 	snop;
	(pc) =	sbr.ind lr, $3  }
0x3a: {  	_ = 	snop  }
0x3b: {  	_ = 	snop  }
0x3c: {  	p2 =	seq.s32 s10, $0x1;
	s10 =	sld [smem:$0x3FB6]  }
0x3d: {  	_ =	shalt  }
0x3e: {  	_ =	shalt  }
0x3f: {  	_ =	shalt  }
0x40: {  	_ =	shalt  }
0x41: {  	_ =	shalt  }
0x42: {  	_ =	shalt  }
0x43: {  	_ =	shalt  }
0x44: {  	_ =	shalt  }
0x45: {  	_ =	shalt  }
0x46: {  	_ =	shalt  }
0x47: {  	_ =	shalt  }
0x48: {  	_ =	shalt  }
0x49: {  	_ =	shalt  }
0x4a: {  	_ =	shalt  }
0x4b: {  	_ =	shalt  }
0x4c: {  	_ =	shalt  }
0x4d: {  	_ =	shalt  }
0x4e: {  	_ =	shalt  }
0x4f: {  	_ =	shalt  }
0x50: {  	_ =	shalt  }
0x51: {  	_ =	shalt  }
0x52: {  	_ =	shalt  }
0x53: {  	_ =	shalt  }
0x54: {  	_ =	shalt  }
0x55: {  	_ =	shalt  }
0x56: {  	_ =	shalt  }
0x57: {  	_ =	shalt  }
0x58: {  	_ =	shalt  }
0x59: {  	_ =	shalt  }
0x5a: {  	_ =	shalt  }
0x5b: {  	_ =	shalt  }
0x5c: {  	_ =	shalt  }
0x5d: {  	_ =	shalt  }
0x5e: {  	_ =	shalt  }
0x5f: {  	_ =	shalt  }
0x60: {  	_ =	shalt  }
0x61: {  	_ =	shalt  }
0x62: {  	_ =	shalt  }
0x63: {  	_ =	shalt  }
0x64: {  	_ =	shalt  }
0x65: {  	_ =	shalt  }
0x66: {  	_ =	shalt  }
0x67: {  	_ =	shalt  }
0x68: {  	_ =	shalt  }
0x69: {  	_ =	shalt  }
0x6a: {  	_ =	shalt  }
0x6b: {  	_ =	shalt  }
0x6c: {  	_ =	shalt  }
0x6d: {  	_ =	shalt  }
0x6e: {  	_ =	shalt  }
0x6f: {  	_ =	shalt  }
0x70: {  	_ =	shalt  }
0x71: {  	_ =	shalt  }
0x72: {  	_ =	shalt  }
0x73: {  	_ =	shalt  }
0x74: {  	_ =	shalt  }
0x75: {  	_ =	shalt  }
0x76: {  	_ =	shalt  }
0x77: {  	_ =	shalt  }
0x78: {  	_ =	shalt  }
0x79: {  	_ =	shalt  }
0x7a: {  	_ =	shalt  }
0x7b: {  	_ =	shalt  }
0x7c: {  	_ =	shalt  }
0x7d: {  	_ =	shalt  }
0x7e: {  	_ =	shalt  }
0x7f: {  	_ =	shalt  }
0x80: {  	_ =	shalt  }
0x81: {  	_ =	shalt  }
0x82: {  	_ =	shalt  }
0x83: {  	_ =	shalt  }
0x84: {  	_ =	shalt  }
0x85: {  	_ =	shalt  }
0x86: {  	_ =	shalt  }
0x87: {  	_ =	shalt  }
.Lfunc_end0:
.L_simem_size_0:
called_computation_lowered:
.L_overlay_start_0:
0x88: {  	s0 =	sld [smem:$0x3FD9]  }
0x89: {  	s1 =	sld [smem:$0x3FFE];
	_ =	sdelay $0x3  }
0x8a: {  	s0 =	sadd.s32 s1, s0  }
0x8b: {  	[smem:$0x3FC2] =	sst s0  }
0x8c: {  	_ = 	snop  }
0x8d: {  	s0 =	sld [smem:$0x3FD0];
	_ =	sdelay $0x2  }
0x8e: {  	s13 =	simm.s32 $0xA;
	s2 =	simm.s32 $0x10  }
0x8f: {  	[smem:s2], [sflag:s13] =	dma.local [hbm:s0], $0x1  }
0x90: {  	_ =	swait.eq [sflag:s13], $0x1  }
0x91: {  	[sflag:s13] =	ssyncset.done $0x0  }
0x92: {  	[sflag:s13] =	ssyncadd.s32 $0xFFFFFFFF  }
0x93: {  	s14 =	sld [smem:$0x13];
	(tm) =	ssettm $0x1  }
0x94: {  	s15 =	sld [smem:$0x3FFB];
	_ =	sdelay $0x3  }
0x95: {  	_ =	strace s15  }
0x96: {  	s1 =	sld [smem:$0x3FFC];
	_ =	sdelay $0x3  }
0x97: {  	_ =	strace s1  }
0x98: {  	s1 =	sld [smem:$0x3FFD];
	_ =	sdelay $0x3  }
0x99: {  	_ =	strace s1  }
0x9a: {  	_ =	strace $0x8FFFFFFF  }
0x9b: {  	s16 =	sld [smem:$0x3FDB];
	_ =	sdelay $0x1  }
0x9c: {  	s17 =	simm.s32 $_scs_section_size  }
0x9d: {  	s3 =	simm.s32 $_size__tile_overlayer_lowered;
	s4 =	simm.s32 $_tile_overlayer_lowered  }
0x9e: {  	s20 =	simm.s32 $0x1BFF;
	s19 =	sshll.u32 s4, $0x1;
	s1 =	sadd.s32 s17, s16  }
0x9f: {  	s5 =	simm.s32 $0x0;
	s18 =	sshll.u32 s3, $0x1;
	s3 =	sadd.s32 s19, s1  }
0xa0: {  	[timem:s5], [sflag:s20] =	dma.local [hbm:s3], s18  }
0xa1: {  	_ =	swait.ge [sflag:s20], s18  }
0xa2: {  	s2 =	ssub.s32 $0x0, s18;
	[sflag:s20] =	ssyncset.done $0x0  }
0xa3: {  	[sflag:s20] =	ssyncadd.s32 s2;
	_ =	sdelay $0x1  }
0xa4: {  	s21 =	simm.s32 $0x1B8B  }
0xa5: {  	_ =	swait.ge [sflag:s21], $0x1  }
0xa6: {  	[sflag:s21] =	ssyncset.done $0x0  }
0xa7: {  	s23 =	simm.s32 $0x1B8E;
	s22 =	sld [smem:$0x3FFE];
	[sflag:s21] =	ssyncadd.s32 $0xFFFFFFFF  }
0xa8: {  	s24 =	simm.s32 $execute0_lowered;
	[smem:$0x3FD2] =	sst s23  }
0xa9: {  	s3 =	sshll.u32 s24, $0x1;
	_ =	strace $0x80000046;
	[dreg:$0x1] =	wrdreg $0xFFFFFFFF  }
0xaa: {  	s25 =	simm.s32 $_size_execute0_lowered;
	s1 =	sadd.s32 s1, s3;
	[dreg:$0x0] =	wrdreg $0x0  }
0xab: {  	s3 =	sshll.u32 s25, $0x1;
	[dreg:$0x2] =	wrdreg s1  }
0xac: {  	[dreg:$0x3] =	wrdreg s3  }
0xad: {  	[dreg:$0x4] =	wrdreg $0xC0  }
0xae: {  	_ =	task [dreg:s5], $0x5FFFF  }
0xaf: {  	[dreg:$0x1] =	wrdreg $0xFFFFFFFF  }
0xb0: {  	[dreg:$0x0] =	wrdreg $0x60  }
0xb1: {  	[dreg:$0x2] =	wrdreg s22  }
0xb2: {  	[dreg:$0x3] =	wrdreg s14  }
0xb3: {  	[dreg:$0x4] =	wrdreg $0x9  }
0xb4: {  	_ =	task.clear_ibuf [dreg:s5], $0x5FFFF;
	_ =	strace $0x90000046  }
0xb5: {  	s26 =	simm.s32 $0x9;
	_ =	strace $0x80000048  }
0xb6: {  	_ =	swait.ge [sflag:s26], $0x1  }
0xb7: {  	[sflag:s26] =	ssyncadd.s32 $0xFFFFFFFF  }
0xb8: {  	_ =	strace $0x90000048  }
0xb9: {  	_ =	sfence  }
0xba: {  	s28 =	sld [smem:$0x0];
	_ =	sdelay $0x1  }
0xbb: {  	s29 =	srdreg.scid  }
0xbc: {  	s30 =	sshll.u32 s29, $0xD;
	s31 =	sshrl.u32 s29, $0x2  }
0xbd: {  	s2 =	sand.u32 $0x4000, s30;
	s1 =	sand.u32 $0x1, s29;
	s0 =	sadd.s32 s31, s28  }
0xbe: {  	s1 =	sor.u32 s2, s1;
	s0 =	sshll.u32 s0, $0x11  }
0xbf: {  	s0 =	sor.u32 s0, s1  }
0xc0: {  	s0 =	sadd.s32 $0x8F2B, s0  }
0xc1: {  	[sflag:s0] =	ssyncadd.remote.s32 $0x1  }
0xc2: {  	_ =	sfence.sel $0xFFFF  }
0xc3: {  	[dreg:$0x0] =	wrdreg $0xFFFFFFFF;
	(pc) =	sbr.abs _section_cstart, $3  }
0xc4: {  	[dreg:$0x1] =	wrdreg $0xFFFFFFFF  }
0xc5: {  	_ =	task.clear_ibuf [dreg:s5], $0x2FFFF;
	_ =	strace $0x9FFFFFFF  }
0xc6: {  	(tm) =	ssettm $0x7FFFFFFF  }
0xc7: {  	_ =	shalt  }
tec
execute0_lowered:
.L_overlay_start_1:
0x0: {  	(tag) =	ssettag $0x1  }
0x1: {  	s0 =	stileid.u32  }
0x2: {  	s1 =	smin.u32 s0, $0xE  }
0x3: {  	s1 =	sadd.s32 s0, s1  }
0x4: {  	s2 =	simm.s32 $0x190;
	p0 =	slt.u32 s0, $0xE;
	s1 =	smul.u32 $0xC8, s1  }
0x5: {  	s2 =	simm.s32 @!p0 $0xC8  }
0x6: {  	s2 =	sadd.s32 s2, s1  }
0x7: {  	s3 =	smin.u32 s2, $0x1770  }
0x8: {  	s7 =	ssub.s32 s3, s1  }
0x9: {  	p0 =	sgt.s32 s7, $0x0  }
0xa: {  	s7 =	simm.s32 @!p0 $0x0  }
0xb: {  	s31 =	sand.u32 $0xFFF8, s7  }
0xc: {  	s2 =	sshrl.u32 s31, $0x3  }
0xd: {  	s4 =	rddreg [dreg:$0x0];
	s2 =	smul.u32 $0x147B, s2  }
0xe: {  	s5 =	rddreg [dreg:$0x1]  }
0xf: {  	s6 =	simm.s32 $0x1;
	s10 =	simm.s32 $0x3;
	s8 =	sshrl.u32 s2, $0x11  }
0x10: {  	s13 =	simm.s32 $0x0;
	s12 =	simm.s32 $0x0;
	s9 =	smul.u32 $0xC8, s8  }
.Ltmp0:
0x11: {  	s11 =	smov.u32 s1;
	s2 =	rddreg [dreg:$0x2];
	(pc) =	sbr.rel .LBB2_1-.Ltmp0, $4  }
0x12: {  	_ =	strace $0x80000047;
	p0 =	sne.s32 s7, s9;
	s9 =	simm.s32 $0x1  }
0x13: {  	[sflag:s6] =	ssyncpa.u1 $0x0;
	s7 =	simm.s32 $0x2;
	s9 =	simm.s32 @!p0 $0x0  }
0x14: {  	[sflag:s7] =	ssyncpa.u1 $0x0;
	p0 =	por $0x0, $0x0;
	s8 =	sadd.s32 s8, s9  }
0x15: {  	vm0 =	vmmov $0xff;
	vm1 =	vcmask $0x3F20;
	s9 =	sadd.s32 $0xAFE00, s4;
	[sflag:s10] =	ssyncpa.u1 $0x0;
	s10 =	sadd.s32 $0x1, s8  }
.LBB2_6:
0x16: {  	[hbm:s17] =	stream.linear.scatter [tilespmem:s14], [sflag:$0x3], $0x400, $0x38;
	[tilespmem:$0xC990] =	vst v63  }
.LBB2_7:
0x17: {  	s13 =	sadd.s32 $0xC8, s11  }
0x18: {  	s15 =	smov.u32 s1;
	p2 =	slt.s32 s13, s3  }
0x19: {  	s15 =	smov.u32 @p2 s13;
	p2 =	sne.s32 s12, s10  }
.Ltmp1:
0x1a: {  	p1 =	slt.u32 s12, $0x2;
	(pc) =	sbr.rel @!p2 .LBB2_8-.Ltmp1, $4  }
0x1b: {  	s14 =	simm.s32 @!p1 $0x3  }
0x1c: {  	s16 =	sadd.s32 $0x1, s12;
	_ =	swait.ge @!p1 [sflag:s14], $0x6400  }
0x1d: {  	p0 =	por !p0, !p0;
	s13 =	smov.u32 s11;
	[sflag:s14] =	ssyncset.done @!p1 $0x0  }
0x1e: {  	s12 =	smov.u32 s16;
	s11 =	smov.u32 s15;
	[sflag:s14] =	ssyncadd.s32 @!p1 $0xFFFF9C00  }
.LBB2_1:
0x1f: {  	p1 =	sge.u32 s12, s8  }
0x20: {  	s14 =	sxor.u32 @!p1 $0xFFFFFFFF, s12  }
0x21: {  	s14 =	sand.u32 @!p1 $0x1, s14  }
0x22: {  	s14 =	smul.u32 @!p1 $0x320, s14  }
0x23: {  	s31 =	sadd.s32 $0xFFFFFFFF, s12;
	s15 =	sshrl.u32 @!p1 s11, $0x3  }
0x24: {  	s16 =	sand.u32 @!p1 $0x7, s11;
	s15 =	sadd.s32 @!p1 s5, s15;
	s14 =	sshrl.u32 @!p1 s14, $0x2  }
0x25: {  	[tilespmem:s14], [sflag:$0x2] =	stream.linear.gather @!p1 [hbm4b:s15+s16], $0xC8, $0x38;
	[tilespmem:$0xC990] =	vst v63  }
0x26: {  	p1 =	sge.u32 s31, s8  }
.Ltmp2:
0x27: {  	_ = 	snop;
	(pc) =	sbr.rel @p1 .LBB2_7-.Ltmp2, $1  }
0x28: {  	_ =	sdelay $0x3  }
0x29: {  	s14 =	simm.s32 $0x1  }
0x2a: {  	s14 =	simm.s32 @!p0 $0x0  }
0x2b: {  	s15 =	smul.u32 $0x320, s14  }
0x2c: {  	_ =	swait.ge [sflag:s7], $0xC8  }
0x2d: {  	[sflag:s7] =	ssyncset.done $0x0;
	s17 =	sshrl.u32 s15, $0x2  }
0x2e: {  	[sflag:s7] =	ssyncadd.s32 $0xFFFFFF38;
	s15 =	sadd.s32 $0x0, s17  }
0x2f: {  	v0 =	vld.msk [tilespmem:s15+$0x0 ss:$0x1], $0xffff;
	_ =	sdelay $0x4  }
0x30: {  	vm2 =	veq.s32 v0, $0x80000000;
	v1 =	vand.u32 $0x1, v0;
	v0 =	vshll.u32 v0, $0x7  }
0x31: {  	v1 =	vsel vm2, $0xFFFFFFFF, v1;
	v0 =	vand.u32 $0x7FFF00, v0  }
0x32: {  	v0 =	vsel vm2, $0xFFFFFF00, v0;
	v2 =	vand.u32 $0xFFFFFF00, v1;
	v1 =	vshll.u32 v1, $0x7  }
0x33: {  	v0 =	vadd.s32 v2, v0;
	v1 =	vand.u32 $0x80, v1  }
0x34: {  	v0 =	vor.u32 v1, v0  }
0x35: {  	v0 =	vshrl.u32 v0, $0x3  }
0x36: {  	s14 =	smul.u32 $0x19000, s14  }
0x37: {  	s31 =	sand.u32 $0x1, s12  }
0x38: {  	s16 =	smul.u32 $0x320, s31;
	s14 =	sshrl.u32 s14, $0x2  }
0x39: {  	s19 =	smul.u32 $0x19000, s31;
	s14 =	sor.u32 $0x190, s14  }
0x3a: {  	[tilespmem:s14], [sflag:$0x1] =	stream.indirect_vreg.gather [hbm:s4], $0x80, v0, vm0, $0x38;
	[tilespmem:$0xC990] =	vst v63  }
0x3b: {  	s18 =	sshrl.u32 s16, $0x2;
	s20 =	sadd.s32 $0x10, s17;
	s15 =	sadd.s32 $0x400, s14  }
0x3c: {  	[tilespmem:s15], [sflag:$0x1] =	stream.indirect_vreg.gather [hbm:s4], $0x80, v0, vm1, $0x38;
	[tilespmem:$0xC990] =	vst v63  }
0x3d: {  	s16 =	sshrl.u32 s19, $0x2;
	s19 =	smov.u32 s14;
	v0 =	vld.msk [tilespmem:s20+$0x0 ss:$0x1], $0xffff;
	s20 =	simm.s32 $0x80  }
.LBB2_3:
0x3e: {  	p1 =	sne.s32 s20, $0x2C0;
	_ =	sdelay $0x4  }
0x3f: {  	vm2 =	veq.s32 v0, $0x80000000;
	v1 =	vand.u32 $0x1, v0;
	v0 =	vshll.u32 v0, $0x7  }
0x40: {  	v1 =	vsel vm2, $0xFFFFFFFF, v1;
	v0 =	vand.u32 $0x7FFF00, v0  }
0x41: {  	v0 =	vsel vm2, $0xFFFFFF00, v0;
	v2 =	vand.u32 $0xFFFFFF00, v1;
	v1 =	vshll.u32 v1, $0x7  }
0x42: {  	v0 =	vadd.s32 v2, v0;
	v1 =	vand.u32 $0x80, v1  }
0x43: {  	v0 =	vor.u32 v1, v0  }
0x44: {  	v0 =	vshrl.u32 v0, $0x3;
	_ =	sdelay $0x3  }
.Ltmp3:
0x45: {  	s21 =	sshra.s32 s20, $0x2;
	s19 =	sadd.s32 $0x800, s19;
	(pc) =	sbr.rel @p1 .LBB2_3-.Ltmp3, $4  }
0x46: {  	[tilespmem:s19], [sflag:$0x1] =	stream.indirect_vreg.gather [hbm:s4], $0x80, v0, vm0, $0x38;
	[tilespmem:$0xC990] =	vst v63  }
0x47: {  	s21 =	sadd.s32 s21, s17;
	s22 =	sadd.s32 $0x400, s19  }
0x48: {  	[tilespmem:s22], [sflag:$0x1] =	stream.indirect_vreg.gather [hbm:s4], $0x80, v0, vm1, $0x38;
	[tilespmem:$0xC990] =	vst v63  }
0x49: {  	s20 =	sadd.s32 $0x40, s20;
	v0 =	vld.msk [tilespmem:s21+$0x0 ss:$0x1], $0xffff  }
0x4a: {  	_ =	sdelay $0x3  }
0x4b: {  	vm2 =	veq.s32 v0, $0x80000000;
	v1 =	vand.u32 $0x1, v0;
	v61 =	vshll.u32 v0, $0x7  }
0x4c: {  	v1 =	vsel vm2, $0xFFFFFFFF, v1;
	v0 =	vand.u32 $0x7FFF00, v61  }
0x4d: {  	v0 =	vsel vm2, $0xFFFFFF00, v0;
	v2 =	vand.u32 $0xFFFFFF00, v1;
	v1 =	vshll.u32 v1, $0x7  }
0x4e: {  	v0 =	vadd.s32 v2, v0;
	v1 =	vand.u32 $0x80, v1  }
0x4f: {  	v0 =	vor.u32 v1, v0  }
0x50: {  	v0 =	vshrl.u32 v0, $0x3;
	_ =	sdelay $0x3  }
0x51: {  	s17 =	sadd.s32 $0x800, s19  }
0x52: {  	[tilespmem:s17], [sflag:$0x1] =	stream.indirect_vreg.gather [hbm:s4], $0x80, v0, vm0, $0x38;
	[tilespmem:$0xC990] =	vst v63  }
0x53: {  	s17 =	sadd.s32 $0x400, s17  }
0x54: {  	[tilespmem:s17], [sflag:$0x1] =	stream.indirect_vreg.gather [hbm:s4], $0x80, v0, vm1, $0x38;
	[tilespmem:$0xC990] =	vst v63  }
0x55: {  	v0 =	vld.msk [tilespmem:s18+$0xC0 ss:$0x1], $0xff;
	_ =	sdelay $0x4  }
0x56: {  	vm2 =	veq.s32 v0, $0x80000000;
	v62 =	vand.u32 $0x1, v0;
	v0 =	vshll.u32 v0, $0x7  }
0x57: {  	v1 =	vsel vm2, $0xFFFFFFFF, v62;
	v0 =	vand.u32 $0x7FFF00, v0  }
0x58: {  	v0 =	vsel vm2, $0xFFFFFF00, v0;
	v63 =	vand.u32 $0xFFFFFF00, v1;
	v1 =	vshll.u32 v1, $0x7  }
0x59: {  	v0 =	vadd.s32 v63, v0;
	v1 =	vand.u32 $0x80, v1  }
0x5a: {  	v0 =	vor.u32 v1, v0  }
0x5b: {  	v0 =	vshrl.u32 v0, $0x3;
	_ =	sdelay $0x3  }
0x5c: {  	s16 =	sadd.s32 $0x6190, s16  }
0x5d: {  	[tilespmem:s16], [sflag:$0x1] =	stream.indirect_vreg.gather [hbm:s4], $0x80, v0, vm0, $0x38;
	[tilespmem:$0xC990] =	vst v63  }
0x5e: {  	s13 =	sshll.u32 s13, $0x4;
	_ =	swait.ge [sflag:s6], $0x6400  }
0x5f: {  	s13 =	sadd.s32 s13, s9;
	[sflag:s6] =	ssyncset.done $0x0  }
0x60: {  	s17 =	sadd.s32 $0x0, s13;
	s16 =	simm.s32 $0x80;
	[sflag:s6] =	ssyncadd.s32 $0xFFFF9C00  }
.LBB2_5:
0x61: {  	[hbm:s17] =	stream.linear.scatter [tilespmem:s14], [sflag:$0x3], $0x400, $0x38;
	[tilespmem:$0xC990] =	vst v63  }
0x62: {  	s17 =	smov.u32 s16;
	s14 =	smov.u32 s15;
	p1 =	sne.s32 s16, $0xC00  }
.Ltmp4:
0x63: {  	s16 =	sadd.s32 $0x80, s16;
	(pc) =	sbr.rel @p1 .LBB2_5-.Ltmp4, $2  }
0x64: {  	_ =	sdelay $0x2  }
0x65: {  	s15 =	sadd.s32 $0x400, s15;
	s17 =	sadd.s32 s17, s13  }
.Ltmp5:
0x66: {  	_ = 	snop;
	(pc) =	sbr.rel .LBB2_6-.Ltmp5, $1  }
0x67: {  	_ =	sdelay $0x3  }
.LBB2_8:
0x68: {  	_ =	sfence.sel $0x180000  }
0x69: {  	s1 =	simm.s32 $0x2;
	[bflag:$0x0] =	sbarrier.arrive $0xFFFF  }
0x6a: {  	s30 =	simm.s32 $0x3;
	[sflag:s1] =	ssyncpa.u1 $0x1  }
0x6b: {  	s31 =	simm.s32 $0x1;
	[sflag:s30] =	ssyncpa.u1 $0x1  }
0x6c: {  	[sflag:s31] =	ssyncpa.u1 $0x1  }
0x6d: {  	p0 =	sne.s32 s0, $0x0;
	_ =	strace $0x90000047  }
0x6e: {  	s0 =	sadd.s32 @!p0 $0x100000, s2;
	[bflag:$0x2] =	sbarrier.arrive $0xFFFF  }
0x6f: {  	[sflag:s0] =	ssyncadd.tile.s32 @!p0 $0x1;
	_ =	shalt  }
.Lfunc_end2:
_tile_overlayer_lowered:
.L_overlay_start_2:
0x70: {  	(tag) =	ssettag $0x2  }
0x71: {  	s0 =	rddreg [dreg:$0x0];
	s2 =	stileid.u32  }
0x72: {  	s1 =	rddreg [dreg:$0x1];
	p0 =	sne.s32 s2, $0x0  }
0x73: {  	s3 =	rddreg [dreg:$0x2];
	[bflag:$0x3] =	sbarrier.arrive $0xFFFF;
	s2 =	simm.s32 @!p0 $0x1C01  }
0x74: {  	[timem:s3], [sflag:s2] =	dma.local @!p0 [hbm:s0], s1  }
0x75: {  	s0 =	simm.s32 @!p0 $0x1  }
0x76: {  	_ =	swait.ge @!p0 [sflag:s0], s1  }
0x77: {  	s1 =	ssub.s32 @!p0 $0x0, s1;
	[sflag:s0] =	ssyncset.done @!p0 $0x0  }
0x78: {  	[sflag:s0] =	ssyncadd.s32 @!p0 s1  }
0x79: {  	[bflag:$0x3] =	sbarrier.arrive $0xFFFF  }
0x7a: {  	_ =	shalt  }

</sc_bundles>
